<compile_context>
chip_gen: v7x
topology: tpu7x:2x2x1
jax: 0.10.2.dev20260603
libtpu: 0.0.44.dev20260713+nightly
codegen_flags: <defaults>
</compile_context>

<pallas_src>
import functools

import jax
import jax.numpy as jnp
from jax import lax
from jax.experimental import pallas as pl
from jax.experimental.pallas import tpu as pltpu
from jax.experimental.pallas import tpu_sc as plsc

_LOG2 = 0.6931471805599453
_NC = 2
_NS = 16
_C = 40
_IB = 10
_NPAD = 10240


def _ssp(v):
    return jnp.maximum(v, 0.0) + jnp.log1p(jnp.exp(-jnp.abs(v))) - _LOG2



def _h_body(x_ref, w_ref, o_ref):
    o_ref[...] = jnp.dot(x_ref[...], w_ref[...],
                         preferred_element_type=jnp.float32)


def _wij_body(f_ref, rc_ref, wf1_ref, bf1_ref, wf2_ref, bf2_ref, o_ref):
    t = jnp.dot(f_ref[...], wf1_ref[...],
                preferred_element_type=jnp.float32) + bf1_ref[...]
    t = _ssp(t)
    t = jnp.dot(t.astype(jnp.bfloat16), wf2_ref[...],
                preferred_element_type=jnp.float32) + bf2_ref[...]
    eb, d = t.shape
    t3 = t.reshape(eb // 8, 8, d)
    rcb = lax.broadcast_in_dim(rc_ref[...], (eb // 8, 8, d), (0, 1))
    o_ref[...] = (t3 * rcb).reshape(eb, d)


def _out_body(n, p_ref, wo1_ref, bo1_ref, wo2_ref, bo2_ref, o_ref):
    agg = p_ref[pl.ds(0, n), :] + p_ref[pl.ds(_NPAD, n), :]
    t = _ssp(jnp.dot(agg.astype(jnp.bfloat16), wo1_ref[...],
                     preferred_element_type=jnp.float32) + bo1_ref[...])
    o_ref[...] = jnp.dot(t.astype(jnp.bfloat16), wo2_ref[...],
                         preferred_element_type=jnp.float32) + bo2_ref[...]



def _sc_body(e, d, h_hbm, wij_hbm, idxi_hbm, idxj_hbm, out_hbm,
             idxi_v, idxj_v, rows_v, wijb_v, xij_v, agg_sh,
             gsems, wsems, ssems):
    c = lax.axis_index("c")
    s = lax.axis_index("s")
    wid = c * _NS + s

    ept = e // (_NC * _NS)
    nch = ept // _C
    rows_per_tile = _NPAD // _NS
    nslc = d // 16

    zvec = jnp.zeros((16,), jnp.float32)

    def _zfill(rr, carry):
        for t in range(nslc):
            xij_v[0, rr, pl.ds(t * 16, 16)] = zvec
        return carry
    lax.fori_loop(0, _C, _zfill, 0)
    for i in range(rows_per_tile // _C):
        pltpu.sync_copy(xij_v.at[0],
                        agg_sh.at[pl.ds(s * rows_per_tile + i * _C, _C)])
    plsc.subcore_barrier()

    ebase = wid * ept

    pltpu.sync_copy(idxi_hbm.at[wid, 0], idxi_v.at[0])
    pltpu.sync_copy(idxj_hbm.at[wid, 0], idxj_v.at[0])
    for sl in (0, 1):
        pltpu.async_copy(h_hbm.at[idxj_v.at[0, sl]], rows_v.at[sl],
                         gsems.at[sl])
        pltpu.async_copy(wij_hbm.at[pl.ds(ebase + sl * _C, _C)],
                         wijb_v.at[sl], wsems.at[sl])

    def _pair(i, carry):
        for sl in (0, 1):
            k = 2 * i + sl
            pltpu.make_async_copy(h_hbm.at[pl.ds(0, _C)], rows_v.at[sl],
                                  gsems.at[sl]).wait()
            pltpu.make_async_copy(wij_hbm.at[pl.ds(0, _C)], wijb_v.at[sl],
                                  wsems.at[sl]).wait()

            @pl.when(k >= 2)
            def _():
                pltpu.make_async_copy(xij_v.at[sl],
                                      agg_sh.at[pl.ds(0, _C)],
                                      ssems.at[sl]).wait()

            def _mul(ei, cc):
                for t in range(nslc):
                    slc = pl.ds(t * 16, 16)
                    xij_v[sl, ei, slc] = (rows_v[sl, ei, slc]
                                          * wijb_v[sl, ei, slc])
                return cc
            lax.fori_loop(0, _C, _mul, 0)

            kn = k + 2
            blkn = kn // _IB
            pbn = lax.rem(blkn, 2)
            krn = kn - blkn * _IB

            @pl.when(kn < nch)
            def _():
                @pl.when(krn == 0)
                def _():
                    pltpu.sync_copy(idxi_hbm.at[wid, blkn], idxi_v.at[pbn])
                    pltpu.sync_copy(idxj_hbm.at[wid, blkn], idxj_v.at[pbn])
                pltpu.async_copy(h_hbm.at[idxj_v.at[pbn, krn]],
                                 rows_v.at[sl], gsems.at[sl])
                pltpu.async_copy(wij_hbm.at[pl.ds(ebase + kn * _C, _C)],
                                 wijb_v.at[sl], wsems.at[sl])

            blk = k // _IB
            pb = lax.rem(blk, 2)
            krow = k - blk * _IB
            pltpu.async_copy(xij_v.at[sl], agg_sh.at[idxi_v.at[pb, krow]],
                             ssems.at[sl], add=True)
        return carry
    lax.fori_loop(0, nch // 2, _pair, 0)

    for sl in (0, 1):
        pltpu.make_async_copy(xij_v.at[sl], agg_sh.at[pl.ds(0, _C)],
                              ssems.at[sl]).wait()

    plsc.subcore_barrier()

    r0 = s * rows_per_tile
    pltpu.sync_copy(agg_sh.at[pl.ds(r0, rows_per_tile)],
                    out_hbm.at[pl.ds(c * _NPAD + r0, rows_per_tile)])


def kernel(x, f_ij, idx_i, idx_j, rcut_ij, W_in2f, Wf1, bf1, Wf2, bf2,
           Wo1, bo1, Wo2, bo2):
    n, d = x.shape
    e, r = f_ij.shape
    f = Wf2.shape[1]
    nw = _NC * _NS
    assert (e % (nw * _C * _IB) == 0 and (e // (nw * _C)) % 2 == 0
            and n <= _NPAD and d % 16 == 0)

    h = pl.pallas_call(
        _h_body,
        out_shape=jax.ShapeDtypeStruct((n, f), jnp.float32),
    )(x.astype(jnp.bfloat16), W_in2f.astype(jnp.bfloat16))

    eb = 16000
    wij = pl.pallas_call(
        _wij_body,
        grid=(e // eb,),
        in_specs=[
            pl.BlockSpec((eb, r), lambda i: (i, 0)),
            pl.BlockSpec((eb // 8, 8), lambda i: (i, 0)),
            pl.BlockSpec((r, f), lambda i: (0, 0)),
            pl.BlockSpec((1, f), lambda i: (0, 0)),
            pl.BlockSpec((f, f), lambda i: (0, 0)),
            pl.BlockSpec((1, f), lambda i: (0, 0)),
        ],
        out_specs=pl.BlockSpec((eb, f), lambda i: (i, 0)),
        out_shape=jax.ShapeDtypeStruct((e, f), jnp.float32),
    )(f_ij.astype(jnp.bfloat16), rcut_ij.reshape(e // 8, 8),
      Wf1.astype(jnp.bfloat16), bf1.reshape(1, f),
      Wf2.astype(jnp.bfloat16), bf2.reshape(1, f))

    mesh = plsc.VectorSubcoreMesh(core_axis_name="c", subcore_axis_name="s",
                                  num_cores=_NC, num_subcores=_NS)
    nch = e // (nw * _C)
    nblk = nch // _IB
    sc = pl.kernel(
        functools.partial(_sc_body, e, f),
        out_type=jax.ShapeDtypeStruct((_NC * _NPAD, f), jnp.float32),
        mesh=mesh,
        scratch_types=[
            pltpu.VMEM((2, _IB, _C), jnp.int32),
            pltpu.VMEM((2, _IB, _C), jnp.int32),
            pltpu.VMEM((2, _C, f), jnp.float32),
            pltpu.VMEM((2, _C, f), jnp.float32),
            pltpu.VMEM((2, _C, f), jnp.float32),
            pltpu.VMEM_SHARED((_NPAD, f), jnp.float32),
            pltpu.SemaphoreType.DMA((2,)),
            pltpu.SemaphoreType.DMA((2,)),
            pltpu.SemaphoreType.DMA((2,)),
        ],
    )
    partials = sc(h, wij,
                  idx_i.astype(jnp.int32).reshape(nw, nblk, _IB, _C),
                  idx_j.astype(jnp.int32).reshape(nw, nblk, _IB, _C))

    out = pl.pallas_call(
        functools.partial(_out_body, n),
        out_shape=jax.ShapeDtypeStruct((n, d), jnp.float32),
    )(partials, Wo1.astype(jnp.bfloat16), bo1.reshape(1, d),
      Wo2.astype(jnp.bfloat16), bo2.reshape(1, d))
    return out

# --- scband reference (transcript-rebuilt; emitter-appended) ---
"""Pipeline reference for scband-sch-net-19018115186811 (READ-ONLY COPY).

The authoritative reference and input builder live on the scoring server;
editing this copy changes nothing except your own understanding.
"""

import jax, jax.numpy as jnp
import numpy as np


def shifted_softplus(x):
    return jax.nn.softplus(x) - jnp.log(2.0)


def setup_inputs(seed: int = 0) -> dict:
    key = jax.random.key(seed)
    ks = jax.random.split(key, 14)
    N, E = 10000, 320000
    D = 128   # n_atom_basis
    R = 32    # n_rbf
    F = 128   # n_filters
    inp = {}
    inp["x"] = jax.random.normal(ks[0], (N, D), dtype=jnp.float32)
    inp["f_ij"] = jax.random.normal(ks[1], (E, R), dtype=jnp.float32)
    inp["idx_i"] = jax.random.randint(ks[2], (E,), 0, N)
    inp["idx_j"] = jax.random.randint(ks[3], (E,), 0, N)
    inp["rcut_ij"] = jax.random.uniform(ks[4], (E,), dtype=jnp.float32)
    # learned parameters (SchNetInteraction)
    inp["W_in2f"] = jax.random.normal(ks[5], (D, F), dtype=jnp.float32) / np.sqrt(D)   # in2f: Dense(D, F, bias=False)
    inp["Wf1"] = jax.random.normal(ks[6], (R, F), dtype=jnp.float32) / np.sqrt(R)      # filter_network[0]
    inp["bf1"] = jnp.zeros((F,), dtype=jnp.float32)
    inp["Wf2"] = jax.random.normal(ks[7], (F, F), dtype=jnp.float32) / np.sqrt(F)      # filter_network[1]
    inp["bf2"] = jnp.zeros((F,), dtype=jnp.float32)
    inp["Wo1"] = jax.random.normal(ks[8], (F, D), dtype=jnp.float32) / np.sqrt(F)      # f2out[0]
    inp["bo1"] = jnp.zeros((D,), dtype=jnp.float32)
    inp["Wo2"] = jax.random.normal(ks[9], (D, D), dtype=jnp.float32) / np.sqrt(D)      # f2out[1]
    inp["bo2"] = jnp.zeros((D,), dtype=jnp.float32)
    return inp


def reference(x, f_ij, idx_i, idx_j, rcut_ij, W_in2f, Wf1, bf1, Wf2, bf2, Wo1, bo1, Wo2, bo2):
    # x = self.in2f(x)  (Dense, no bias, no activation)
    h = x @ W_in2f
    # Wij = self.filter_network(f_ij)
    Wij = shifted_softplus(f_ij @ Wf1 + bf1) @ Wf2 + bf2
    # Wij = Wij * rcut_ij[:, None]
    Wij = Wij * rcut_ij[:, None]
    # x_j = x[idx_j]; x_ij = x_j * Wij  (continuous-filter convolution)
    x_j = jnp.take(h, idx_j, axis=0)
    x_ij = x_j * Wij
    # scatter_add over center atoms
    agg = jax.ops.segment_sum(x_ij, idx_i, num_segments=h.shape[0])
    # x = self.f2out(agg)
    out = shifted_softplus(agg @ Wo1 + bo1) @ Wo2 + bo2
    return out

if __name__ == "__main__":
    import jax
    _d = setup_inputs()
    print(jax.jit(kernel)(*tuple(_d.values())))

</pallas_src>

<mosaic_0001>
#map = affine_map<(d0, d1) -> (0, 0)>
#map1 = affine_map<(d0, d1) -> (0, 0, 0, 0)>
module attributes {stable_mosaic.version = 14 : i64} {
  func.func @_sc_body(%arg0: i32, %arg1: i32, %arg2: memref<10000x128xf32, #tpu.memory_space<hbm>>, %arg3: memref<320000x128xf32, #tpu.memory_space<hbm>>, %arg4: memref<32x25x10x40xi32, #tpu.memory_space<hbm>>, %arg5: memref<32x25x10x40xi32, #tpu.memory_space<hbm>>, %arg6: memref<20480x128xf32, #tpu.memory_space<hbm>>, %arg7: memref<2x10x40xi32, #tpu.memory_space<vmem>>, %arg8: memref<2x10x40xi32, #tpu.memory_space<vmem>>, %arg9: memref<2x40x128xf32, #tpu.memory_space<vmem>>, %arg10: memref<2x40x128xf32, #tpu.memory_space<vmem>>, %arg11: memref<2x40x128xf32, #tpu.memory_space<vmem>>, %arg12: memref<10240x128xf32, #tpu.memory_space<vmem_shared>>, %arg13: memref<2x!tpu.dma_semaphore, #tpu.memory_space<semaphore_mem>>, %arg14: memref<2x!tpu.dma_semaphore, #tpu.memory_space<semaphore_mem>>, %arg15: memref<2x!tpu.dma_semaphore, #tpu.memory_space<semaphore_mem>>) attributes {dimension_semantics = [#tpu.dimension_semantics<core_parallel>, #tpu.dimension_semantics<subcore_parallel>], iteration_bounds = array<i64: 2, 16>, scalar_prefetch = 0 : i64, scratch_operands = 9 : i64, tpu.core_type = #tpu.core_type<sc_vector_subcore>, window_params = [{transform_indices = #map}, {transform_indices = #map}, {transform_indices = #map1}, {transform_indices = #map1}, {transform_indices = #map}]} {
    %mul3A = arith.constant 16 : i32
    %mul3A_0 = arith.muli %arg0, %mul3A : i32
    %add3A = arith.addi %mul3A_0, %arg1 : i32
    %broadcast_in_dim3A = arith.constant 0.000000e+00 : f32
    %broadcast_in_dim3A_1 = vector.broadcast %broadcast_in_dim3A : f32 to vector<16xf32>
    %scan3A = arith.constant 0 : i32
    %scan3A_2 = arith.constant 0 : i32
    %scan3A_3 = arith.constant 40 : i32
    %scan3A_4 = arith.addi %scan3A_2, %scan3A_3 : i32
    %scan3A_5 = arith.constant 1 : i32
    scf.for %scan3A_206 = %scan3A_2 to %scan3A_4 step %scan3A_5  : i32 {
      %swap3A = arith.constant 0 : i32
      %swap3A_207 = arith.index_cast %swap3A : i32 to index
      %swap3A_208 = arith.index_cast %scan3A_206 : i32 to index
      %swap3A_209 = arith.constant 0 : index
      %swap3A_210 = tpu.vector_load %arg11[%swap3A_207, %swap3A_208, %swap3A_209] {strides = array<i32>} : memref<2x40x128xf32, #tpu.memory_space<vmem>>, vector<1x1x16xf32>,
      %swap3A_211 = vector.shape_cast %swap3A_210 : vector<1x1x16xf32> to vector<16xf32>
      %swap3A_212 = vector.shape_cast %broadcast_in_dim3A_1 : vector<16xf32> to vector<1x1x16xf32>
      tpu.vector_store %arg11[%swap3A_207, %swap3A_208, %swap3A_209], %swap3A_212 {strides = array<i32>} : memref<2x40x128xf32, #tpu.memory_space<vmem>>, vector<1x1x16xf32>,
      %swap3A_213 = arith.constant 0 : i32
      %swap3A_214 = arith.index_cast %swap3A_213 : i32 to index
      %swap3A_215 = arith.index_cast %scan3A_206 : i32 to index
      %swap3A_216 = arith.constant 16 : index
      %swap3A_217 = tpu.vector_load %arg11[%swap3A_214, %swap3A_215, %swap3A_216] {strides = array<i32>} : memref<2x40x128xf32, #tpu.memory_space<vmem>>, vector<1x1x16xf32>,
      %swap3A_218 = vector.shape_cast %swap3A_217 : vector<1x1x16xf32> to vector<16xf32>
      %swap3A_219 = vector.shape_cast %broadcast_in_dim3A_1 : vector<16xf32> to vector<1x1x16xf32>
      tpu.vector_store %arg11[%swap3A_214, %swap3A_215, %swap3A_216], %swap3A_219 {strides = array<i32>} : memref<2x40x128xf32, #tpu.memory_space<vmem>>, vector<1x1x16xf32>,
      %swap3A_220 = arith.constant 0 : i32
      %swap3A_221 = arith.index_cast %swap3A_220 : i32 to index
      %swap3A_222 = arith.index_cast %scan3A_206 : i32 to index
      %swap3A_223 = arith.constant 32 : index
      %swap3A_224 = tpu.vector_load %arg11[%swap3A_221, %swap3A_222, %swap3A_223] {strides = array<i32>} : memref<2x40x128xf32, #tpu.memory_space<vmem>>, vector<1x1x16xf32>,
      %swap3A_225 = vector.shape_cast %swap3A_224 : vector<1x1x16xf32> to vector<16xf32>
      %swap3A_226 = vector.shape_cast %broadcast_in_dim3A_1 : vector<16xf32> to vector<1x1x16xf32>
      tpu.vector_store %arg11[%swap3A_221, %swap3A_222, %swap3A_223], %swap3A_226 {strides = array<i32>} : memref<2x40x128xf32, #tpu.memory_space<vmem>>, vector<1x1x16xf32>,
      %swap3A_227 = arith.constant 0 : i32
      %swap3A_228 = arith.index_cast %swap3A_227 : i32 to index
      %swap3A_229 = arith.index_cast %scan3A_206 : i32 to index
      %swap3A_230 = arith.constant 48 : index
      %swap3A_231 = tpu.vector_load %arg11[%swap3A_228, %swap3A_229, %swap3A_230] {strides = array<i32>} : memref<2x40x128xf32, #tpu.memory_space<vmem>>, vector<1x1x16xf32>,
      %swap3A_232 = vector.shape_cast %swap3A_231 : vector<1x1x16xf32> to vector<16xf32>
      %swap3A_233 = vector.shape_cast %broadcast_in_dim3A_1 : vector<16xf32> to vector<1x1x16xf32>
      tpu.vector_store %arg11[%swap3A_228, %swap3A_229, %swap3A_230], %swap3A_233 {strides = array<i32>} : memref<2x40x128xf32, #tpu.memory_space<vmem>>, vector<1x1x16xf32>,
      %swap3A_234 = arith.constant 0 : i32
      %swap3A_235 = arith.index_cast %swap3A_234 : i32 to index
      %swap3A_236 = arith.index_cast %scan3A_206 : i32 to index
      %swap3A_237 = arith.constant 64 : index
      %swap3A_238 = tpu.vector_load %arg11[%swap3A_235, %swap3A_236, %swap3A_237] {strides = array<i32>} : memref<2x40x128xf32, #tpu.memory_space<vmem>>, vector<1x1x16xf32>,
      %swap3A_239 = vector.shape_cast %swap3A_238 : vector<1x1x16xf32> to vector<16xf32>
      %swap3A_240 = vector.shape_cast %broadcast_in_dim3A_1 : vector<16xf32> to vector<1x1x16xf32>
      tpu.vector_store %arg11[%swap3A_235, %swap3A_236, %swap3A_237], %swap3A_240 {strides = array<i32>} : memref<2x40x128xf32, #tpu.memory_space<vmem>>, vector<1x1x16xf32>,
      %swap3A_241 = arith.constant 0 : i32
      %swap3A_242 = arith.index_cast %swap3A_241 : i32 to index
      %swap3A_243 = arith.index_cast %scan3A_206 : i32 to index
      %swap3A_244 = arith.constant 80 : index
      %swap3A_245 = tpu.vector_load %arg11[%swap3A_242, %swap3A_243, %swap3A_244] {strides = array<i32>} : memref<2x40x128xf32, #tpu.memory_space<vmem>>, vector<1x1x16xf32>,
      %swap3A_246 = vector.shape_cast %swap3A_245 : vector<1x1x16xf32> to vector<16xf32>
      %swap3A_247 = vector.shape_cast %broadcast_in_dim3A_1 : vector<16xf32> to vector<1x1x16xf32>
      tpu.vector_store %arg11[%swap3A_242, %swap3A_243, %swap3A_244], %swap3A_247 {strides = array<i32>} : memref<2x40x128xf32, #tpu.memory_space<vmem>>, vector<1x1x16xf32>,
      %swap3A_248 = arith.constant 0 : i32
      %swap3A_249 = arith.index_cast %swap3A_248 : i32 to index
      %swap3A_250 = arith.index_cast %scan3A_206 : i32 to index
      %swap3A_251 = arith.constant 96 : index
      %swap3A_252 = tpu.vector_load %arg11[%swap3A_249, %swap3A_250, %swap3A_251] {strides = array<i32>} : memref<2x40x128xf32, #tpu.memory_space<vmem>>, vector<1x1x16xf32>,
      %swap3A_253 = vector.shape_cast %swap3A_252 : vector<1x1x16xf32> to vector<16xf32>
      %swap3A_254 = vector.shape_cast %broadcast_in_dim3A_1 : vector<16xf32> to vector<1x1x16xf32>
      tpu.vector_store %arg11[%swap3A_249, %swap3A_250, %swap3A_251], %swap3A_254 {strides = array<i32>} : memref<2x40x128xf32, #tpu.memory_space<vmem>>, vector<1x1x16xf32>,
      %swap3A_255 = arith.constant 0 : i32
      %swap3A_256 = arith.index_cast %swap3A_255 : i32 to index
      %swap3A_257 = arith.index_cast %scan3A_206 : i32 to index
      %swap3A_258 = arith.constant 112 : index
      %swap3A_259 = tpu.vector_load %arg11[%swap3A_256, %swap3A_257, %swap3A_258] {strides = array<i32>} : memref<2x40x128xf32, #tpu.memory_space<vmem>>, vector<1x1x16xf32>,
      %swap3A_260 = vector.shape_cast %swap3A_259 : vector<1x1x16xf32> to vector<16xf32>
      %swap3A_261 = vector.shape_cast %broadcast_in_dim3A_1 : vector<16xf32> to vector<1x1x16xf32>
      tpu.vector_store %arg11[%swap3A_256, %swap3A_257, %swap3A_258], %swap3A_261 {strides = array<i32>} : memref<2x40x128xf32, #tpu.memory_space<vmem>>, vector<1x1x16xf32>,
    }
    %scan3A_6 = arith.constant 40 : i32
    %mul3A_7 = arith.constant 640 : i32
    %mul3A_8 = arith.muli %arg1, %mul3A_7 : i32
    %add3A_9 = arith.constant 0 : i32
    %add3A_10 = arith.addi %mul3A_8, %add3A_9 : i32
    %run_scoped3A = arith.constant 0 : i32
    "tpu.region"() ({
      %run_scoped3A_206 = tpu.sem_alloc : memref<!tpu.dma_semaphore, #tpu.memory_space<semaphore_mem>>
      %dma_start3A_207 = arith.constant 0 : i32
      %dma_start3A_208 = arith.constant 0 : i32
      %dma_start3A_209 = tpu.memref_slice %arg11[%run_scoped3A, %dma_start3A_207, %dma_start3A_208] : memref<2x40x128xf32, #tpu.memory_space<vmem>> -> memref<1x40x128xf32, #tpu.memory_space<vmem>>
      %dma_start3A_210 = tpu.memref_squeeze %dma_start3A_209 : memref<1x40x128xf32, #tpu.memory_space<vmem>> -> memref<40x128xf32, #tpu.memory_space<vmem>>
      %dma_start3A_211 = arith.constant 0 : i32
      %dma_start3A_212 = tpu.memref_slice %arg12[%add3A_10, %dma_start3A_211] : memref<10240x128xf32, #tpu.memory_space<vmem_shared>> -> memref<40x128xf32, #tpu.memory_space<vmem_shared>>
      %dma_start3A_213 = arith.constant 0 : i32
      %dma_start3A_214 = tpu.memref_slice %arg12[%add3A_10, %dma_start3A_213] : memref<10240x128xf32, #tpu.memory_space<vmem_shared>> -> memref<40x128xf32, #tpu.memory_space<vmem_shared>>
      %dma_start3A_215 = arith.constant 0 : i32
      %dma_start3A_216 = arith.constant 0 : i32
      %dma_start3A_217 = tpu.memref_slice %arg11[%run_scoped3A, %dma_start3A_215, %dma_start3A_216] : memref<2x40x128xf32, #tpu.memory_space<vmem>> -> memref<1x40x128xf32, #tpu.memory_space<vmem>>
      %dma_start3A_218 = tpu.memref_squeeze %dma_start3A_217 : memref<1x40x128xf32, #tpu.memory_space<vmem>> -> memref<40x128xf32, #tpu.memory_space<vmem>>
      tpu.enqueue_dma source(%dma_start3A_218 : memref<40x128xf32, #tpu.memory_space<vmem>>) target(%dma_start3A_214 : memref<40x128xf32, #tpu.memory_space<vmem_shared>>) target_semaphore(%run_scoped3A_206 : memref<!tpu.dma_semaphore, #tpu.memory_space<semaphore_mem>>)
      %dma_wait3A_219 = arith.constant 0 : i32
      %dma_wait3A_220 = arith.constant 0 : i32
      %dma_wait3A_221 = tpu.memref_slice %arg11[%run_scoped3A, %dma_wait3A_219, %dma_wait3A_220] : memref<2x40x128xf32, #tpu.memory_space<vmem>> -> memref<1x40x128xf32, #tpu.memory_space<vmem>>
      %dma_wait3A_222 = tpu.memref_squeeze %dma_wait3A_221 : memref<1x40x128xf32, #tpu.memory_space<vmem>> -> memref<40x128xf32, #tpu.memory_space<vmem>>
      %dma_wait3A_223 = arith.constant 0 : i32
      %dma_wait3A_224 = tpu.memref_slice %arg12[%add3A_10, %dma_wait3A_223] : memref<10240x128xf32, #tpu.memory_space<vmem_shared>> -> memref<40x128xf32, #tpu.memory_space<vmem_shared>>
      %dma_wait3A_225 = arith.constant 0 : i32
      %dma_wait3A_226 = tpu.memref_slice %arg12[%add3A_10, %dma_wait3A_225] : memref<10240x128xf32, #tpu.memory_space<vmem_shared>> -> memref<40x128xf32, #tpu.memory_space<vmem_shared>>
      %dma_wait3A_227 = arith.constant 0 : i32
      %dma_wait3A_228 = arith.constant 0 : i32
      %dma_wait3A_229 = tpu.memref_slice %arg11[%run_scoped3A, %dma_wait3A_227, %dma_wait3A_228] : memref<2x40x128xf32, #tpu.memory_space<vmem>> -> memref<1x40x128xf32, #tpu.memory_space<vmem>>
      %dma_wait3A_230 = tpu.memref_squeeze %dma_wait3A_229 : memref<1x40x128xf32, #tpu.memory_space<vmem>> -> memref<40x128xf32, #tpu.memory_space<vmem>>
      tpu.wait_dma2 semaphore(%run_scoped3A_206 : memref<!tpu.dma_semaphore, #tpu.memory_space<semaphore_mem>>) src(%dma_wait3A_230 : memref<40x128xf32, #tpu.memory_space<vmem>>) dst(%dma_wait3A_226 : memref<40x128xf32, #tpu.memory_space<vmem_shared>>)
      tpu.yield
    }) : () -> ()
    %mul3A_11 = arith.constant 640 : i32
    %mul3A_12 = arith.muli %arg1, %mul3A_11 : i32
    %add3A_13 = arith.constant 40 : i32
    %add3A_14 = arith.addi %mul3A_12, %add3A_13 : i32
    %run_scoped3A_15 = arith.constant 0 : i32
    "tpu.region"() ({
      %run_scoped3A_206 = tpu.sem_alloc : memref<!tpu.dma_semaphore, #tpu.memory_space<semaphore_mem>>
      %dma_start3A_207 = arith.constant 0 : i32
      %dma_start3A_208 = arith.constant 0 : i32
      %dma_start3A_209 = tpu.memref_slice %arg11[%run_scoped3A_15, %dma_start3A_207, %dma_start3A_208] : memref<2x40x128xf32, #tpu.memory_space<vmem>> -> memref<1x40x128xf32, #tpu.memory_space<vmem>>
      %dma_start3A_210 = tpu.memref_squeeze %dma_start3A_209 : memref<1x40x128xf32, #tpu.memory_space<vmem>> -> memref<40x128xf32, #tpu.memory_space<vmem>>
      %dma_start3A_211 = arith.constant 0 : i32
      %dma_start3A_212 = tpu.memref_slice %arg12[%add3A_14, %dma_start3A_211] : memref<10240x128xf32, #tpu.memory_space<vmem_shared>> -> memref<40x128xf32, #tpu.memory_space<vmem_shared>>
      %dma_start3A_213 = arith.constant 0 : i32
      %dma_start3A_214 = tpu.memref_slice %arg12[%add3A_14, %dma_start3A_213] : memref<10240x128xf32, #tpu.memory_space<vmem_shared>> -> memref<40x128xf32, #tpu.memory_space<vmem_shared>>
      %dma_start3A_215 = arith.constant 0 : i32
      %dma_start3A_216 = arith.constant 0 : i32
      %dma_start3A_217 = tpu.memref_slice %arg11[%run_scoped3A_15, %dma_start3A_215, %dma_start3A_216] : memref<2x40x128xf32, #tpu.memory_space<vmem>> -> memref<1x40x128xf32, #tpu.memory_space<vmem>>
      %dma_start3A_218 = tpu.memref_squeeze %dma_start3A_217 : memref<1x40x128xf32, #tpu.memory_space<vmem>> -> memref<40x128xf32, #tpu.memory_space<vmem>>
      tpu.enqueue_dma source(%dma_start3A_218 : memref<40x128xf32, #tpu.memory_space<vmem>>) target(%dma_start3A_214 : memref<40x128xf32, #tpu.memory_space<vmem_shared>>) target_semaphore(%run_scoped3A_206 : memref<!tpu.dma_semaphore, #tpu.memory_space<semaphore_mem>>)
      %dma_wait3A_219 = arith.constant 0 : i32
      %dma_wait3A_220 = arith.constant 0 : i32
      %dma_wait3A_221 = tpu.memref_slice %arg11[%run_scoped3A_15, %dma_wait3A_219, %dma_wait3A_220] : memref<2x40x128xf32, #tpu.memory_space<vmem>> -> memref<1x40x128xf32, #tpu.memory_space<vmem>>
      %dma_wait3A_222 = tpu.memref_squeeze %dma_wait3A_221 : memref<1x40x128xf32, #tpu.memory_space<vmem>> -> memref<40x128xf32, #tpu.memory_space<vmem>>
      %dma_wait3A_223 = arith.constant 0 : i32
      %dma_wait3A_224 = tpu.memref_slice %arg12[%add3A_14, %dma_wait3A_223] : memref<10240x128xf32, #tpu.memory_space<vmem_shared>> -> memref<40x128xf32, #tpu.memory_space<vmem_shared>>
      %dma_wait3A_225 = arith.constant 0 : i32
      %dma_wait3A_226 = tpu.memref_slice %arg12[%add3A_14, %dma_wait3A_225] : memref<10240x128xf32, #tpu.memory_space<vmem_shared>> -> memref<40x128xf32, #tpu.memory_space<vmem_shared>>
      %dma_wait3A_227 = arith.constant 0 : i32
      %dma_wait3A_228 = arith.constant 0 : i32
      %dma_wait3A_229 = tpu.memref_slice %arg11[%run_scoped3A_15, %dma_wait3A_227, %dma_wait3A_228] : memref<2x40x128xf32, #tpu.memory_space<vmem>> -> memref<1x40x128xf32, #tpu.memory_space<vmem>>
      %dma_wait3A_230 = tpu.memref_squeeze %dma_wait3A_229 : memref<1x40x128xf32, #tpu.memory_space<vmem>> -> memref<40x128xf32, #tpu.memory_space<vmem>>
      tpu.wait_dma2 semaphore(%run_scoped3A_206 : memref<!tpu.dma_semaphore, #tpu.memory_space<semaphore_mem>>) src(%dma_wait3A_230 : memref<40x128xf32, #tpu.memory_space<vmem>>) dst(%dma_wait3A_226 : memref<40x128xf32, #tpu.memory_space<vmem_shared>>)
      tpu.yield
    }) : () -> ()
    %mul3A_16 = arith.constant 640 : i32
    %mul3A_17 = arith.muli %arg1, %mul3A_16 : i32
    %add3A_18 = arith.constant 80 : i32
    %add3A_19 = arith.addi %mul3A_17, %add3A_18 : i32
    %run_scoped3A_20 = arith.constant 0 : i32
    "tpu.region"() ({
      %run_scoped3A_206 = tpu.sem_alloc : memref<!tpu.dma_semaphore, #tpu.memory_space<semaphore_mem>>
      %dma_start3A_207 = arith.constant 0 : i32
      %dma_start3A_208 = arith.constant 0 : i32
      %dma_start3A_209 = tpu.memref_slice %arg11[%run_scoped3A_20, %dma_start3A_207, %dma_start3A_208] : memref<2x40x128xf32, #tpu.memory_space<vmem>> -> memref<1x40x128xf32, #tpu.memory_space<vmem>>
      %dma_start3A_210 = tpu.memref_squeeze %dma_start3A_209 : memref<1x40x128xf32, #tpu.memory_space<vmem>> -> memref<40x128xf32, #tpu.memory_space<vmem>>
      %dma_start3A_211 = arith.constant 0 : i32
      %dma_start3A_212 = tpu.memref_slice %arg12[%add3A_19, %dma_start3A_211] : memref<10240x128xf32, #tpu.memory_space<vmem_shared>> -> memref<40x128xf32, #tpu.memory_space<vmem_shared>>
      %dma_start3A_213 = arith.constant 0 : i32
      %dma_start3A_214 = tpu.memref_slice %arg12[%add3A_19, %dma_start3A_213] : memref<10240x128xf32, #tpu.memory_space<vmem_shared>> -> memref<40x128xf32, #tpu.memory_space<vmem_shared>>
      %dma_start3A_215 = arith.constant 0 : i32
      %dma_start3A_216 = arith.constant 0 : i32
      %dma_start3A_217 = tpu.memref_slice %arg11[%run_scoped3A_20, %dma_start3A_215, %dma_start3A_216] : memref<2x40x128xf32, #tpu.memory_space<vmem>> -> memref<1x40x128xf32, #tpu.memory_space<vmem>>
      %dma_start3A_218 = tpu.memref_squeeze %dma_start3A_217 : memref<1x40x128xf32, #tpu.memory_space<vmem>> -> memref<40x128xf32, #tpu.memory_space<vmem>>
      tpu.enqueue_dma source(%dma_start3A_218 : memref<40x128xf32, #tpu.memory_space<vmem>>) target(%dma_start3A_214 : memref<40x128xf32, #tpu.memory_space<vmem_shared>>) target_semaphore(%run_scoped3A_206 : memref<!tpu.dma_semaphore, #tpu.memory_space<semaphore_mem>>)
      %dma_wait3A_219 = arith.constant 0 : i32
      %dma_wait3A_220 = arith.constant 0 : i32
      %dma_wait3A_221 = tpu.memref_slice %arg11[%run_scoped3A_20, %dma_wait3A_219, %dma_wait3A_220] : memref<2x40x128xf32, #tpu.memory_space<vmem>> -> memref<1x40x128xf32, #tpu.memory_space<vmem>>
      %dma_wait3A_222 = tpu.memref_squeeze %dma_wait3A_221 : memref<1x40x128xf32, #tpu.memory_space<vmem>> -> memref<40x128xf32, #tpu.memory_space<vmem>>
      %dma_wait3A_223 = arith.constant 0 : i32
      %dma_wait3A_224 = tpu.memref_slice %arg12[%add3A_19, %dma_wait3A_223] : memref<10240x128xf32, #tpu.memory_space<vmem_shared>> -> memref<40x128xf32, #tpu.memory_space<vmem_shared>>
      %dma_wait3A_225 = arith.constant 0 : i32
      %dma_wait3A_226 = tpu.memref_slice %arg12[%add3A_19, %dma_wait3A_225] : memref<10240x128xf32, #tpu.memory_space<vmem_shared>> -> memref<40x128xf32, #tpu.memory_space<vmem_shared>>
      %dma_wait3A_227 = arith.constant 0 : i32
      %dma_wait3A_228 = arith.constant 0 : i32
      %dma_wait3A_229 = tpu.memref_slice %arg11[%run_scoped3A_20, %dma_wait3A_227, %dma_wait3A_228] : memref<2x40x128xf32, #tpu.memory_space<vmem>> -> memref<1x40x128xf32, #tpu.memory_space<vmem>>
      %dma_wait3A_230 = tpu.memref_squeeze %dma_wait3A_229 : memref<1x40x128xf32, #tpu.memory_space<vmem>> -> memref<40x128xf32, #tpu.memory_space<vmem>>
      tpu.wait_dma2 semaphore(%run_scoped3A_206 : memref<!tpu.dma_semaphore, #tpu.memory_space<semaphore_mem>>) src(%dma_wait3A_230 : memref<40x128xf32, #tpu.memory_space<vmem>>) dst(%dma_wait3A_226 : memref<40x128xf32, #tpu.memory_space<vmem_shared>>)
      tpu.yield
    }) : () -> ()
    %mul3A_21 = arith.constant 640 : i32
    %mul3A_22 = arith.muli %arg1, %mul3A_21 : i32
    %add3A_23 = arith.constant 120 : i32
    %add3A_24 = arith.addi %mul3A_22, %add3A_23 : i32
    %run_scoped3A_25 = arith.constant 0 : i32
    "tpu.region"() ({
      %run_scoped3A_206 = tpu.sem_alloc : memref<!tpu.dma_semaphore, #tpu.memory_space<semaphore_mem>>
      %dma_start3A_207 = arith.constant 0 : i32
      %dma_start3A_208 = arith.constant 0 : i32
      %dma_start3A_209 = tpu.memref_slice %arg11[%run_scoped3A_25, %dma_start3A_207, %dma_start3A_208] : memref<2x40x128xf32, #tpu.memory_space<vmem>> -> memref<1x40x128xf32, #tpu.memory_space<vmem>>
      %dma_start3A_210 = tpu.memref_squeeze %dma_start3A_209 : memref<1x40x128xf32, #tpu.memory_space<vmem>> -> memref<40x128xf32, #tpu.memory_space<vmem>>
      %dma_start3A_211 = arith.constant 0 : i32
      %dma_start3A_212 = tpu.memref_slice %arg12[%add3A_24, %dma_start3A_211] : memref<10240x128xf32, #tpu.memory_space<vmem_shared>> -> memref<40x128xf32, #tpu.memory_space<vmem_shared>>
      %dma_start3A_213 = arith.constant 0 : i32
      %dma_start3A_214 = tpu.memref_slice %arg12[%add3A_24, %dma_start3A_213] : memref<10240x128xf32, #tpu.memory_space<vmem_shared>> -> memref<40x128xf32, #tpu.memory_space<vmem_shared>>
      %dma_start3A_215 = arith.constant 0 : i32
      %dma_start3A_216 = arith.constant 0 : i32
      %dma_start3A_217 = tpu.memref_slice %arg11[%run_scoped3A_25, %dma_start3A_215, %dma_start3A_216] : memref<2x40x128xf32, #tpu.memory_space<vmem>> -> memref<1x40x128xf32, #tpu.memory_space<vmem>>
      %dma_start3A_218 = tpu.memref_squeeze %dma_start3A_217 : memref<1x40x128xf32, #tpu.memory_space<vmem>> -> memref<40x128xf32, #tpu.memory_space<vmem>>
      tpu.enqueue_dma source(%dma_start3A_218 : memref<40x128xf32, #tpu.memory_space<vmem>>) target(%dma_start3A_214 : memref<40x128xf32, #tpu.memory_space<vmem_shared>>) target_semaphore(%run_scoped3A_206 : memref<!tpu.dma_semaphore, #tpu.memory_space<semaphore_mem>>)
      %dma_wait3A_219 = arith.constant 0 : i32
      %dma_wait3A_220 = arith.constant 0 : i32
      %dma_wait3A_221 = tpu.memref_slice %arg11[%run_scoped3A_25, %dma_wait3A_219, %dma_wait3A_220] : memref<2x40x128xf32, #tpu.memory_space<vmem>> -> memref<1x40x128xf32, #tpu.memory_space<vmem>>
      %dma_wait3A_222 = tpu.memref_squeeze %dma_wait3A_221 : memref<1x40x128xf32, #tpu.memory_space<vmem>> -> memref<40x128xf32, #tpu.memory_space<vmem>>
      %dma_wait3A_223 = arith.constant 0 : i32
      %dma_wait3A_224 = tpu.memref_slice %arg12[%add3A_24, %dma_wait3A_223] : memref<10240x128xf32, #tpu.memory_space<vmem_shared>> -> memref<40x128xf32, #tpu.memory_space<vmem_shared>>
      %dma_wait3A_225 = arith.constant 0 : i32
      %dma_wait3A_226 = tpu.memref_slice %arg12[%add3A_24, %dma_wait3A_225] : memref<10240x128xf32, #tpu.memory_space<vmem_shared>> -> memref<40x128xf32, #tpu.memory_space<vmem_shared>>
      %dma_wait3A_227 = arith.constant 0 : i32
      %dma_wait3A_228 = arith.constant 0 : i32
      %dma_wait3A_229 = tpu.memref_slice %arg11[%run_scoped3A_25, %dma_wait3A_227, %dma_wait3A_228] : memref<2x40x128xf32, #tpu.memory_space<vmem>> -> memref<1x40x128xf32, #tpu.memory_space<vmem>>
      %dma_wait3A_230 = tpu.memref_squeeze %dma_wait3A_229 : memref<1x40x128xf32, #tpu.memory_space<vmem>> -> memref<40x128xf32, #tpu.memory_space<vmem>>
      tpu.wait_dma2 semaphore(%run_scoped3A_206 : memref<!tpu.dma_semaphore, #tpu.memory_space<semaphore_mem>>) src(%dma_wait3A_230 : memref<40x128xf32, #tpu.memory_space<vmem>>) dst(%dma_wait3A_226 : memref<40x128xf32, #tpu.memory_space<vmem_shared>>)
      tpu.yield
    }) : () -> ()
    %mul3A_26 = arith.constant 640 : i32
    %mul3A_27 = arith.muli %arg1, %mul3A_26 : i32
    %add3A_28 = arith.constant 160 : i32
    %add3A_29 = arith.addi %mul3A_27, %add3A_28 : i32
    %run_scoped3A_30 = arith.constant 0 : i32
    "tpu.region"() ({
      %run_scoped3A_206 = tpu.sem_alloc : memref<!tpu.dma_semaphore, #tpu.memory_space<semaphore_mem>>
      %dma_start3A_207 = arith.constant 0 : i32
      %dma_start3A_208 = arith.constant 0 : i32
      %dma_start3A_209 = tpu.memref_slice %arg11[%run_scoped3A_30, %dma_start3A_207, %dma_start3A_208] : memref<2x40x128xf32, #tpu.memory_space<vmem>> -> memref<1x40x128xf32, #tpu.memory_space<vmem>>
      %dma_start3A_210 = tpu.memref_squeeze %dma_start3A_209 : memref<1x40x128xf32, #tpu.memory_space<vmem>> -> memref<40x128xf32, #tpu.memory_space<vmem>>
      %dma_start3A_211 = arith.constant 0 : i32
      %dma_start3A_212 = tpu.memref_slice %arg12[%add3A_29, %dma_start3A_211] : memref<10240x128xf32, #tpu.memory_space<vmem_shared>> -> memref<40x128xf32, #tpu.memory_space<vmem_shared>>
      %dma_start3A_213 = arith.constant 0 : i32
      %dma_start3A_214 = tpu.memref_slice %arg12[%add3A_29, %dma_start3A_213] : memref<10240x128xf32, #tpu.memory_space<vmem_shared>> -> memref<40x128xf32, #tpu.memory_space<vmem_shared>>
      %dma_start3A_215 = arith.constant 0 : i32
      %dma_start3A_216 = arith.constant 0 : i32
      %dma_start3A_217 = tpu.memref_slice %arg11[%run_scoped3A_30, %dma_start3A_215, %dma_start3A_216] : memref<2x40x128xf32, #tpu.memory_space<vmem>> -> memref<1x40x128xf32, #tpu.memory_space<vmem>>
      %dma_start3A_218 = tpu.memref_squeeze %dma_start3A_217 : memref<1x40x128xf32, #tpu.memory_space<vmem>> -> memref<40x128xf32, #tpu.memory_space<vmem>>
      tpu.enqueue_dma source(%dma_start3A_218 : memref<40x128xf32, #tpu.memory_space<vmem>>) target(%dma_start3A_214 : memref<40x128xf32, #tpu.memory_space<vmem_shared>>) target_semaphore(%run_scoped3A_206 : memref<!tpu.dma_semaphore, #tpu.memory_space<semaphore_mem>>)
      %dma_wait3A_219 = arith.constant 0 : i32
      %dma_wait3A_220 = arith.constant 0 : i32
      %dma_wait3A_221 = tpu.memref_slice %arg11[%run_scoped3A_30, %dma_wait3A_219, %dma_wait3A_220] : memref<2x40x128xf32, #tpu.memory_space<vmem>> -> memref<1x40x128xf32, #tpu.memory_space<vmem>>
      %dma_wait3A_222 = tpu.memref_squeeze %dma_wait3A_221 : memref<1x40x128xf32, #tpu.memory_space<vmem>> -> memref<40x128xf32, #tpu.memory_space<vmem>>
      %dma_wait3A_223 = arith.constant 0 : i32
      %dma_wait3A_224 = tpu.memref_slice %arg12[%add3A_29, %dma_wait3A_223] : memref<10240x128xf32, #tpu.memory_space<vmem_shared>> -> memref<40x128xf32, #tpu.memory_space<vmem_shared>>
      %dma_wait3A_225 = arith.constant 0 : i32
      %dma_wait3A_226 = tpu.memref_slice %arg12[%add3A_29, %dma_wait3A_225] : memref<10240x128xf32, #tpu.memory_space<vmem_shared>> -> memref<40x128xf32, #tpu.memory_space<vmem_shared>>
      %dma_wait3A_227 = arith.constant 0 : i32
      %dma_wait3A_228 = arith.constant 0 : i32
      %dma_wait3A_229 = tpu.memref_slice %arg11[%run_scoped3A_30, %dma_wait3A_227, %dma_wait3A_228] : memref<2x40x128xf32, #tpu.memory_space<vmem>> -> memref<1x40x128xf32, #tpu.memory_space<vmem>>
      %dma_wait3A_230 = tpu.memref_squeeze %dma_wait3A_229 : memref<1x40x128xf32, #tpu.memory_space<vmem>> -> memref<40x128xf32, #tpu.memory_space<vmem>>
      tpu.wait_dma2 semaphore(%run_scoped3A_206 : memref<!tpu.dma_semaphore, #tpu.memory_space<semaphore_mem>>) src(%dma_wait3A_230 : memref<40x128xf32, #tpu.memory_space<vmem>>) dst(%dma_wait3A_226 : memref<40x128xf32, #tpu.memory_space<vmem_shared>>)
      tpu.yield
    }) : () -> ()
    %mul3A_31 = arith.constant 640 : i32
    %mul3A_32 = arith.muli %arg1, %mul3A_31 : i32
    %add3A_33 = arith.constant 200 : i32
    %add3A_34 = arith.addi %mul3A_32, %add3A_33 : i32
    %run_scoped3A_35 = arith.constant 0 : i32
    "tpu.region"() ({
      %run_scoped3A_206 = tpu.sem_alloc : memref<!tpu.dma_semaphore, #tpu.memory_space<semaphore_mem>>
      %dma_start3A_207 = arith.constant 0 : i32
      %dma_start3A_208 = arith.constant 0 : i32
      %dma_start3A_209 = tpu.memref_slice %arg11[%run_scoped3A_35, %dma_start3A_207, %dma_start3A_208] : memref<2x40x128xf32, #tpu.memory_space<vmem>> -> memref<1x40x128xf32, #tpu.memory_space<vmem>>
      %dma_start3A_210 = tpu.memref_squeeze %dma_start3A_209 : memref<1x40x128xf32, #tpu.memory_space<vmem>> -> memref<40x128xf32, #tpu.memory_space<vmem>>
      %dma_start3A_211 = arith.constant 0 : i32
      %dma_start3A_212 = tpu.memref_slice %arg12[%add3A_34, %dma_start3A_211] : memref<10240x128xf32, #tpu.memory_space<vmem_shared>> -> memref<40x128xf32, #tpu.memory_space<vmem_shared>>
      %dma_start3A_213 = arith.constant 0 : i32
      %dma_start3A_214 = tpu.memref_slice %arg12[%add3A_34, %dma_start3A_213] : memref<10240x128xf32, #tpu.memory_space<vmem_shared>> -> memref<40x128xf32, #tpu.memory_space<vmem_shared>>
      %dma_start3A_215 = arith.constant 0 : i32
      %dma_start3A_216 = arith.constant 0 : i32
      %dma_start3A_217 = tpu.memref_slice %arg11[%run_scoped3A_35, %dma_start3A_215, %dma_start3A_216] : memref<2x40x128xf32, #tpu.memory_space<vmem>> -> memref<1x40x128xf32, #tpu.memory_space<vmem>>
      %dma_start3A_218 = tpu.memref_squeeze %dma_start3A_217 : memref<1x40x128xf32, #tpu.memory_space<vmem>> -> memref<40x128xf32, #tpu.memory_space<vmem>>
      tpu.enqueue_dma source(%dma_start3A_218 : memref<40x128xf32, #tpu.memory_space<vmem>>) target(%dma_start3A_214 : memref<40x128xf32, #tpu.memory_space<vmem_shared>>) target_semaphore(%run_scoped3A_206 : memref<!tpu.dma_semaphore, #tpu.memory_space<semaphore_mem>>)
      %dma_wait3A_219 = arith.constant 0 : i32
      %dma_wait3A_220 = arith.constant 0 : i32
      %dma_wait3A_221 = tpu.memref_slice %arg11[%run_scoped3A_35, %dma_wait3A_219, %dma_wait3A_220] : memref<2x40x128xf32, #tpu.memory_space<vmem>> -> memref<1x40x128xf32, #tpu.memory_space<vmem>>
      %dma_wait3A_222 = tpu.memref_squeeze %dma_wait3A_221 : memref<1x40x128xf32, #tpu.memory_space<vmem>> -> memref<40x128xf32, #tpu.memory_space<vmem>>
      %dma_wait3A_223 = arith.constant 0 : i32
      %dma_wait3A_224 = tpu.memref_slice %arg12[%add3A_34, %dma_wait3A_223] : memref<10240x128xf32, #tpu.memory_space<vmem_shared>> -> memref<40x128xf32, #tpu.memory_space<vmem_shared>>
      %dma_wait3A_225 = arith.constant 0 : i32
      %dma_wait3A_226 = tpu.memref_slice %arg12[%add3A_34, %dma_wait3A_225] : memref<10240x128xf32, #tpu.memory_space<vmem_shared>> -> memref<40x128xf32, #tpu.memory_space<vmem_shared>>
      %dma_wait3A_227 = arith.constant 0 : i32
      %dma_wait3A_228 = arith.constant 0 : i32
      %dma_wait3A_229 = tpu.memref_slice %arg11[%run_scoped3A_35, %dma_wait3A_227, %dma_wait3A_228] : memref<2x40x128xf32, #tpu.memory_space<vmem>> -> memref<1x40x128xf32, #tpu.memory_space<vmem>>
      %dma_wait3A_230 = tpu.memref_squeeze %dma_wait3A_229 : memref<1x40x128xf32, #tpu.memory_space<vmem>> -> memref<40x128xf32, #tpu.memory_space<vmem>>
      tpu.wait_dma2 semaphore(%run_scoped3A_206 : memref<!tpu.dma_semaphore, #tpu.memory_space<semaphore_mem>>) src(%dma_wait3A_230 : memref<40x128xf32, #tpu.memory_space<vmem>>) dst(%dma_wait3A_226 : memref<40x128xf32, #tpu.memory_space<vmem_shared>>)
      tpu.yield
    }) : () -> ()
    %mul3A_36 = arith.constant 640 : i32
    %mul3A_37 = arith.muli %arg1, %mul3A_36 : i32
    %add3A_38 = arith.constant 240 : i32
    %add3A_39 = arith.addi %mul3A_37, %add3A_38 : i32
    %run_scoped3A_40 = arith.constant 0 : i32
    "tpu.region"() ({
      %run_scoped3A_206 = tpu.sem_alloc : memref<!tpu.dma_semaphore, #tpu.memory_space<semaphore_mem>>
      %dma_start3A_207 = arith.constant 0 : i32
      %dma_start3A_208 = arith.constant 0 : i32
      %dma_start3A_209 = tpu.memref_slice %arg11[%run_scoped3A_40, %dma_start3A_207, %dma_start3A_208] : memref<2x40x128xf32, #tpu.memory_space<vmem>> -> memref<1x40x128xf32, #tpu.memory_space<vmem>>
      %dma_start3A_210 = tpu.memref_squeeze %dma_start3A_209 : memref<1x40x128xf32, #tpu.memory_space<vmem>> -> memref<40x128xf32, #tpu.memory_space<vmem>>
      %dma_start3A_211 = arith.constant 0 : i32
      %dma_start3A_212 = tpu.memref_slice %arg12[%add3A_39, %dma_start3A_211] : memref<10240x128xf32, #tpu.memory_space<vmem_shared>> -> memref<40x128xf32, #tpu.memory_space<vmem_shared>>
      %dma_start3A_213 = arith.constant 0 : i32
      %dma_start3A_214 = tpu.memref_slice %arg12[%add3A_39, %dma_start3A_213] : memref<10240x128xf32, #tpu.memory_space<vmem_shared>> -> memref<40x128xf32, #tpu.memory_space<vmem_shared>>
      %dma_start3A_215 = arith.constant 0 : i32
      %dma_start3A_216 = arith.constant 0 : i32
      %dma_start3A_217 = tpu.memref_slice %arg11[%run_scoped3A_40, %dma_start3A_215, %dma_start3A_216] : memref<2x40x128xf32, #tpu.memory_space<vmem>> -> memref<1x40x128xf32, #tpu.memory_space<vmem>>
      %dma_start3A_218 = tpu.memref_squeeze %dma_start3A_217 : memref<1x40x128xf32, #tpu.memory_space<vmem>> -> memref<40x128xf32, #tpu.memory_space<vmem>>
      tpu.enqueue_dma source(%dma_start3A_218 : memref<40x128xf32, #tpu.memory_space<vmem>>) target(%dma_start3A_214 : memref<40x128xf32, #tpu.memory_space<vmem_shared>>) target_semaphore(%run_scoped3A_206 : memref<!tpu.dma_semaphore, #tpu.memory_space<semaphore_mem>>)
      %dma_wait3A_219 = arith.constant 0 : i32
      %dma_wait3A_220 = arith.constant 0 : i32
      %dma_wait3A_221 = tpu.memref_slice %arg11[%run_scoped3A_40, %dma_wait3A_219, %dma_wait3A_220] : memref<2x40x128xf32, #tpu.memory_space<vmem>> -> memref<1x40x128xf32, #tpu.memory_space<vmem>>
      %dma_wait3A_222 = tpu.memref_squeeze %dma_wait3A_221 : memref<1x40x128xf32, #tpu.memory_space<vmem>> -> memref<40x128xf32, #tpu.memory_space<vmem>>
      %dma_wait3A_223 = arith.constant 0 : i32
      %dma_wait3A_224 = tpu.memref_slice %arg12[%add3A_39, %dma_wait3A_223] : memref<10240x128xf32, #tpu.memory_space<vmem_shared>> -> memref<40x128xf32, #tpu.memory_space<vmem_shared>>
      %dma_wait3A_225 = arith.constant 0 : i32
      %dma_wait3A_226 = tpu.memref_slice %arg12[%add3A_39, %dma_wait3A_225] : memref<10240x128xf32, #tpu.memory_space<vmem_shared>> -> memref<40x128xf32, #tpu.memory_space<vmem_shared>>
      %dma_wait3A_227 = arith.constant 0 : i32
      %dma_wait3A_228 = arith.constant 0 : i32
      %dma_wait3A_229 = tpu.memref_slice %arg11[%run_scoped3A_40, %dma_wait3A_227, %dma_wait3A_228] : memref<2x40x128xf32, #tpu.memory_space<vmem>> -> memref<1x40x128xf32, #tpu.memory_space<vmem>>
      %dma_wait3A_230 = tpu.memref_squeeze %dma_wait3A_229 : memref<1x40x128xf32, #tpu.memory_space<vmem>> -> memref<40x128xf32, #tpu.memory_space<vmem>>
      tpu.wait_dma2 semaphore(%run_scoped3A_206 : memref<!tpu.dma_semaphore, #tpu.memory_space<semaphore_mem>>) src(%dma_wait3A_230 : memref<40x128xf32, #tpu.memory_space<vmem>>) dst(%dma_wait3A_226 : memref<40x128xf32, #tpu.memory_space<vmem_shared>>)
      tpu.yield
    }) : () -> ()
    %mul3A_41 = arith.constant 640 : i32
    %mul3A_42 = arith.muli %arg1, %mul3A_41 : i32
    %add3A_43 = arith.constant 280 : i32
    %add3A_44 = arith.addi %mul3A_42, %add3A_43 : i32
    %run_scoped3A_45 = arith.constant 0 : i32
    "tpu.region"() ({
      %run_scoped3A_206 = tpu.sem_alloc : memref<!tpu.dma_semaphore, #tpu.memory_space<semaphore_mem>>
      %dma_start3A_207 = arith.constant 0 : i32
      %dma_start3A_208 = arith.constant 0 : i32
      %dma_start3A_209 = tpu.memref_slice %arg11[%run_scoped3A_45, %dma_start3A_207, %dma_start3A_208] : memref<2x40x128xf32, #tpu.memory_space<vmem>> -> memref<1x40x128xf32, #tpu.memory_space<vmem>>
      %dma_start3A_210 = tpu.memref_squeeze %dma_start3A_209 : memref<1x40x128xf32, #tpu.memory_space<vmem>> -> memref<40x128xf32, #tpu.memory_space<vmem>>
      %dma_start3A_211 = arith.constant 0 : i32
      %dma_start3A_212 = tpu.memref_slice %arg12[%add3A_44, %dma_start3A_211] : memref<10240x128xf32, #tpu.memory_space<vmem_shared>> -> memref<40x128xf32, #tpu.memory_space<vmem_shared>>
      %dma_start3A_213 = arith.constant 0 : i32
      %dma_start3A_214 = tpu.memref_slice %arg12[%add3A_44, %dma_start3A_213] : memref<10240x128xf32, #tpu.memory_space<vmem_shared>> -> memref<40x128xf32, #tpu.memory_space<vmem_shared>>
      %dma_start3A_215 = arith.constant 0 : i32
      %dma_start3A_216 = arith.constant 0 : i32
      %dma_start3A_217 = tpu.memref_slice %arg11[%run_scoped3A_45, %dma_start3A_215, %dma_start3A_216] : memref<2x40x128xf32, #tpu.memory_space<vmem>> -> memref<1x40x128xf32, #tpu.memory_space<vmem>>
      %dma_start3A_218 = tpu.memref_squeeze %dma_start3A_217 : memref<1x40x128xf32, #tpu.memory_space<vmem>> -> memref<40x128xf32, #tpu.memory_space<vmem>>
      tpu.enqueue_dma source(%dma_start3A_218 : memref<40x128xf32, #tpu.memory_space<vmem>>) target(%dma_start3A_214 : memref<40x128xf32, #tpu.memory_space<vmem_shared>>) target_semaphore(%run_scoped3A_206 : memref<!tpu.dma_semaphore, #tpu.memory_space<semaphore_mem>>)
      %dma_wait3A_219 = arith.constant 0 : i32
      %dma_wait3A_220 = arith.constant 0 : i32
      %dma_wait3A_221 = tpu.memref_slice %arg11[%run_scoped3A_45, %dma_wait3A_219, %dma_wait3A_220] : memref<2x40x128xf32, #tpu.memory_space<vmem>> -> memref<1x40x128xf32, #tpu.memory_space<vmem>>
      %dma_wait3A_222 = tpu.memref_squeeze %dma_wait3A_221 : memref<1x40x128xf32, #tpu.memory_space<vmem>> -> memref<40x128xf32, #tpu.memory_space<vmem>>
      %dma_wait3A_223 = arith.constant 0 : i32
      %dma_wait3A_224 = tpu.memref_slice %arg12[%add3A_44, %dma_wait3A_223] : memref<10240x128xf32, #tpu.memory_space<vmem_shared>> -> memref<40x128xf32, #tpu.memory_space<vmem_shared>>
      %dma_wait3A_225 = arith.constant 0 : i32
      %dma_wait3A_226 = tpu.memref_slice %arg12[%add3A_44, %dma_wait3A_225] : memref<10240x128xf32, #tpu.memory_space<vmem_shared>> -> memref<40x128xf32, #tpu.memory_space<vmem_shared>>
      %dma_wait3A_227 = arith.constant 0 : i32
      %dma_wait3A_228 = arith.constant 0 : i32
      %dma_wait3A_229 = tpu.memref_slice %arg11[%run_scoped3A_45, %dma_wait3A_227, %dma_wait3A_228] : memref<2x40x128xf32, #tpu.memory_space<vmem>> -> memref<1x40x128xf32, #tpu.memory_space<vmem>>
      %dma_wait3A_230 = tpu.memref_squeeze %dma_wait3A_229 : memref<1x40x128xf32, #tpu.memory_space<vmem>> -> memref<40x128xf32, #tpu.memory_space<vmem>>
      tpu.wait_dma2 semaphore(%run_scoped3A_206 : memref<!tpu.dma_semaphore, #tpu.memory_space<semaphore_mem>>) src(%dma_wait3A_230 : memref<40x128xf32, #tpu.memory_space<vmem>>) dst(%dma_wait3A_226 : memref<40x128xf32, #tpu.memory_space<vmem_shared>>)
      tpu.yield
    }) : () -> ()
    %mul3A_46 = arith.constant 640 : i32
    %mul3A_47 = arith.muli %arg1, %mul3A_46 : i32
    %add3A_48 = arith.constant 320 : i32
    %add3A_49 = arith.addi %mul3A_47, %add3A_48 : i32
    %run_scoped3A_50 = arith.constant 0 : i32
    "tpu.region"() ({
      %run_scoped3A_206 = tpu.sem_alloc : memref<!tpu.dma_semaphore, #tpu.memory_space<semaphore_mem>>
      %dma_start3A_207 = arith.constant 0 : i32
      %dma_start3A_208 = arith.constant 0 : i32
      %dma_start3A_209 = tpu.memref_slice %arg11[%run_scoped3A_50, %dma_start3A_207, %dma_start3A_208] : memref<2x40x128xf32, #tpu.memory_space<vmem>> -> memref<1x40x128xf32, #tpu.memory_space<vmem>>
      %dma_start3A_210 = tpu.memref_squeeze %dma_start3A_209 : memref<1x40x128xf32, #tpu.memory_space<vmem>> -> memref<40x128xf32, #tpu.memory_space<vmem>>
      %dma_start3A_211 = arith.constant 0 : i32
      %dma_start3A_212 = tpu.memref_slice %arg12[%add3A_49, %dma_start3A_211] : memref<10240x128xf32, #tpu.memory_space<vmem_shared>> -> memref<40x128xf32, #tpu.memory_space<vmem_shared>>
      %dma_start3A_213 = arith.constant 0 : i32
      %dma_start3A_214 = tpu.memref_slice %arg12[%add3A_49, %dma_start3A_213] : memref<10240x128xf32, #tpu.memory_space<vmem_shared>> -> memref<40x128xf32, #tpu.memory_space<vmem_shared>>
      %dma_start3A_215 = arith.constant 0 : i32
      %dma_start3A_216 = arith.constant 0 : i32
      %dma_start3A_217 = tpu.memref_slice %arg11[%run_scoped3A_50, %dma_start3A_215, %dma_start3A_216] : memref<2x40x128xf32, #tpu.memory_space<vmem>> -> memref<1x40x128xf32, #tpu.memory_space<vmem>>
      %dma_start3A_218 = tpu.memref_squeeze %dma_start3A_217 : memref<1x40x128xf32, #tpu.memory_space<vmem>> -> memref<40x128xf32, #tpu.memory_space<vmem>>
      tpu.enqueue_dma source(%dma_start3A_218 : memref<40x128xf32, #tpu.memory_space<vmem>>) target(%dma_start3A_214 : memref<40x128xf32, #tpu.memory_space<vmem_shared>>) target_semaphore(%run_scoped3A_206 : memref<!tpu.dma_semaphore, #tpu.memory_space<semaphore_mem>>)
      %dma_wait3A_219 = arith.constant 0 : i32
      %dma_wait3A_220 = arith.constant 0 : i32
      %dma_wait3A_221 = tpu.memref_slice %arg11[%run_scoped3A_50, %dma_wait3A_219, %dma_wait3A_220] : memref<2x40x128xf32, #tpu.memory_space<vmem>> -> memref<1x40x128xf32, #tpu.memory_space<vmem>>
      %dma_wait3A_222 = tpu.memref_squeeze %dma_wait3A_221 : memref<1x40x128xf32, #tpu.memory_space<vmem>> -> memref<40x128xf32, #tpu.memory_space<vmem>>
      %dma_wait3A_223 = arith.constant 0 : i32
      %dma_wait3A_224 = tpu.memref_slice %arg12[%add3A_49, %dma_wait3A_223] : memref<10240x128xf32, #tpu.memory_space<vmem_shared>> -> memref<40x128xf32, #tpu.memory_space<vmem_shared>>
      %dma_wait3A_225 = arith.constant 0 : i32
      %dma_wait3A_226 = tpu.memref_slice %arg12[%add3A_49, %dma_wait3A_225] : memref<10240x128xf32, #tpu.memory_space<vmem_shared>> -> memref<40x128xf32, #tpu.memory_space<vmem_shared>>
      %dma_wait3A_227 = arith.constant 0 : i32
      %dma_wait3A_228 = arith.constant 0 : i32
      %dma_wait3A_229 = tpu.memref_slice %arg11[%run_scoped3A_50, %dma_wait3A_227, %dma_wait3A_228] : memref<2x40x128xf32, #tpu.memory_space<vmem>> -> memref<1x40x128xf32, #tpu.memory_space<vmem>>
      %dma_wait3A_230 = tpu.memref_squeeze %dma_wait3A_229 : memref<1x40x128xf32, #tpu.memory_space<vmem>> -> memref<40x128xf32, #tpu.memory_space<vmem>>
      tpu.wait_dma2 semaphore(%run_scoped3A_206 : memref<!tpu.dma_semaphore, #tpu.memory_space<semaphore_mem>>) src(%dma_wait3A_230 : memref<40x128xf32, #tpu.memory_space<vmem>>) dst(%dma_wait3A_226 : memref<40x128xf32, #tpu.memory_space<vmem_shared>>)
      tpu.yield
    }) : () -> ()
    %mul3A_51 = arith.constant 640 : i32
    %mul3A_52 = arith.muli %arg1, %mul3A_51 : i32
    %add3A_53 = arith.constant 360 : i32
    %add3A_54 = arith.addi %mul3A_52, %add3A_53 : i32
    %run_scoped3A_55 = arith.constant 0 : i32
    "tpu.region"() ({
      %run_scoped3A_206 = tpu.sem_alloc : memref<!tpu.dma_semaphore, #tpu.memory_space<semaphore_mem>>
      %dma_start3A_207 = arith.constant 0 : i32
      %dma_start3A_208 = arith.constant 0 : i32
      %dma_start3A_209 = tpu.memref_slice %arg11[%run_scoped3A_55, %dma_start3A_207, %dma_start3A_208] : memref<2x40x128xf32, #tpu.memory_space<vmem>> -> memref<1x40x128xf32, #tpu.memory_space<vmem>>
      %dma_start3A_210 = tpu.memref_squeeze %dma_start3A_209 : memref<1x40x128xf32, #tpu.memory_space<vmem>> -> memref<40x128xf32, #tpu.memory_space<vmem>>
      %dma_start3A_211 = arith.constant 0 : i32
      %dma_start3A_212 = tpu.memref_slice %arg12[%add3A_54, %dma_start3A_211] : memref<10240x128xf32, #tpu.memory_space<vmem_shared>> -> memref<40x128xf32, #tpu.memory_space<vmem_shared>>
      %dma_start3A_213 = arith.constant 0 : i32
      %dma_start3A_214 = tpu.memref_slice %arg12[%add3A_54, %dma_start3A_213] : memref<10240x128xf32, #tpu.memory_space<vmem_shared>> -> memref<40x128xf32, #tpu.memory_space<vmem_shared>>
      %dma_start3A_215 = arith.constant 0 : i32
      %dma_start3A_216 = arith.constant 0 : i32
      %dma_start3A_217 = tpu.memref_slice %arg11[%run_scoped3A_55, %dma_start3A_215, %dma_start3A_216] : memref<2x40x128xf32, #tpu.memory_space<vmem>> -> memref<1x40x128xf32, #tpu.memory_space<vmem>>
      %dma_start3A_218 = tpu.memref_squeeze %dma_start3A_217 : memref<1x40x128xf32, #tpu.memory_space<vmem>> -> memref<40x128xf32, #tpu.memory_space<vmem>>
      tpu.enqueue_dma source(%dma_start3A_218 : memref<40x128xf32, #tpu.memory_space<vmem>>) target(%dma_start3A_214 : memref<40x128xf32, #tpu.memory_space<vmem_shared>>) target_semaphore(%run_scoped3A_206 : memref<!tpu.dma_semaphore, #tpu.memory_space<semaphore_mem>>)
      %dma_wait3A_219 = arith.constant 0 : i32
      %dma_wait3A_220 = arith.constant 0 : i32
      %dma_wait3A_221 = tpu.memref_slice %arg11[%run_scoped3A_55, %dma_wait3A_219, %dma_wait3A_220] : memref<2x40x128xf32, #tpu.memory_space<vmem>> -> memref<1x40x128xf32, #tpu.memory_space<vmem>>
      %dma_wait3A_222 = tpu.memref_squeeze %dma_wait3A_221 : memref<1x40x128xf32, #tpu.memory_space<vmem>> -> memref<40x128xf32, #tpu.memory_space<vmem>>
      %dma_wait3A_223 = arith.constant 0 : i32
      %dma_wait3A_224 = tpu.memref_slice %arg12[%add3A_54, %dma_wait3A_223] : memref<10240x128xf32, #tpu.memory_space<vmem_shared>> -> memref<40x128xf32, #tpu.memory_space<vmem_shared>>
      %dma_wait3A_225 = arith.constant 0 : i32
      %dma_wait3A_226 = tpu.memref_slice %arg12[%add3A_54, %dma_wait3A_225] : memref<10240x128xf32, #tpu.memory_space<vmem_shared>> -> memref<40x128xf32, #tpu.memory_space<vmem_shared>>
      %dma_wait3A_227 = arith.constant 0 : i32
      %dma_wait3A_228 = arith.constant 0 : i32
      %dma_wait3A_229 = tpu.memref_slice %arg11[%run_scoped3A_55, %dma_wait3A_227, %dma_wait3A_228] : memref<2x40x128xf32, #tpu.memory_space<vmem>> -> memref<1x40x128xf32, #tpu.memory_space<vmem>>
      %dma_wait3A_230 = tpu.memref_squeeze %dma_wait3A_229 : memref<1x40x128xf32, #tpu.memory_space<vmem>> -> memref<40x128xf32, #tpu.memory_space<vmem>>
      tpu.wait_dma2 semaphore(%run_scoped3A_206 : memref<!tpu.dma_semaphore, #tpu.memory_space<semaphore_mem>>) src(%dma_wait3A_230 : memref<40x128xf32, #tpu.memory_space<vmem>>) dst(%dma_wait3A_226 : memref<40x128xf32, #tpu.memory_space<vmem_shared>>)
      tpu.yield
    }) : () -> ()
    %mul3A_56 = arith.constant 640 : i32
    %mul3A_57 = arith.muli %arg1, %mul3A_56 : i32
    %add3A_58 = arith.constant 400 : i32
    %add3A_59 = arith.addi %mul3A_57, %add3A_58 : i32
    %run_scoped3A_60 = arith.constant 0 : i32
    "tpu.region"() ({
      %run_scoped3A_206 = tpu.sem_alloc : memref<!tpu.dma_semaphore, #tpu.memory_space<semaphore_mem>>
      %dma_start3A_207 = arith.constant 0 : i32
      %dma_start3A_208 = arith.constant 0 : i32
      %dma_start3A_209 = tpu.memref_slice %arg11[%run_scoped3A_60, %dma_start3A_207, %dma_start3A_208] : memref<2x40x128xf32, #tpu.memory_space<vmem>> -> memref<1x40x128xf32, #tpu.memory_space<vmem>>
      %dma_start3A_210 = tpu.memref_squeeze %dma_start3A_209 : memref<1x40x128xf32, #tpu.memory_space<vmem>> -> memref<40x128xf32, #tpu.memory_space<vmem>>
      %dma_start3A_211 = arith.constant 0 : i32
      %dma_start3A_212 = tpu.memref_slice %arg12[%add3A_59, %dma_start3A_211] : memref<10240x128xf32, #tpu.memory_space<vmem_shared>> -> memref<40x128xf32, #tpu.memory_space<vmem_shared>>
      %dma_start3A_213 = arith.constant 0 : i32
      %dma_start3A_214 = tpu.memref_slice %arg12[%add3A_59, %dma_start3A_213] : memref<10240x128xf32, #tpu.memory_space<vmem_shared>> -> memref<40x128xf32, #tpu.memory_space<vmem_shared>>
      %dma_start3A_215 = arith.constant 0 : i32
      %dma_start3A_216 = arith.constant 0 : i32
      %dma_start3A_217 = tpu.memref_slice %arg11[%run_scoped3A_60, %dma_start3A_215, %dma_start3A_216] : memref<2x40x128xf32, #tpu.memory_space<vmem>> -> memref<1x40x128xf32, #tpu.memory_space<vmem>>
      %dma_start3A_218 = tpu.memref_squeeze %dma_start3A_217 : memref<1x40x128xf32, #tpu.memory_space<vmem>> -> memref<40x128xf32, #tpu.memory_space<vmem>>
      tpu.enqueue_dma source(%dma_start3A_218 : memref<40x128xf32, #tpu.memory_space<vmem>>) target(%dma_start3A_214 : memref<40x128xf32, #tpu.memory_space<vmem_shared>>) target_semaphore(%run_scoped3A_206 : memref<!tpu.dma_semaphore, #tpu.memory_space<semaphore_mem>>)
      %dma_wait3A_219 = arith.constant 0 : i32
      %dma_wait3A_220 = arith.constant 0 : i32
      %dma_wait3A_221 = tpu.memref_slice %arg11[%run_scoped3A_60, %dma_wait3A_219, %dma_wait3A_220] : memref<2x40x128xf32, #tpu.memory_space<vmem>> -> memref<1x40x128xf32, #tpu.memory_space<vmem>>
      %dma_wait3A_222 = tpu.memref_squeeze %dma_wait3A_221 : memref<1x40x128xf32, #tpu.memory_space<vmem>> -> memref<40x128xf32, #tpu.memory_space<vmem>>
      %dma_wait3A_223 = arith.constant 0 : i32
      %dma_wait3A_224 = tpu.memref_slice %arg12[%add3A_59, %dma_wait3A_223] : memref<10240x128xf32, #tpu.memory_space<vmem_shared>> -> memref<40x128xf32, #tpu.memory_space<vmem_shared>>
      %dma_wait3A_225 = arith.constant 0 : i32
      %dma_wait3A_226 = tpu.memref_slice %arg12[%add3A_59, %dma_wait3A_225] : memref<10240x128xf32, #tpu.memory_space<vmem_shared>> -> memref<40x128xf32, #tpu.memory_space<vmem_shared>>
      %dma_wait3A_227 = arith.constant 0 : i32
      %dma_wait3A_228 = arith.constant 0 : i32
      %dma_wait3A_229 = tpu.memref_slice %arg11[%run_scoped3A_60, %dma_wait3A_227, %dma_wait3A_228] : memref<2x40x128xf32, #tpu.memory_space<vmem>> -> memref<1x40x128xf32, #tpu.memory_space<vmem>>
      %dma_wait3A_230 = tpu.memref_squeeze %dma_wait3A_229 : memref<1x40x128xf32, #tpu.memory_space<vmem>> -> memref<40x128xf32, #tpu.memory_space<vmem>>
      tpu.wait_dma2 semaphore(%run_scoped3A_206 : memref<!tpu.dma_semaphore, #tpu.memory_space<semaphore_mem>>) src(%dma_wait3A_230 : memref<40x128xf32, #tpu.memory_space<vmem>>) dst(%dma_wait3A_226 : memref<40x128xf32, #tpu.memory_space<vmem_shared>>)
      tpu.yield
    }) : () -> ()
    %mul3A_61 = arith.constant 640 : i32
    %mul3A_62 = arith.muli %arg1, %mul3A_61 : i32
    %add3A_63 = arith.constant 440 : i32
    %add3A_64 = arith.addi %mul3A_62, %add3A_63 : i32
    %run_scoped3A_65 = arith.constant 0 : i32
    "tpu.region"() ({
      %run_scoped3A_206 = tpu.sem_alloc : memref<!tpu.dma_semaphore, #tpu.memory_space<semaphore_mem>>
      %dma_start3A_207 = arith.constant 0 : i32
      %dma_start3A_208 = arith.constant 0 : i32
      %dma_start3A_209 = tpu.memref_slice %arg11[%run_scoped3A_65, %dma_start3A_207, %dma_start3A_208] : memref<2x40x128xf32, #tpu.memory_space<vmem>> -> memref<1x40x128xf32, #tpu.memory_space<vmem>>
      %dma_start3A_210 = tpu.memref_squeeze %dma_start3A_209 : memref<1x40x128xf32, #tpu.memory_space<vmem>> -> memref<40x128xf32, #tpu.memory_space<vmem>>
      %dma_start3A_211 = arith.constant 0 : i32
      %dma_start3A_212 = tpu.memref_slice %arg12[%add3A_64, %dma_start3A_211] : memref<10240x128xf32, #tpu.memory_space<vmem_shared>> -> memref<40x128xf32, #tpu.memory_space<vmem_shared>>
      %dma_start3A_213 = arith.constant 0 : i32
      %dma_start3A_214 = tpu.memref_slice %arg12[%add3A_64, %dma_start3A_213] : memref<10240x128xf32, #tpu.memory_space<vmem_shared>> -> memref<40x128xf32, #tpu.memory_space<vmem_shared>>
      %dma_start3A_215 = arith.constant 0 : i32
      %dma_start3A_216 = arith.constant 0 : i32
      %dma_start3A_217 = tpu.memref_slice %arg11[%run_scoped3A_65, %dma_start3A_215, %dma_start3A_216] : memref<2x40x128xf32, #tpu.memory_space<vmem>> -> memref<1x40x128xf32, #tpu.memory_space<vmem>>
      %dma_start3A_218 = tpu.memref_squeeze %dma_start3A_217 : memref<1x40x128xf32, #tpu.memory_space<vmem>> -> memref<40x128xf32, #tpu.memory_space<vmem>>
      tpu.enqueue_dma source(%dma_start3A_218 : memref<40x128xf32, #tpu.memory_space<vmem>>) target(%dma_start3A_214 : memref<40x128xf32, #tpu.memory_space<vmem_shared>>) target_semaphore(%run_scoped3A_206 : memref<!tpu.dma_semaphore, #tpu.memory_space<semaphore_mem>>)
      %dma_wait3A_219 = arith.constant 0 : i32
      %dma_wait3A_220 = arith.constant 0 : i32
      %dma_wait3A_221 = tpu.memref_slice %arg11[%run_scoped3A_65, %dma_wait3A_219, %dma_wait3A_220] : memref<2x40x128xf32, #tpu.memory_space<vmem>> -> memref<1x40x128xf32, #tpu.memory_space<vmem>>
      %dma_wait3A_222 = tpu.memref_squeeze %dma_wait3A_221 : memref<1x40x128xf32, #tpu.memory_space<vmem>> -> memref<40x128xf32, #tpu.memory_space<vmem>>
      %dma_wait3A_223 = arith.constant 0 : i32
      %dma_wait3A_224 = tpu.memref_slice %arg12[%add3A_64, %dma_wait3A_223] : memref<10240x128xf32, #tpu.memory_space<vmem_shared>> -> memref<40x128xf32, #tpu.memory_space<vmem_shared>>
      %dma_wait3A_225 = arith.constant 0 : i32
      %dma_wait3A_226 = tpu.memref_slice %arg12[%add3A_64, %dma_wait3A_225] : memref<10240x128xf32, #tpu.memory_space<vmem_shared>> -> memref<40x128xf32, #tpu.memory_space<vmem_shared>>
      %dma_wait3A_227 = arith.constant 0 : i32
      %dma_wait3A_228 = arith.constant 0 : i32
      %dma_wait3A_229 = tpu.memref_slice %arg11[%run_scoped3A_65, %dma_wait3A_227, %dma_wait3A_228] : memref<2x40x128xf32, #tpu.memory_space<vmem>> -> memref<1x40x128xf32, #tpu.memory_space<vmem>>
      %dma_wait3A_230 = tpu.memref_squeeze %dma_wait3A_229 : memref<1x40x128xf32, #tpu.memory_space<vmem>> -> memref<40x128xf32, #tpu.memory_space<vmem>>
      tpu.wait_dma2 semaphore(%run_scoped3A_206 : memref<!tpu.dma_semaphore, #tpu.memory_space<semaphore_mem>>) src(%dma_wait3A_230 : memref<40x128xf32, #tpu.memory_space<vmem>>) dst(%dma_wait3A_226 : memref<40x128xf32, #tpu.memory_space<vmem_shared>>)
      tpu.yield
    }) : () -> ()
    %mul3A_66 = arith.constant 640 : i32
    %mul3A_67 = arith.muli %arg1, %mul3A_66 : i32
    %add3A_68 = arith.constant 480 : i32
    %add3A_69 = arith.addi %mul3A_67, %add3A_68 : i32
    %run_scoped3A_70 = arith.constant 0 : i32
    "tpu.region"() ({
      %run_scoped3A_206 = tpu.sem_alloc : memref<!tpu.dma_semaphore, #tpu.memory_space<semaphore_mem>>
      %dma_start3A_207 = arith.constant 0 : i32
      %dma_start3A_208 = arith.constant 0 : i32
      %dma_start3A_209 = tpu.memref_slice %arg11[%run_scoped3A_70, %dma_start3A_207, %dma_start3A_208] : memref<2x40x128xf32, #tpu.memory_space<vmem>> -> memref<1x40x128xf32, #tpu.memory_space<vmem>>
      %dma_start3A_210 = tpu.memref_squeeze %dma_start3A_209 : memref<1x40x128xf32, #tpu.memory_space<vmem>> -> memref<40x128xf32, #tpu.memory_space<vmem>>
      %dma_start3A_211 = arith.constant 0 : i32
      %dma_start3A_212 = tpu.memref_slice %arg12[%add3A_69, %dma_start3A_211] : memref<10240x128xf32, #tpu.memory_space<vmem_shared>> -> memref<40x128xf32, #tpu.memory_space<vmem_shared>>
      %dma_start3A_213 = arith.constant 0 : i32
      %dma_start3A_214 = tpu.memref_slice %arg12[%add3A_69, %dma_start3A_213] : memref<10240x128xf32, #tpu.memory_space<vmem_shared>> -> memref<40x128xf32, #tpu.memory_space<vmem_shared>>
      %dma_start3A_215 = arith.constant 0 : i32
      %dma_start3A_216 = arith.constant 0 : i32
      %dma_start3A_217 = tpu.memref_slice %arg11[%run_scoped3A_70, %dma_start3A_215, %dma_start3A_216] : memref<2x40x128xf32, #tpu.memory_space<vmem>> -> memref<1x40x128xf32, #tpu.memory_space<vmem>>
      %dma_start3A_218 = tpu.memref_squeeze %dma_start3A_217 : memref<1x40x128xf32, #tpu.memory_space<vmem>> -> memref<40x128xf32, #tpu.memory_space<vmem>>
      tpu.enqueue_dma source(%dma_start3A_218 : memref<40x128xf32, #tpu.memory_space<vmem>>) target(%dma_start3A_214 : memref<40x128xf32, #tpu.memory_space<vmem_shared>>) target_semaphore(%run_scoped3A_206 : memref<!tpu.dma_semaphore, #tpu.memory_space<semaphore_mem>>)
      %dma_wait3A_219 = arith.constant 0 : i32
      %dma_wait3A_220 = arith.constant 0 : i32
      %dma_wait3A_221 = tpu.memref_slice %arg11[%run_scoped3A_70, %dma_wait3A_219, %dma_wait3A_220] : memref<2x40x128xf32, #tpu.memory_space<vmem>> -> memref<1x40x128xf32, #tpu.memory_space<vmem>>
      %dma_wait3A_222 = tpu.memref_squeeze %dma_wait3A_221 : memref<1x40x128xf32, #tpu.memory_space<vmem>> -> memref<40x128xf32, #tpu.memory_space<vmem>>
      %dma_wait3A_223 = arith.constant 0 : i32
      %dma_wait3A_224 = tpu.memref_slice %arg12[%add3A_69, %dma_wait3A_223] : memref<10240x128xf32, #tpu.memory_space<vmem_shared>> -> memref<40x128xf32, #tpu.memory_space<vmem_shared>>
      %dma_wait3A_225 = arith.constant 0 : i32
      %dma_wait3A_226 = tpu.memref_slice %arg12[%add3A_69, %dma_wait3A_225] : memref<10240x128xf32, #tpu.memory_space<vmem_shared>> -> memref<40x128xf32, #tpu.memory_space<vmem_shared>>
      %dma_wait3A_227 = arith.constant 0 : i32
      %dma_wait3A_228 = arith.constant 0 : i32
      %dma_wait3A_229 = tpu.memref_slice %arg11[%run_scoped3A_70, %dma_wait3A_227, %dma_wait3A_228] : memref<2x40x128xf32, #tpu.memory_space<vmem>> -> memref<1x40x128xf32, #tpu.memory_space<vmem>>
      %dma_wait3A_230 = tpu.memref_squeeze %dma_wait3A_229 : memref<1x40x128xf32, #tpu.memory_space<vmem>> -> memref<40x128xf32, #tpu.memory_space<vmem>>
      tpu.wait_dma2 semaphore(%run_scoped3A_206 : memref<!tpu.dma_semaphore, #tpu.memory_space<semaphore_mem>>) src(%dma_wait3A_230 : memref<40x128xf32, #tpu.memory_space<vmem>>) dst(%dma_wait3A_226 : memref<40x128xf32, #tpu.memory_space<vmem_shared>>)
      tpu.yield
    }) : () -> ()
    %mul3A_71 = arith.constant 640 : i32
    %mul3A_72 = arith.muli %arg1, %mul3A_71 : i32
    %add3A_73 = arith.constant 520 : i32
    %add3A_74 = arith.addi %mul3A_72, %add3A_73 : i32
    %run_scoped3A_75 = arith.constant 0 : i32
    "tpu.region"() ({
      %run_scoped3A_206 = tpu.sem_alloc : memref<!tpu.dma_semaphore, #tpu.memory_space<semaphore_mem>>
      %dma_start3A_207 = arith.constant 0 : i32
      %dma_start3A_208 = arith.constant 0 : i32
      %dma_start3A_209 = tpu.memref_slice %arg11[%run_scoped3A_75, %dma_start3A_207, %dma_start3A_208] : memref<2x40x128xf32, #tpu.memory_space<vmem>> -> memref<1x40x128xf32, #tpu.memory_space<vmem>>
      %dma_start3A_210 = tpu.memref_squeeze %dma_start3A_209 : memref<1x40x128xf32, #tpu.memory_space<vmem>> -> memref<40x128xf32, #tpu.memory_space<vmem>>
      %dma_start3A_211 = arith.constant 0 : i32
      %dma_start3A_212 = tpu.memref_slice %arg12[%add3A_74, %dma_start3A_211] : memref<10240x128xf32, #tpu.memory_space<vmem_shared>> -> memref<40x128xf32, #tpu.memory_space<vmem_shared>>
      %dma_start3A_213 = arith.constant 0 : i32
      %dma_start3A_214 = tpu.memref_slice %arg12[%add3A_74, %dma_start3A_213] : memref<10240x128xf32, #tpu.memory_space<vmem_shared>> -> memref<40x128xf32, #tpu.memory_space<vmem_shared>>
      %dma_start3A_215 = arith.constant 0 : i32
      %dma_start3A_216 = arith.constant 0 : i32
      %dma_start3A_217 = tpu.memref_slice %arg11[%run_scoped3A_75, %dma_start3A_215, %dma_start3A_216] : memref<2x40x128xf32, #tpu.memory_space<vmem>> -> memref<1x40x128xf32, #tpu.memory_space<vmem>>
      %dma_start3A_218 = tpu.memref_squeeze %dma_start3A_217 : memref<1x40x128xf32, #tpu.memory_space<vmem>> -> memref<40x128xf32, #tpu.memory_space<vmem>>
      tpu.enqueue_dma source(%dma_start3A_218 : memref<40x128xf32, #tpu.memory_space<vmem>>) target(%dma_start3A_214 : memref<40x128xf32, #tpu.memory_space<vmem_shared>>) target_semaphore(%run_scoped3A_206 : memref<!tpu.dma_semaphore, #tpu.memory_space<semaphore_mem>>)
      %dma_wait3A_219 = arith.constant 0 : i32
      %dma_wait3A_220 = arith.constant 0 : i32
      %dma_wait3A_221 = tpu.memref_slice %arg11[%run_scoped3A_75, %dma_wait3A_219, %dma_wait3A_220] : memref<2x40x128xf32, #tpu.memory_space<vmem>> -> memref<1x40x128xf32, #tpu.memory_space<vmem>>
      %dma_wait3A_222 = tpu.memref_squeeze %dma_wait3A_221 : memref<1x40x128xf32, #tpu.memory_space<vmem>> -> memref<40x128xf32, #tpu.memory_space<vmem>>
      %dma_wait3A_223 = arith.constant 0 : i32
      %dma_wait3A_224 = tpu.memref_slice %arg12[%add3A_74, %dma_wait3A_223] : memref<10240x128xf32, #tpu.memory_space<vmem_shared>> -> memref<40x128xf32, #tpu.memory_space<vmem_shared>>
      %dma_wait3A_225 = arith.constant 0 : i32
      %dma_wait3A_226 = tpu.memref_slice %arg12[%add3A_74, %dma_wait3A_225] : memref<10240x128xf32, #tpu.memory_space<vmem_shared>> -> memref<40x128xf32, #tpu.memory_space<vmem_shared>>
      %dma_wait3A_227 = arith.constant 0 : i32
      %dma_wait3A_228 = arith.constant 0 : i32
      %dma_wait3A_229 = tpu.memref_slice %arg11[%run_scoped3A_75, %dma_wait3A_227, %dma_wait3A_228] : memref<2x40x128xf32, #tpu.memory_space<vmem>> -> memref<1x40x128xf32, #tpu.memory_space<vmem>>
      %dma_wait3A_230 = tpu.memref_squeeze %dma_wait3A_229 : memref<1x40x128xf32, #tpu.memory_space<vmem>> -> memref<40x128xf32, #tpu.memory_space<vmem>>
      tpu.wait_dma2 semaphore(%run_scoped3A_206 : memref<!tpu.dma_semaphore, #tpu.memory_space<semaphore_mem>>) src(%dma_wait3A_230 : memref<40x128xf32, #tpu.memory_space<vmem>>) dst(%dma_wait3A_226 : memref<40x128xf32, #tpu.memory_space<vmem_shared>>)
      tpu.yield
    }) : () -> ()
    %mul3A_76 = arith.constant 640 : i32
    %mul3A_77 = arith.muli %arg1, %mul3A_76 : i32
    %add3A_78 = arith.constant 560 : i32
    %add3A_79 = arith.addi %mul3A_77, %add3A_78 : i32
    %run_scoped3A_80 = arith.constant 0 : i32
    "tpu.region"() ({
      %run_scoped3A_206 = tpu.sem_alloc : memref<!tpu.dma_semaphore, #tpu.memory_space<semaphore_mem>>
      %dma_start3A_207 = arith.constant 0 : i32
      %dma_start3A_208 = arith.constant 0 : i32
      %dma_start3A_209 = tpu.memref_slice %arg11[%run_scoped3A_80, %dma_start3A_207, %dma_start3A_208] : memref<2x40x128xf32, #tpu.memory_space<vmem>> -> memref<1x40x128xf32, #tpu.memory_space<vmem>>
      %dma_start3A_210 = tpu.memref_squeeze %dma_start3A_209 : memref<1x40x128xf32, #tpu.memory_space<vmem>> -> memref<40x128xf32, #tpu.memory_space<vmem>>
      %dma_start3A_211 = arith.constant 0 : i32
      %dma_start3A_212 = tpu.memref_slice %arg12[%add3A_79, %dma_start3A_211] : memref<10240x128xf32, #tpu.memory_space<vmem_shared>> -> memref<40x128xf32, #tpu.memory_space<vmem_shared>>
      %dma_start3A_213 = arith.constant 0 : i32
      %dma_start3A_214 = tpu.memref_slice %arg12[%add3A_79, %dma_start3A_213] : memref<10240x128xf32, #tpu.memory_space<vmem_shared>> -> memref<40x128xf32, #tpu.memory_space<vmem_shared>>
      %dma_start3A_215 = arith.constant 0 : i32
      %dma_start3A_216 = arith.constant 0 : i32
      %dma_start3A_217 = tpu.memref_slice %arg11[%run_scoped3A_80, %dma_start3A_215, %dma_start3A_216] : memref<2x40x128xf32, #tpu.memory_space<vmem>> -> memref<1x40x128xf32, #tpu.memory_space<vmem>>
      %dma_start3A_218 = tpu.memref_squeeze %dma_start3A_217 : memref<1x40x128xf32, #tpu.memory_space<vmem>> -> memref<40x128xf32, #tpu.memory_space<vmem>>
      tpu.enqueue_dma source(%dma_start3A_218 : memref<40x128xf32, #tpu.memory_space<vmem>>) target(%dma_start3A_214 : memref<40x128xf32, #tpu.memory_space<vmem_shared>>) target_semaphore(%run_scoped3A_206 : memref<!tpu.dma_semaphore, #tpu.memory_space<semaphore_mem>>)
      %dma_wait3A_219 = arith.constant 0 : i32
      %dma_wait3A_220 = arith.constant 0 : i32
      %dma_wait3A_221 = tpu.memref_slice %arg11[%run_scoped3A_80, %dma_wait3A_219, %dma_wait3A_220] : memref<2x40x128xf32, #tpu.memory_space<vmem>> -> memref<1x40x128xf32, #tpu.memory_space<vmem>>
      %dma_wait3A_222 = tpu.memref_squeeze %dma_wait3A_221 : memref<1x40x128xf32, #tpu.memory_space<vmem>> -> memref<40x128xf32, #tpu.memory_space<vmem>>
      %dma_wait3A_223 = arith.constant 0 : i32
      %dma_wait3A_224 = tpu.memref_slice %arg12[%add3A_79, %dma_wait3A_223] : memref<10240x128xf32, #tpu.memory_space<vmem_shared>> -> memref<40x128xf32, #tpu.memory_space<vmem_shared>>
      %dma_wait3A_225 = arith.constant 0 : i32
      %dma_wait3A_226 = tpu.memref_slice %arg12[%add3A_79, %dma_wait3A_225] : memref<10240x128xf32, #tpu.memory_space<vmem_shared>> -> memref<40x128xf32, #tpu.memory_space<vmem_shared>>
      %dma_wait3A_227 = arith.constant 0 : i32
      %dma_wait3A_228 = arith.constant 0 : i32
      %dma_wait3A_229 = tpu.memref_slice %arg11[%run_scoped3A_80, %dma_wait3A_227, %dma_wait3A_228] : memref<2x40x128xf32, #tpu.memory_space<vmem>> -> memref<1x40x128xf32, #tpu.memory_space<vmem>>
      %dma_wait3A_230 = tpu.memref_squeeze %dma_wait3A_229 : memref<1x40x128xf32, #tpu.memory_space<vmem>> -> memref<40x128xf32, #tpu.memory_space<vmem>>
      tpu.wait_dma2 semaphore(%run_scoped3A_206 : memref<!tpu.dma_semaphore, #tpu.memory_space<semaphore_mem>>) src(%dma_wait3A_230 : memref<40x128xf32, #tpu.memory_space<vmem>>) dst(%dma_wait3A_226 : memref<40x128xf32, #tpu.memory_space<vmem_shared>>)
      tpu.yield
    }) : () -> ()
    %mul3A_81 = arith.constant 640 : i32
    %mul3A_82 = arith.muli %arg1, %mul3A_81 : i32
    %add3A_83 = arith.constant 600 : i32
    %add3A_84 = arith.addi %mul3A_82, %add3A_83 : i32
    %run_scoped3A_85 = arith.constant 0 : i32
    "tpu.region"() ({
      %run_scoped3A_206 = tpu.sem_alloc : memref<!tpu.dma_semaphore, #tpu.memory_space<semaphore_mem>>
      %dma_start3A_207 = arith.constant 0 : i32
      %dma_start3A_208 = arith.constant 0 : i32
      %dma_start3A_209 = tpu.memref_slice %arg11[%run_scoped3A_85, %dma_start3A_207, %dma_start3A_208] : memref<2x40x128xf32, #tpu.memory_space<vmem>> -> memref<1x40x128xf32, #tpu.memory_space<vmem>>
      %dma_start3A_210 = tpu.memref_squeeze %dma_start3A_209 : memref<1x40x128xf32, #tpu.memory_space<vmem>> -> memref<40x128xf32, #tpu.memory_space<vmem>>
      %dma_start3A_211 = arith.constant 0 : i32
      %dma_start3A_212 = tpu.memref_slice %arg12[%add3A_84, %dma_start3A_211] : memref<10240x128xf32, #tpu.memory_space<vmem_shared>> -> memref<40x128xf32, #tpu.memory_space<vmem_shared>>
      %dma_start3A_213 = arith.constant 0 : i32
      %dma_start3A_214 = tpu.memref_slice %arg12[%add3A_84, %dma_start3A_213] : memref<10240x128xf32, #tpu.memory_space<vmem_shared>> -> memref<40x128xf32, #tpu.memory_space<vmem_shared>>
      %dma_start3A_215 = arith.constant 0 : i32
      %dma_start3A_216 = arith.constant 0 : i32
      %dma_start3A_217 = tpu.memref_slice %arg11[%run_scoped3A_85, %dma_start3A_215, %dma_start3A_216] : memref<2x40x128xf32, #tpu.memory_space<vmem>> -> memref<1x40x128xf32, #tpu.memory_space<vmem>>
      %dma_start3A_218 = tpu.memref_squeeze %dma_start3A_217 : memref<1x40x128xf32, #tpu.memory_space<vmem>> -> memref<40x128xf32, #tpu.memory_space<vmem>>
      tpu.enqueue_dma source(%dma_start3A_218 : memref<40x128xf32, #tpu.memory_space<vmem>>) target(%dma_start3A_214 : memref<40x128xf32, #tpu.memory_space<vmem_shared>>) target_semaphore(%run_scoped3A_206 : memref<!tpu.dma_semaphore, #tpu.memory_space<semaphore_mem>>)
      %dma_wait3A_219 = arith.constant 0 : i32
      %dma_wait3A_220 = arith.constant 0 : i32
      %dma_wait3A_221 = tpu.memref_slice %arg11[%run_scoped3A_85, %dma_wait3A_219, %dma_wait3A_220] : memref<2x40x128xf32, #tpu.memory_space<vmem>> -> memref<1x40x128xf32, #tpu.memory_space<vmem>>
      %dma_wait3A_222 = tpu.memref_squeeze %dma_wait3A_221 : memref<1x40x128xf32, #tpu.memory_space<vmem>> -> memref<40x128xf32, #tpu.memory_space<vmem>>
      %dma_wait3A_223 = arith.constant 0 : i32
      %dma_wait3A_224 = tpu.memref_slice %arg12[%add3A_84, %dma_wait3A_223] : memref<10240x128xf32, #tpu.memory_space<vmem_shared>> -> memref<40x128xf32, #tpu.memory_space<vmem_shared>>
      %dma_wait3A_225 = arith.constant 0 : i32
      %dma_wait3A_226 = tpu.memref_slice %arg12[%add3A_84, %dma_wait3A_225] : memref<10240x128xf32, #tpu.memory_space<vmem_shared>> -> memref<40x128xf32, #tpu.memory_space<vmem_shared>>
      %dma_wait3A_227 = arith.constant 0 : i32
      %dma_wait3A_228 = arith.constant 0 : i32
      %dma_wait3A_229 = tpu.memref_slice %arg11[%run_scoped3A_85, %dma_wait3A_227, %dma_wait3A_228] : memref<2x40x128xf32, #tpu.memory_space<vmem>> -> memref<1x40x128xf32, #tpu.memory_space<vmem>>
      %dma_wait3A_230 = tpu.memref_squeeze %dma_wait3A_229 : memref<1x40x128xf32, #tpu.memory_space<vmem>> -> memref<40x128xf32, #tpu.memory_space<vmem>>
      tpu.wait_dma2 semaphore(%run_scoped3A_206 : memref<!tpu.dma_semaphore, #tpu.memory_space<semaphore_mem>>) src(%dma_wait3A_230 : memref<40x128xf32, #tpu.memory_space<vmem>>) dst(%dma_wait3A_226 : memref<40x128xf32, #tpu.memory_space<vmem_shared>>)
      tpu.yield
    }) : () -> ()
    %barrier3A = arith.constant 0 : index
    tpu.barrier barrier_id(%barrier3A)
    %mul3A_86 = arith.constant 10000 : i32
    %mul3A_87 = arith.muli %add3A, %mul3A_86 : i32
    %run_scoped3A_88 = arith.constant 0 : i32
    %run_scoped3A_89 = arith.constant 0 : i32
    "tpu.region"() ({
      %run_scoped3A_206 = tpu.sem_alloc : memref<!tpu.dma_semaphore, #tpu.memory_space<semaphore_mem>>
      %dma_start3A_207 = arith.constant 0 : i32
      %dma_start3A_208 = arith.constant 0 : i32
      %dma_start3A_209 = tpu.memref_slice %arg7[%run_scoped3A_89, %dma_start3A_207, %dma_start3A_208] : memref<2x10x40xi32, #tpu.memory_space<vmem>> -> memref<1x10x40xi32, #tpu.memory_space<vmem>>
      %dma_start3A_210 = tpu.memref_squeeze %dma_start3A_209 : memref<1x10x40xi32, #tpu.memory_space<vmem>> -> memref<10x40xi32, #tpu.memory_space<vmem>>
      %dma_start3A_211 = arith.constant 0 : i32
      %dma_start3A_212 = arith.constant 0 : i32
      %dma_start3A_213 = tpu.memref_slice %arg4[%add3A, %run_scoped3A_88, %dma_start3A_211, %dma_start3A_212] : memref<32x25x10x40xi32, #tpu.memory_space<hbm>> -> memref<1x1x10x40xi32, #tpu.memory_space<hbm>>
      %dma_start3A_214 = tpu.memref_squeeze %dma_start3A_213 : memref<1x1x10x40xi32, #tpu.memory_space<hbm>> -> memref<10x40xi32, #tpu.memory_space<hbm>>
      %dma_start3A_215 = arith.constant 0 : i32
      %dma_start3A_216 = arith.constant 0 : i32
      %dma_start3A_217 = tpu.memref_slice %arg7[%run_scoped3A_89, %dma_start3A_215, %dma_start3A_216] : memref<2x10x40xi32, #tpu.memory_space<vmem>> -> memref<1x10x40xi32, #tpu.memory_space<vmem>>
      %dma_start3A_218 = tpu.memref_squeeze %dma_start3A_217 : memref<1x10x40xi32, #tpu.memory_space<vmem>> -> memref<10x40xi32, #tpu.memory_space<vmem>>
      %dma_start3A_219 = arith.constant 0 : i32
      %dma_start3A_220 = arith.constant 0 : i32
      %dma_start3A_221 = tpu.memref_slice %arg4[%add3A, %run_scoped3A_88, %dma_start3A_219, %dma_start3A_220] : memref<32x25x10x40xi32, #tpu.memory_space<hbm>> -> memref<1x1x10x40xi32, #tpu.memory_space<hbm>>
      %dma_start3A_222 = tpu.memref_squeeze %dma_start3A_221 : memref<1x1x10x40xi32, #tpu.memory_space<hbm>> -> memref<10x40xi32, #tpu.memory_space<hbm>>
      tpu.enqueue_dma source(%dma_start3A_222 : memref<10x40xi32, #tpu.memory_space<hbm>>) target(%dma_start3A_218 : memref<10x40xi32, #tpu.memory_space<vmem>>) target_semaphore(%run_scoped3A_206 : memref<!tpu.dma_semaphore, #tpu.memory_space<semaphore_mem>>)
      %dma_wait3A_223 = arith.constant 0 : i32
      %dma_wait3A_224 = arith.constant 0 : i32
      %dma_wait3A_225 = tpu.memref_slice %arg7[%run_scoped3A_89, %dma_wait3A_223, %dma_wait3A_224] : memref<2x10x40xi32, #tpu.memory_space<vmem>> -> memref<1x10x40xi32, #tpu.memory_space<vmem>>
      %dma_wait3A_226 = tpu.memref_squeeze %dma_wait3A_225 : memref<1x10x40xi32, #tpu.memory_space<vmem>> -> memref<10x40xi32, #tpu.memory_space<vmem>>
      %dma_wait3A_227 = arith.constant 0 : i32
      %dma_wait3A_228 = arith.constant 0 : i32
      %dma_wait3A_229 = tpu.memref_slice %arg4[%add3A, %run_scoped3A_88, %dma_wait3A_227, %dma_wait3A_228] : memref<32x25x10x40xi32, #tpu.memory_space<hbm>> -> memref<1x1x10x40xi32, #tpu.memory_space<hbm>>
      %dma_wait3A_230 = tpu.memref_squeeze %dma_wait3A_229 : memref<1x1x10x40xi32, #tpu.memory_space<hbm>> -> memref<10x40xi32, #tpu.memory_space<hbm>>
      %dma_wait3A_231 = arith.constant 0 : i32
      %dma_wait3A_232 = arith.constant 0 : i32
      %dma_wait3A_233 = tpu.memref_slice %arg7[%run_scoped3A_89, %dma_wait3A_231, %dma_wait3A_232] : memref<2x10x40xi32, #tpu.memory_space<vmem>> -> memref<1x10x40xi32, #tpu.memory_space<vmem>>
      %dma_wait3A_234 = tpu.memref_squeeze %dma_wait3A_233 : memref<1x10x40xi32, #tpu.memory_space<vmem>> -> memref<10x40xi32, #tpu.memory_space<vmem>>
      %dma_wait3A_235 = arith.constant 0 : i32
      %dma_wait3A_236 = arith.constant 0 : i32
      %dma_wait3A_237 = tpu.memref_slice %arg4[%add3A, %run_scoped3A_88, %dma_wait3A_235, %dma_wait3A_236] : memref<32x25x10x40xi32, #tpu.memory_space<hbm>> -> memref<1x1x10x40xi32, #tpu.memory_space<hbm>>
      %dma_wait3A_238 = tpu.memref_squeeze %dma_wait3A_237 : memref<1x1x10x40xi32, #tpu.memory_space<hbm>> -> memref<10x40xi32, #tpu.memory_space<hbm>>
      tpu.wait_dma2 semaphore(%run_scoped3A_206 : memref<!tpu.dma_semaphore, #tpu.memory_space<semaphore_mem>>) src(%dma_wait3A_238 : memref<10x40xi32, #tpu.memory_space<hbm>>) dst(%dma_wait3A_234 : memref<10x40xi32, #tpu.memory_space<vmem>>)
      tpu.yield
    }) : () -> ()
    %run_scoped3A_90 = arith.constant 0 : i32
    %run_scoped3A_91 = arith.constant 0 : i32
    "tpu.region"() ({
      %run_scoped3A_206 = tpu.sem_alloc : memref<!tpu.dma_semaphore, #tpu.memory_space<semaphore_mem>>
      %dma_start3A_207 = arith.constant 0 : i32
      %dma_start3A_208 = arith.constant 0 : i32
      %dma_start3A_209 = tpu.memref_slice %arg8[%run_scoped3A_91, %dma_start3A_207, %dma_start3A_208] : memref<2x10x40xi32, #tpu.memory_space<vmem>> -> memref<1x10x40xi32, #tpu.memory_space<vmem>>
      %dma_start3A_210 = tpu.memref_squeeze %dma_start3A_209 : memref<1x10x40xi32, #tpu.memory_space<vmem>> -> memref<10x40xi32, #tpu.memory_space<vmem>>
      %dma_start3A_211 = arith.constant 0 : i32
      %dma_start3A_212 = arith.constant 0 : i32
      %dma_start3A_213 = tpu.memref_slice %arg5[%add3A, %run_scoped3A_90, %dma_start3A_211, %dma_start3A_212] : memref<32x25x10x40xi32, #tpu.memory_space<hbm>> -> memref<1x1x10x40xi32, #tpu.memory_space<hbm>>
      %dma_start3A_214 = tpu.memref_squeeze %dma_start3A_213 : memref<1x1x10x40xi32, #tpu.memory_space<hbm>> -> memref<10x40xi32, #tpu.memory_space<hbm>>
      %dma_start3A_215 = arith.constant 0 : i32
      %dma_start3A_216 = arith.constant 0 : i32
      %dma_start3A_217 = tpu.memref_slice %arg8[%run_scoped3A_91, %dma_start3A_215, %dma_start3A_216] : memref<2x10x40xi32, #tpu.memory_space<vmem>> -> memref<1x10x40xi32, #tpu.memory_space<vmem>>
      %dma_start3A_218 = tpu.memref_squeeze %dma_start3A_217 : memref<1x10x40xi32, #tpu.memory_space<vmem>> -> memref<10x40xi32, #tpu.memory_space<vmem>>
      %dma_start3A_219 = arith.constant 0 : i32
      %dma_start3A_220 = arith.constant 0 : i32
      %dma_start3A_221 = tpu.memref_slice %arg5[%add3A, %run_scoped3A_90, %dma_start3A_219, %dma_start3A_220] : memref<32x25x10x40xi32, #tpu.memory_space<hbm>> -> memref<1x1x10x40xi32, #tpu.memory_space<hbm>>
      %dma_start3A_222 = tpu.memref_squeeze %dma_start3A_221 : memref<1x1x10x40xi32, #tpu.memory_space<hbm>> -> memref<10x40xi32, #tpu.memory_space<hbm>>
      tpu.enqueue_dma source(%dma_start3A_222 : memref<10x40xi32, #tpu.memory_space<hbm>>) target(%dma_start3A_218 : memref<10x40xi32, #tpu.memory_space<vmem>>) target_semaphore(%run_scoped3A_206 : memref<!tpu.dma_semaphore, #tpu.memory_space<semaphore_mem>>)
      %dma_wait3A_223 = arith.constant 0 : i32
      %dma_wait3A_224 = arith.constant 0 : i32
      %dma_wait3A_225 = tpu.memref_slice %arg8[%run_scoped3A_91, %dma_wait3A_223, %dma_wait3A_224] : memref<2x10x40xi32, #tpu.memory_space<vmem>> -> memref<1x10x40xi32, #tpu.memory_space<vmem>>
      %dma_wait3A_226 = tpu.memref_squeeze %dma_wait3A_225 : memref<1x10x40xi32, #tpu.memory_space<vmem>> -> memref<10x40xi32, #tpu.memory_space<vmem>>
      %dma_wait3A_227 = arith.constant 0 : i32
      %dma_wait3A_228 = arith.constant 0 : i32
      %dma_wait3A_229 = tpu.memref_slice %arg5[%add3A, %run_scoped3A_90, %dma_wait3A_227, %dma_wait3A_228] : memref<32x25x10x40xi32, #tpu.memory_space<hbm>> -> memref<1x1x10x40xi32, #tpu.memory_space<hbm>>
      %dma_wait3A_230 = tpu.memref_squeeze %dma_wait3A_229 : memref<1x1x10x40xi32, #tpu.memory_space<hbm>> -> memref<10x40xi32, #tpu.memory_space<hbm>>
      %dma_wait3A_231 = arith.constant 0 : i32
      %dma_wait3A_232 = arith.constant 0 : i32
      %dma_wait3A_233 = tpu.memref_slice %arg8[%run_scoped3A_91, %dma_wait3A_231, %dma_wait3A_232] : memref<2x10x40xi32, #tpu.memory_space<vmem>> -> memref<1x10x40xi32, #tpu.memory_space<vmem>>
      %dma_wait3A_234 = tpu.memref_squeeze %dma_wait3A_233 : memref<1x10x40xi32, #tpu.memory_space<vmem>> -> memref<10x40xi32, #tpu.memory_space<vmem>>
      %dma_wait3A_235 = arith.constant 0 : i32
      %dma_wait3A_236 = arith.constant 0 : i32
      %dma_wait3A_237 = tpu.memref_slice %arg5[%add3A, %run_scoped3A_90, %dma_wait3A_235, %dma_wait3A_236] : memref<32x25x10x40xi32, #tpu.memory_space<hbm>> -> memref<1x1x10x40xi32, #tpu.memory_space<hbm>>
      %dma_wait3A_238 = tpu.memref_squeeze %dma_wait3A_237 : memref<1x1x10x40xi32, #tpu.memory_space<hbm>> -> memref<10x40xi32, #tpu.memory_space<hbm>>
      tpu.wait_dma2 semaphore(%run_scoped3A_206 : memref<!tpu.dma_semaphore, #tpu.memory_space<semaphore_mem>>) src(%dma_wait3A_238 : memref<10x40xi32, #tpu.memory_space<hbm>>) dst(%dma_wait3A_234 : memref<10x40xi32, #tpu.memory_space<vmem>>)
      tpu.yield
    }) : () -> ()
    %dma_start3A = arith.constant 0 : i32
    %dma_start3A_92 = arith.constant 0 : i32
    %dma_start3A_93 = arith.constant 0 : i32
    %dma_start3A_94 = arith.constant 0 : i32
    %dma_start3A_95 = arith.constant 0 : i32
    %dma_start3A_96 = arith.constant 0 : i32
    %dma_start3A_97 = tpu.memref_slice %arg9[%dma_start3A_93, %dma_start3A_95, %dma_start3A_96] : memref<2x40x128xf32, #tpu.memory_space<vmem>> -> memref<1x40x128xf32, #tpu.memory_space<vmem>>
    %dma_start3A_98 = tpu.memref_squeeze %dma_start3A_97 : memref<1x40x128xf32, #tpu.memory_space<vmem>> -> memref<40x128xf32, #tpu.memory_space<vmem>>
    %dma_start3A_99 = arith.constant 0 : i32
    %dma_start3A_100 = tpu.memref_slice %arg8[%dma_start3A, %dma_start3A_92, %dma_start3A_99] : memref<2x10x40xi32, #tpu.memory_space<vmem>> -> memref<1x1x40xi32, #tpu.memory_space<vmem>>
    %dma_start3A_101 = tpu.memref_squeeze %dma_start3A_100 : memref<1x1x40xi32, #tpu.memory_space<vmem>> -> memref<40xi32, #tpu.memory_space<vmem>>
    %dma_start3A_102 = arith.constant 0 : i32
    %dma_start3A_103 = arith.constant 0 : i32
    %dma_start3A_104 = tpu.memref_slice %arg2[%dma_start3A_102, %dma_start3A_103] : memref<10000x128xf32, #tpu.memory_space<hbm>> -> memref<10000x128xf32, #tpu.memory_space<hbm>>
    %dma_start3A_105 = tpu.memref_slice %arg13[%dma_start3A_94] : memref<2x!tpu.dma_semaphore, #tpu.memory_space<semaphore_mem>> -> memref<1x!tpu.dma_semaphore, #tpu.memory_space<semaphore_mem>>
    %dma_start3A_106 = tpu.memref_squeeze %dma_start3A_105 : memref<1x!tpu.dma_semaphore, #tpu.memory_space<semaphore_mem>> -> memref<!tpu.dma_semaphore, #tpu.memory_space<semaphore_mem>>
    tpu.enqueue_indirect_dma source(%dma_start3A_104 : memref<10000x128xf32, #tpu.memory_space<hbm>>) target(%dma_start3A_98 : memref<40x128xf32, #tpu.memory_space<vmem>>) offsets(%dma_start3A_101 : memref<40xi32, #tpu.memory_space<vmem>>) semaphore(%dma_start3A_106 : memref<!tpu.dma_semaphore, #tpu.memory_space<semaphore_mem>>)
    %add3A_107 = arith.constant 0 : i32
    %add3A_108 = arith.addi %mul3A_87, %add3A_107 : i32
    %dma_start3A_109 = arith.constant 0 : i32
    %dma_start3A_110 = arith.constant 0 : i32
    %dma_start3A_111 = arith.constant 0 : i32
    %dma_start3A_112 = arith.constant 0 : i32
    %dma_start3A_113 = tpu.memref_slice %arg10[%dma_start3A_109, %dma_start3A_111, %dma_start3A_112] : memref<2x40x128xf32, #tpu.memory_space<vmem>> -> memref<1x40x128xf32, #tpu.memory_space<vmem>>
    %dma_start3A_114 = tpu.memref_squeeze %dma_start3A_113 : memref<1x40x128xf32, #tpu.memory_space<vmem>> -> memref<40x128xf32, #tpu.memory_space<vmem>>
    %dma_start3A_115 = arith.constant 0 : i32
    %dma_start3A_116 = tpu.memref_slice %arg3[%add3A_108, %dma_start3A_115] : memref<320000x128xf32, #tpu.memory_space<hbm>> -> memref<40x128xf32, #tpu.memory_space<hbm>>
    %dma_start3A_117 = tpu.memref_slice %arg14[%dma_start3A_110] : memref<2x!tpu.dma_semaphore, #tpu.memory_space<semaphore_mem>> -> memref<1x!tpu.dma_semaphore, #tpu.memory_space<semaphore_mem>>
    %dma_start3A_118 = tpu.memref_squeeze %dma_start3A_117 : memref<1x!tpu.dma_semaphore, #tpu.memory_space<semaphore_mem>> -> memref<!tpu.dma_semaphore, #tpu.memory_space<semaphore_mem>>
    %dma_start3A_119 = arith.constant 0 : i32
    %dma_start3A_120 = arith.constant 0 : i32
    %dma_start3A_121 = tpu.memref_slice %arg10[%dma_start3A_109, %dma_start3A_119, %dma_start3A_120] : memref<2x40x128xf32, #tpu.memory_space<vmem>> -> memref<1x40x128xf32, #tpu.memory_space<vmem>>
    %dma_start3A_122 = tpu.memref_squeeze %dma_start3A_121 : memref<1x40x128xf32, #tpu.memory_space<vmem>> -> memref<40x128xf32, #tpu.memory_space<vmem>>
    %dma_start3A_123 = arith.constant 0 : i32
    %dma_start3A_124 = tpu.memref_slice %arg3[%add3A_108, %dma_start3A_123] : memref<320000x128xf32, #tpu.memory_space<hbm>> -> memref<40x128xf32, #tpu.memory_space<hbm>>
    tpu.enqueue_dma source(%dma_start3A_124 : memref<40x128xf32, #tpu.memory_space<hbm>>) target(%dma_start3A_122 : memref<40x128xf32, #tpu.memory_space<vmem>>) target_semaphore(%dma_start3A_118 : memref<!tpu.dma_semaphore, #tpu.memory_space<semaphore_mem>>)
    %dma_start3A_125 = arith.constant 0 : i32
    %dma_start3A_126 = arith.constant 1 : i32
    %dma_start3A_127 = arith.constant 1 : i32
    %dma_start3A_128 = arith.constant 1 : i32
    %dma_start3A_129 = arith.constant 0 : i32
    %dma_start3A_130 = arith.constant 0 : i32
    %dma_start3A_131 = tpu.memref_slice %arg9[%dma_start3A_127, %dma_start3A_129, %dma_start3A_130] : memref<2x40x128xf32, #tpu.memory_space<vmem>> -> memref<1x40x128xf32, #tpu.memory_space<vmem>>
    %dma_start3A_132 = tpu.memref_squeeze %dma_start3A_131 : memref<1x40x128xf32, #tpu.memory_space<vmem>> -> memref<40x128xf32, #tpu.memory_space<vmem>>
    %dma_start3A_133 = arith.constant 0 : i32
    %dma_start3A_134 = tpu.memref_slice %arg8[%dma_start3A_125, %dma_start3A_126, %dma_start3A_133] : memref<2x10x40xi32, #tpu.memory_space<vmem>> -> memref<1x1x40xi32, #tpu.memory_space<vmem>>
    %dma_start3A_135 = tpu.memref_squeeze %dma_start3A_134 : memref<1x1x40xi32, #tpu.memory_space<vmem>> -> memref<40xi32, #tpu.memory_space<vmem>>
    %dma_start3A_136 = arith.constant 0 : i32
    %dma_start3A_137 = arith.constant 0 : i32
    %dma_start3A_138 = tpu.memref_slice %arg2[%dma_start3A_136, %dma_start3A_137] : memref<10000x128xf32, #tpu.memory_space<hbm>> -> memref<10000x128xf32, #tpu.memory_space<hbm>>
    %dma_start3A_139 = tpu.memref_slice %arg13[%dma_start3A_128] : memref<2x!tpu.dma_semaphore, #tpu.memory_space<semaphore_mem>> -> memref<1x!tpu.dma_semaphore, #tpu.memory_space<semaphore_mem>>
    %dma_start3A_140 = tpu.memref_squeeze %dma_start3A_139 : memref<1x!tpu.dma_semaphore, #tpu.memory_space<semaphore_mem>> -> memref<!tpu.dma_semaphore, #tpu.memory_space<semaphore_mem>>
    tpu.enqueue_indirect_dma source(%dma_start3A_138 : memref<10000x128xf32, #tpu.memory_space<hbm>>) target(%dma_start3A_132 : memref<40x128xf32, #tpu.memory_space<vmem>>) offsets(%dma_start3A_135 : memref<40xi32, #tpu.memory_space<vmem>>) semaphore(%dma_start3A_140 : memref<!tpu.dma_semaphore, #tpu.memory_space<semaphore_mem>>)
    %add3A_141 = arith.constant 40 : i32
    %add3A_142 = arith.addi %mul3A_87, %add3A_141 : i32
    %dma_start3A_143 = arith.constant 1 : i32
    %dma_start3A_144 = arith.constant 1 : i32
    %dma_start3A_145 = arith.constant 0 : i32
    %dma_start3A_146 = arith.constant 0 : i32
    %dma_start3A_147 = tpu.memref_slice %arg10[%dma_start3A_143, %dma_start3A_145, %dma_start3A_146] : memref<2x40x128xf32, #tpu.memory_space<vmem>> -> memref<1x40x128xf32, #tpu.memory_space<vmem>>
    %dma_start3A_148 = tpu.memref_squeeze %dma_start3A_147 : memref<1x40x128xf32, #tpu.memory_space<vmem>> -> memref<40x128xf32, #tpu.memory_space<vmem>>
    %dma_start3A_149 = arith.constant 0 : i32
    %dma_start3A_150 = tpu.memref_slice %arg3[%add3A_142, %dma_start3A_149] : memref<320000x128xf32, #tpu.memory_space<hbm>> -> memref<40x128xf32, #tpu.memory_space<hbm>>
    %dma_start3A_151 = tpu.memref_slice %arg14[%dma_start3A_144] : memref<2x!tpu.dma_semaphore, #tpu.memory_space<semaphore_mem>> -> memref<1x!tpu.dma_semaphore, #tpu.memory_space<semaphore_mem>>
    %dma_start3A_152 = tpu.memref_squeeze %dma_start3A_151 : memref<1x!tpu.dma_semaphore, #tpu.memory_space<semaphore_mem>> -> memref<!tpu.dma_semaphore, #tpu.memory_space<semaphore_mem>>
    %dma_start3A_153 = arith.constant 0 : i32
    %dma_start3A_154 = arith.constant 0 : i32
    %dma_start3A_155 = tpu.memref_slice %arg10[%dma_start3A_143, %dma_start3A_153, %dma_start3A_154] : memref<2x40x128xf32, #tpu.memory_space<vmem>> -> memref<1x40x128xf32, #tpu.memory_space<vmem>>
    %dma_start3A_156 = tpu.memref_squeeze %dma_start3A_155 : memref<1x40x128xf32, #tpu.memory_space<vmem>> -> memref<40x128xf32, #tpu.memory_space<vmem>>
    %dma_start3A_157 = arith.constant 0 : i32
    %dma_start3A_158 = tpu.memref_slice %arg3[%add3A_142, %dma_start3A_157] : memref<320000x128xf32, #tpu.memory_space<hbm>> -> memref<40x128xf32, #tpu.memory_space<hbm>>
    tpu.enqueue_dma source(%dma_start3A_158 : memref<40x128xf32, #tpu.memory_space<hbm>>) target(%dma_start3A_156 : memref<40x128xf32, #tpu.memory_space<vmem>>) target_semaphore(%dma_start3A_152 : memref<!tpu.dma_semaphore, #tpu.memory_space<semaphore_mem>>)
    %scan3A_159 = arith.constant 0 : i32
    %scan3A_160 = arith.constant 0 : i32
    %scan3A_161 = arith.constant 125 : i32
    %scan3A_162 = arith.addi %scan3A_160, %scan3A_161 : i32
    %scan3A_163 = arith.constant 1 : i32
    scf.for %scan3A_206 = %scan3A_160 to %scan3A_162 step %scan3A_163  : i32 {
      %mul3A_207 = arith.constant 2 : i32
      %mul3A_208 = arith.muli %mul3A_207, %scan3A_206 : i32
      %add3A_209 = arith.constant 0 : i32
      %add3A_210 = arith.addi %mul3A_208, %add3A_209 : i32
      %dma_wait3A_211 = arith.constant 0 : i32
      %dma_wait3A_212 = arith.constant 0 : i32
      %dma_wait3A_213 = arith.constant 0 : i32
      %dma_wait3A_214 = arith.constant 0 : i32
      %dma_wait3A_215 = tpu.memref_slice %arg9[%dma_wait3A_211, %dma_wait3A_213, %dma_wait3A_214] : memref<2x40x128xf32, #tpu.memory_space<vmem>> -> memref<1x40x128xf32, #tpu.memory_space<vmem>>
      %dma_wait3A_216 = tpu.memref_squeeze %dma_wait3A_215 : memref<1x40x128xf32, #tpu.memory_space<vmem>> -> memref<40x128xf32, #tpu.memory_space<vmem>>
      %dma_wait3A_217 = arith.constant 0 : i32
      %dma_wait3A_218 = arith.constant 0 : i32
      %dma_wait3A_219 = tpu.memref_slice %arg2[%dma_wait3A_217, %dma_wait3A_218] : memref<10000x128xf32, #tpu.memory_space<hbm>> -> memref<40x128xf32, #tpu.memory_space<hbm>>
      %dma_wait3A_220 = tpu.memref_slice %arg13[%dma_wait3A_212] : memref<2x!tpu.dma_semaphore, #tpu.memory_space<semaphore_mem>> -> memref<1x!tpu.dma_semaphore, #tpu.memory_space<semaphore_mem>>
      %dma_wait3A_221 = tpu.memref_squeeze %dma_wait3A_220 : memref<1x!tpu.dma_semaphore, #tpu.memory_space<semaphore_mem>> -> memref<!tpu.dma_semaphore, #tpu.memory_space<semaphore_mem>>
      %dma_wait3A_222 = arith.constant 0 : i32
      %dma_wait3A_223 = arith.constant 0 : i32
      %dma_wait3A_224 = tpu.memref_slice %arg9[%dma_wait3A_211, %dma_wait3A_222, %dma_wait3A_223] : memref<2x40x128xf32, #tpu.memory_space<vmem>> -> memref<1x40x128xf32, #tpu.memory_space<vmem>>
      %dma_wait3A_225 = tpu.memref_squeeze %dma_wait3A_224 : memref<1x40x128xf32, #tpu.memory_space<vmem>> -> memref<40x128xf32, #tpu.memory_space<vmem>>
      %dma_wait3A_226 = arith.constant 0 : i32
      %dma_wait3A_227 = arith.constant 0 : i32
      %dma_wait3A_228 = tpu.memref_slice %arg2[%dma_wait3A_226, %dma_wait3A_227] : memref<10000x128xf32, #tpu.memory_space<hbm>> -> memref<40x128xf32, #tpu.memory_space<hbm>>
      tpu.wait_dma2 semaphore(%dma_wait3A_221 : memref<!tpu.dma_semaphore, #tpu.memory_space<semaphore_mem>>) src(%dma_wait3A_228 : memref<40x128xf32, #tpu.memory_space<hbm>>) dst(%dma_wait3A_225 : memref<40x128xf32, #tpu.memory_space<vmem>>)
      %dma_wait3A_229 = arith.constant 0 : i32
      %dma_wait3A_230 = arith.constant 0 : i32
      %dma_wait3A_231 = arith.constant 0 : i32
      %dma_wait3A_232 = arith.constant 0 : i32
      %dma_wait3A_233 = tpu.memref_slice %arg10[%dma_wait3A_229, %dma_wait3A_231, %dma_wait3A_232] : memref<2x40x128xf32, #tpu.memory_space<vmem>> -> memref<1x40x128xf32, #tpu.memory_space<vmem>>
      %dma_wait3A_234 = tpu.memref_squeeze %dma_wait3A_233 : memref<1x40x128xf32, #tpu.memory_space<vmem>> -> memref<40x128xf32, #tpu.memory_space<vmem>>
      %dma_wait3A_235 = arith.constant 0 : i32
      %dma_wait3A_236 = arith.constant 0 : i32
      %dma_wait3A_237 = tpu.memref_slice %arg3[%dma_wait3A_235, %dma_wait3A_236] : memref<320000x128xf32, #tpu.memory_space<hbm>> -> memref<40x128xf32, #tpu.memory_space<hbm>>
      %dma_wait3A_238 = tpu.memref_slice %arg14[%dma_wait3A_230] : memref<2x!tpu.dma_semaphore, #tpu.memory_space<semaphore_mem>> -> memref<1x!tpu.dma_semaphore, #tpu.memory_space<semaphore_mem>>
      %dma_wait3A_239 = tpu.memref_squeeze %dma_wait3A_238 : memref<1x!tpu.dma_semaphore, #tpu.memory_space<semaphore_mem>> -> memref<!tpu.dma_semaphore, #tpu.memory_space<semaphore_mem>>
      %dma_wait3A_240 = arith.constant 0 : i32
      %dma_wait3A_241 = arith.constant 0 : i32
      %dma_wait3A_242 = tpu.memref_slice %arg10[%dma_wait3A_229, %dma_wait3A_240, %dma_wait3A_241] : memref<2x40x128xf32, #tpu.memory_space<vmem>> -> memref<1x40x128xf32, #tpu.memory_space<vmem>>
      %dma_wait3A_243 = tpu.memref_squeeze %dma_wait3A_242 : memref<1x40x128xf32, #tpu.memory_space<vmem>> -> memref<40x128xf32, #tpu.memory_space<vmem>>
      %dma_wait3A_244 = arith.constant 0 : i32
      %dma_wait3A_245 = arith.constant 0 : i32
      %dma_wait3A_246 = tpu.memref_slice %arg3[%dma_wait3A_244, %dma_wait3A_245] : memref<320000x128xf32, #tpu.memory_space<hbm>> -> memref<40x128xf32, #tpu.memory_space<hbm>>
      tpu.wait_dma2 semaphore(%dma_wait3A_239 : memref<!tpu.dma_semaphore, #tpu.memory_space<semaphore_mem>>) src(%dma_wait3A_246 : memref<40x128xf32, #tpu.memory_space<hbm>>) dst(%dma_wait3A_243 : memref<40x128xf32, #tpu.memory_space<vmem>>)
      %ge3A = arith.constant 2 : i32
      %ge3A_247 = arith.cmpi sge, %add3A_210, %ge3A : i32
      %convert_element_type3A = arith.extui %ge3A_247 : i1 to i32
      %cond3A = arith.constant 0 : i32
      %cond3A_248 = arith.cmpi ne, %convert_element_type3A, %cond3A : i32
      scf.if %cond3A_248 {
        %dma_wait3A_455 = arith.constant 0 : i32
        %dma_wait3A_456 = arith.constant 0 : i32
        %dma_wait3A_457 = arith.constant 0 : i32
        %dma_wait3A_458 = arith.constant 0 : i32
        %dma_wait3A_459 = tpu.memref_slice %arg11[%dma_wait3A_455, %dma_wait3A_457, %dma_wait3A_458] : memref<2x40x128xf32, #tpu.memory_space<vmem>> -> memref<1x40x128xf32, #tpu.memory_space<vmem>>
        %dma_wait3A_460 = tpu.memref_squeeze %dma_wait3A_459 : memref<1x40x128xf32, #tpu.memory_space<vmem>> -> memref<40x128xf32, #tpu.memory_space<vmem>>
        %dma_wait3A_461 = arith.constant 0 : i32
        %dma_wait3A_462 = arith.constant 0 : i32
        %dma_wait3A_463 = tpu.memref_slice %arg12[%dma_wait3A_461, %dma_wait3A_462] : memref<10240x128xf32, #tpu.memory_space<vmem_shared>> -> memref<40x128xf32, #tpu.memory_space<vmem_shared>>
        %dma_wait3A_464 = tpu.memref_slice %arg15[%dma_wait3A_456] : memref<2x!tpu.dma_semaphore, #tpu.memory_space<semaphore_mem>> -> memref<1x!tpu.dma_semaphore, #tpu.memory_space<semaphore_mem>>
        %dma_wait3A_465 = tpu.memref_squeeze %dma_wait3A_464 : memref<1x!tpu.dma_semaphore, #tpu.memory_space<semaphore_mem>> -> memref<!tpu.dma_semaphore, #tpu.memory_space<semaphore_mem>>
        %dma_wait3A_466 = arith.constant 0 : i32
        %dma_wait3A_467 = arith.constant 0 : i32
        %dma_wait3A_468 = tpu.memref_slice %arg12[%dma_wait3A_466, %dma_wait3A_467] : memref<10240x128xf32, #tpu.memory_space<vmem_shared>> -> memref<40x128xf32, #tpu.memory_space<vmem_shared>>
        %dma_wait3A_469 = arith.constant 0 : i32
        %dma_wait3A_470 = arith.constant 0 : i32
        %dma_wait3A_471 = tpu.memref_slice %arg11[%dma_wait3A_455, %dma_wait3A_469, %dma_wait3A_470] : memref<2x40x128xf32, #tpu.memory_space<vmem>> -> memref<1x40x128xf32, #tpu.memory_space<vmem>>
        %dma_wait3A_472 = tpu.memref_squeeze %dma_wait3A_471 : memref<1x40x128xf32, #tpu.memory_space<vmem>> -> memref<40x128xf32, #tpu.memory_space<vmem>>
        tpu.wait_dma2 semaphore(%dma_wait3A_465 : memref<!tpu.dma_semaphore, #tpu.memory_space<semaphore_mem>>) src(%dma_wait3A_472 : memref<40x128xf32, #tpu.memory_space<vmem>>) dst(%dma_wait3A_468 : memref<40x128xf32, #tpu.memory_space<vmem_shared>>)
      } else {
      }
      %scan3A_249 = arith.constant 0 : i32
      %scan3A_250 = arith.constant 0 : i32
      %scan3A_251 = arith.constant 40 : i32
      %scan3A_252 = arith.addi %scan3A_250, %scan3A_251 : i32
      %scan3A_253 = arith.constant 1 : i32
      scf.for %scan3A_455 = %scan3A_250 to %scan3A_252 step %scan3A_253  : i32 {
        %get3A = arith.constant 0 : i32
        %get3A_456 = arith.index_cast %get3A : i32 to index
        %get3A_457 = arith.index_cast %scan3A_455 : i32 to index
        %get3A_458 = arith.constant 0 : index
        %get3A_459 = tpu.vector_load %arg9[%get3A_456, %get3A_457, %get3A_458] {strides = array<i32>} : memref<2x40x128xf32, #tpu.memory_space<vmem>>, vector<1x1x16xf32>,
        %get3A_460 = vector.shape_cast %get3A_459 : vector<1x1x16xf32> to vector<16xf32>
        %get3A_461 = arith.constant 0 : i32
        %get3A_462 = arith.index_cast %get3A_461 : i32 to index
        %get3A_463 = arith.index_cast %scan3A_455 : i32 to index
        %get3A_464 = arith.constant 0 : index
        %get3A_465 = tpu.vector_load %arg10[%get3A_462, %get3A_463, %get3A_464] {strides = array<i32>} : memref<2x40x128xf32, #tpu.memory_space<vmem>>, vector<1x1x16xf32>,
        %get3A_466 = vector.shape_cast %get3A_465 : vector<1x1x16xf32> to vector<16xf32>
        %mul3A_467 = arith.mulf %get3A_460, %get3A_466 : vector<16xf32>
        %swap3A = arith.constant 0 : i32
        %swap3A_468 = arith.index_cast %swap3A : i32 to index
        %swap3A_469 = arith.index_cast %scan3A_455 : i32 to index
        %swap3A_470 = arith.constant 0 : index
        %swap3A_471 = tpu.vector_load %arg11[%swap3A_468, %swap3A_469, %swap3A_470] {strides = array<i32>} : memref<2x40x128xf32, #tpu.memory_space<vmem>>, vector<1x1x16xf32>,
        %swap3A_472 = vector.shape_cast %swap3A_471 : vector<1x1x16xf32> to vector<16xf32>
        %swap3A_473 = vector.shape_cast %mul3A_467 : vector<16xf32> to vector<1x1x16xf32>
        tpu.vector_store %arg11[%swap3A_468, %swap3A_469, %swap3A_470], %swap3A_473 {strides = array<i32>} : memref<2x40x128xf32, #tpu.memory_space<vmem>>, vector<1x1x16xf32>,
        %get3A_474 = arith.constant 0 : i32
        %get3A_475 = arith.index_cast %get3A_474 : i32 to index
        %get3A_476 = arith.index_cast %scan3A_455 : i32 to index
        %get3A_477 = arith.constant 16 : index
        %get3A_478 = tpu.vector_load %arg9[%get3A_475, %get3A_476, %get3A_477] {strides = array<i32>} : memref<2x40x128xf32, #tpu.memory_space<vmem>>, vector<1x1x16xf32>,
        %get3A_479 = vector.shape_cast %get3A_478 : vector<1x1x16xf32> to vector<16xf32>
        %get3A_480 = arith.constant 0 : i32
        %get3A_481 = arith.index_cast %get3A_480 : i32 to index
        %get3A_482 = arith.index_cast %scan3A_455 : i32 to index
        %get3A_483 = arith.constant 16 : index
        %get3A_484 = tpu.vector_load %arg10[%get3A_481, %get3A_482, %get3A_483] {strides = array<i32>} : memref<2x40x128xf32, #tpu.memory_space<vmem>>, vector<1x1x16xf32>,
        %get3A_485 = vector.shape_cast %get3A_484 : vector<1x1x16xf32> to vector<16xf32>
        %mul3A_486 = arith.mulf %get3A_479, %get3A_485 : vector<16xf32>
        %swap3A_487 = arith.constant 0 : i32
        %swap3A_488 = arith.index_cast %swap3A_487 : i32 to index
        %swap3A_489 = arith.index_cast %scan3A_455 : i32 to index
        %swap3A_490 = arith.constant 16 : index
        %swap3A_491 = tpu.vector_load %arg11[%swap3A_488, %swap3A_489, %swap3A_490] {strides = array<i32>} : memref<2x40x128xf32, #tpu.memory_space<vmem>>, vector<1x1x16xf32>,
        %swap3A_492 = vector.shape_cast %swap3A_491 : vector<1x1x16xf32> to vector<16xf32>
        %swap3A_493 = vector.shape_cast %mul3A_486 : vector<16xf32> to vector<1x1x16xf32>
        tpu.vector_store %arg11[%swap3A_488, %swap3A_489, %swap3A_490], %swap3A_493 {strides = array<i32>} : memref<2x40x128xf32, #tpu.memory_space<vmem>>, vector<1x1x16xf32>,
        %get3A_494 = arith.constant 0 : i32
        %get3A_495 = arith.index_cast %get3A_494 : i32 to index
        %get3A_496 = arith.index_cast %scan3A_455 : i32 to index
        %get3A_497 = arith.constant 32 : index
        %get3A_498 = tpu.vector_load %arg9[%get3A_495, %get3A_496, %get3A_497] {strides = array<i32>} : memref<2x40x128xf32, #tpu.memory_space<vmem>>, vector<1x1x16xf32>,
        %get3A_499 = vector.shape_cast %get3A_498 : vector<1x1x16xf32> to vector<16xf32>
        %get3A_500 = arith.constant 0 : i32
        %get3A_501 = arith.index_cast %get3A_500 : i32 to index
        %get3A_502 = arith.index_cast %scan3A_455 : i32 to index
        %get3A_503 = arith.constant 32 : index
        %get3A_504 = tpu.vector_load %arg10[%get3A_501, %get3A_502, %get3A_503] {strides = array<i32>} : memref<2x40x128xf32, #tpu.memory_space<vmem>>, vector<1x1x16xf32>,
        %get3A_505 = vector.shape_cast %get3A_504 : vector<1x1x16xf32> to vector<16xf32>
        %mul3A_506 = arith.mulf %get3A_499, %get3A_505 : vector<16xf32>
        %swap3A_507 = arith.constant 0 : i32
        %swap3A_508 = arith.index_cast %swap3A_507 : i32 to index
        %swap3A_509 = arith.index_cast %scan3A_455 : i32 to index
        %swap3A_510 = arith.constant 32 : index
        %swap3A_511 = tpu.vector_load %arg11[%swap3A_508, %swap3A_509, %swap3A_510] {strides = array<i32>} : memref<2x40x128xf32, #tpu.memory_space<vmem>>, vector<1x1x16xf32>,
        %swap3A_512 = vector.shape_cast %swap3A_511 : vector<1x1x16xf32> to vector<16xf32>
        %swap3A_513 = vector.shape_cast %mul3A_506 : vector<16xf32> to vector<1x1x16xf32>
        tpu.vector_store %arg11[%swap3A_508, %swap3A_509, %swap3A_510], %swap3A_513 {strides = array<i32>} : memref<2x40x128xf32, #tpu.memory_space<vmem>>, vector<1x1x16xf32>,
        %get3A_514 = arith.constant 0 : i32
        %get3A_515 = arith.index_cast %get3A_514 : i32 to index
        %get3A_516 = arith.index_cast %scan3A_455 : i32 to index
        %get3A_517 = arith.constant 48 : index
        %get3A_518 = tpu.vector_load %arg9[%get3A_515, %get3A_516, %get3A_517] {strides = array<i32>} : memref<2x40x128xf32, #tpu.memory_space<vmem>>, vector<1x1x16xf32>,
        %get3A_519 = vector.shape_cast %get3A_518 : vector<1x1x16xf32> to vector<16xf32>
        %get3A_520 = arith.constant 0 : i32
        %get3A_521 = arith.index_cast %get3A_520 : i32 to index
        %get3A_522 = arith.index_cast %scan3A_455 : i32 to index
        %get3A_523 = arith.constant 48 : index
        %get3A_524 = tpu.vector_load %arg10[%get3A_521, %get3A_522, %get3A_523] {strides = array<i32>} : memref<2x40x128xf32, #tpu.memory_space<vmem>>, vector<1x1x16xf32>,
        %get3A_525 = vector.shape_cast %get3A_524 : vector<1x1x16xf32> to vector<16xf32>
        %mul3A_526 = arith.mulf %get3A_519, %get3A_525 : vector<16xf32>
        %swap3A_527 = arith.constant 0 : i32
        %swap3A_528 = arith.index_cast %swap3A_527 : i32 to index
        %swap3A_529 = arith.index_cast %scan3A_455 : i32 to index
        %swap3A_530 = arith.constant 48 : index
        %swap3A_531 = tpu.vector_load %arg11[%swap3A_528, %swap3A_529, %swap3A_530] {strides = array<i32>} : memref<2x40x128xf32, #tpu.memory_space<vmem>>, vector<1x1x16xf32>,
        %swap3A_532 = vector.shape_cast %swap3A_531 : vector<1x1x16xf32> to vector<16xf32>
        %swap3A_533 = vector.shape_cast %mul3A_526 : vector<16xf32> to vector<1x1x16xf32>
        tpu.vector_store %arg11[%swap3A_528, %swap3A_529, %swap3A_530], %swap3A_533 {strides = array<i32>} : memref<2x40x128xf32, #tpu.memory_space<vmem>>, vector<1x1x16xf32>,
        %get3A_534 = arith.constant 0 : i32
        %get3A_535 = arith.index_cast %get3A_534 : i32 to index
        %get3A_536 = arith.index_cast %scan3A_455 : i32 to index
        %get3A_537 = arith.constant 64 : index
        %get3A_538 = tpu.vector_load %arg9[%get3A_535, %get3A_536, %get3A_537] {strides = array<i32>} : memref<2x40x128xf32, #tpu.memory_space<vmem>>, vector<1x1x16xf32>,
        %get3A_539 = vector.shape_cast %get3A_538 : vector<1x1x16xf32> to vector<16xf32>
        %get3A_540 = arith.constant 0 : i32
        %get3A_541 = arith.index_cast %get3A_540 : i32 to index
        %get3A_542 = arith.index_cast %scan3A_455 : i32 to index
        %get3A_543 = arith.constant 64 : index
        %get3A_544 = tpu.vector_load %arg10[%get3A_541, %get3A_542, %get3A_543] {strides = array<i32>} : memref<2x40x128xf32, #tpu.memory_space<vmem>>, vector<1x1x16xf32>,
        %get3A_545 = vector.shape_cast %get3A_544 : vector<1x1x16xf32> to vector<16xf32>
        %mul3A_546 = arith.mulf %get3A_539, %get3A_545 : vector<16xf32>
        %swap3A_547 = arith.constant 0 : i32
        %swap3A_548 = arith.index_cast %swap3A_547 : i32 to index
        %swap3A_549 = arith.index_cast %scan3A_455 : i32 to index
        %swap3A_550 = arith.constant 64 : index
        %swap3A_551 = tpu.vector_load %arg11[%swap3A_548, %swap3A_549, %swap3A_550] {strides = array<i32>} : memref<2x40x128xf32, #tpu.memory_space<vmem>>, vector<1x1x16xf32>,
        %swap3A_552 = vector.shape_cast %swap3A_551 : vector<1x1x16xf32> to vector<16xf32>
        %swap3A_553 = vector.shape_cast %mul3A_546 : vector<16xf32> to vector<1x1x16xf32>
        tpu.vector_store %arg11[%swap3A_548, %swap3A_549, %swap3A_550], %swap3A_553 {strides = array<i32>} : memref<2x40x128xf32, #tpu.memory_space<vmem>>, vector<1x1x16xf32>,
        %get3A_554 = arith.constant 0 : i32
        %get3A_555 = arith.index_cast %get3A_554 : i32 to index
        %get3A_556 = arith.index_cast %scan3A_455 : i32 to index
        %get3A_557 = arith.constant 80 : index
        %get3A_558 = tpu.vector_load %arg9[%get3A_555, %get3A_556, %get3A_557] {strides = array<i32>} : memref<2x40x128xf32, #tpu.memory_space<vmem>>, vector<1x1x16xf32>,
        %get3A_559 = vector.shape_cast %get3A_558 : vector<1x1x16xf32> to vector<16xf32>
        %get3A_560 = arith.constant 0 : i32
        %get3A_561 = arith.index_cast %get3A_560 : i32 to index
        %get3A_562 = arith.index_cast %scan3A_455 : i32 to index
        %get3A_563 = arith.constant 80 : index
        %get3A_564 = tpu.vector_load %arg10[%get3A_561, %get3A_562, %get3A_563] {strides = array<i32>} : memref<2x40x128xf32, #tpu.memory_space<vmem>>, vector<1x1x16xf32>,
        %get3A_565 = vector.shape_cast %get3A_564 : vector<1x1x16xf32> to vector<16xf32>
        %mul3A_566 = arith.mulf %get3A_559, %get3A_565 : vector<16xf32>
        %swap3A_567 = arith.constant 0 : i32
        %swap3A_568 = arith.index_cast %swap3A_567 : i32 to index
        %swap3A_569 = arith.index_cast %scan3A_455 : i32 to index
        %swap3A_570 = arith.constant 80 : index
        %swap3A_571 = tpu.vector_load %arg11[%swap3A_568, %swap3A_569, %swap3A_570] {strides = array<i32>} : memref<2x40x128xf32, #tpu.memory_space<vmem>>, vector<1x1x16xf32>,
        %swap3A_572 = vector.shape_cast %swap3A_571 : vector<1x1x16xf32> to vector<16xf32>
        %swap3A_573 = vector.shape_cast %mul3A_566 : vector<16xf32> to vector<1x1x16xf32>
        tpu.vector_store %arg11[%swap3A_568, %swap3A_569, %swap3A_570], %swap3A_573 {strides = array<i32>} : memref<2x40x128xf32, #tpu.memory_space<vmem>>, vector<1x1x16xf32>,
        %get3A_574 = arith.constant 0 : i32
        %get3A_575 = arith.index_cast %get3A_574 : i32 to index
        %get3A_576 = arith.index_cast %scan3A_455 : i32 to index
        %get3A_577 = arith.constant 96 : index
        %get3A_578 = tpu.vector_load %arg9[%get3A_575, %get3A_576, %get3A_577] {strides = array<i32>} : memref<2x40x128xf32, #tpu.memory_space<vmem>>, vector<1x1x16xf32>,
        %get3A_579 = vector.shape_cast %get3A_578 : vector<1x1x16xf32> to vector<16xf32>
        %get3A_580 = arith.constant 0 : i32
        %get3A_581 = arith.index_cast %get3A_580 : i32 to index
        %get3A_582 = arith.index_cast %scan3A_455 : i32 to index
        %get3A_583 = arith.constant 96 : index
        %get3A_584 = tpu.vector_load %arg10[%get3A_581, %get3A_582, %get3A_583] {strides = array<i32>} : memref<2x40x128xf32, #tpu.memory_space<vmem>>, vector<1x1x16xf32>,
        %get3A_585 = vector.shape_cast %get3A_584 : vector<1x1x16xf32> to vector<16xf32>
        %mul3A_586 = arith.mulf %get3A_579, %get3A_585 : vector<16xf32>
        %swap3A_587 = arith.constant 0 : i32
        %swap3A_588 = arith.index_cast %swap3A_587 : i32 to index
        %swap3A_589 = arith.index_cast %scan3A_455 : i32 to index
        %swap3A_590 = arith.constant 96 : index
        %swap3A_591 = tpu.vector_load %arg11[%swap3A_588, %swap3A_589, %swap3A_590] {strides = array<i32>} : memref<2x40x128xf32, #tpu.memory_space<vmem>>, vector<1x1x16xf32>,
        %swap3A_592 = vector.shape_cast %swap3A_591 : vector<1x1x16xf32> to vector<16xf32>
        %swap3A_593 = vector.shape_cast %mul3A_586 : vector<16xf32> to vector<1x1x16xf32>
        tpu.vector_store %arg11[%swap3A_588, %swap3A_589, %swap3A_590], %swap3A_593 {strides = array<i32>} : memref<2x40x128xf32, #tpu.memory_space<vmem>>, vector<1x1x16xf32>,
        %get3A_594 = arith.constant 0 : i32
        %get3A_595 = arith.index_cast %get3A_594 : i32 to index
        %get3A_596 = arith.index_cast %scan3A_455 : i32 to index
        %get3A_597 = arith.constant 112 : index
        %get3A_598 = tpu.vector_load %arg9[%get3A_595, %get3A_596, %get3A_597] {strides = array<i32>} : memref<2x40x128xf32, #tpu.memory_space<vmem>>, vector<1x1x16xf32>,
        %get3A_599 = vector.shape_cast %get3A_598 : vector<1x1x16xf32> to vector<16xf32>
        %get3A_600 = arith.constant 0 : i32
        %get3A_601 = arith.index_cast %get3A_600 : i32 to index
        %get3A_602 = arith.index_cast %scan3A_455 : i32 to index
        %get3A_603 = arith.constant 112 : index
        %get3A_604 = tpu.vector_load %arg10[%get3A_601, %get3A_602, %get3A_603] {strides = array<i32>} : memref<2x40x128xf32, #tpu.memory_space<vmem>>, vector<1x1x16xf32>,
        %get3A_605 = vector.shape_cast %get3A_604 : vector<1x1x16xf32> to vector<16xf32>
        %mul3A_606 = arith.mulf %get3A_599, %get3A_605 : vector<16xf32>
        %swap3A_607 = arith.constant 0 : i32
        %swap3A_608 = arith.index_cast %swap3A_607 : i32 to index
        %swap3A_609 = arith.index_cast %scan3A_455 : i32 to index
        %swap3A_610 = arith.constant 112 : index
        %swap3A_611 = tpu.vector_load %arg11[%swap3A_608, %swap3A_609, %swap3A_610] {strides = array<i32>} : memref<2x40x128xf32, #tpu.memory_space<vmem>>, vector<1x1x16xf32>,
        %swap3A_612 = vector.shape_cast %swap3A_611 : vector<1x1x16xf32> to vector<16xf32>
        %swap3A_613 = vector.shape_cast %mul3A_606 : vector<16xf32> to vector<1x1x16xf32>
        tpu.vector_store %arg11[%swap3A_608, %swap3A_609, %swap3A_610], %swap3A_613 {strides = array<i32>} : memref<2x40x128xf32, #tpu.memory_space<vmem>>, vector<1x1x16xf32>,
      }
      %scan3A_254 = arith.constant 40 : i32
      %add3A_255 = arith.constant 2 : i32
      %add3A_256 = arith.addi %add3A_210, %add3A_255 : i32
      %jit3A = arith.constant 10 : i32
      %div3A = arith.divsi %add3A_256, %jit3A : i32
      %sign3A = arith.constant 0 : i32
      %sign3A_257 = arith.cmpi sgt, %add3A_256, %sign3A : i32
      %sign3A_258 = arith.extui %sign3A_257 : i1 to i32
      %sign3A_259 = arith.constant 0 : i32
      %sign3A_260 = arith.cmpi slt, %add3A_256, %sign3A_259 : i32
      %sign3A_261 = arith.extui %sign3A_260 : i1 to i32
      %sign3A_262 = arith.subi %sign3A_258, %sign3A_261 : i32
      %sign3A_263 = arith.constant 0 : i32
      %sign3A_264 = arith.cmpi sgt, %jit3A, %sign3A_263 : i32
      %sign3A_265 = arith.extui %sign3A_264 : i1 to i32
      %sign3A_266 = arith.constant 0 : i32
      %sign3A_267 = arith.cmpi slt, %jit3A, %sign3A_266 : i32
      %sign3A_268 = arith.extui %sign3A_267 : i1 to i32
      %sign3A_269 = arith.subi %sign3A_265, %sign3A_268 : i32
      %ne3A = arith.cmpi ne, %sign3A_262, %sign3A_269 : i32
      %rem3A = arith.remsi %add3A_256, %jit3A : i32
      %ne3A_270 = arith.constant 0 : i32
      %ne3A_271 = arith.cmpi ne, %rem3A, %ne3A_270 : i32
      %and3A = arith.andi %ne3A, %ne3A_271 : i1
      %sub3A = arith.constant 1 : i32
      %sub3A_272 = arith.subi %div3A, %sub3A : i32
      %select_n3A = arith.select %and3A, %sub3A_272, %div3A : i32
      %rem3A_273 = arith.constant 2 : i32
      %rem3A_274 = arith.remsi %select_n3A, %rem3A_273 : i32
      %mul3A_275 = arith.constant 10 : i32
      %mul3A_276 = arith.muli %select_n3A, %mul3A_275 : i32
      %sub3A_277 = arith.subi %add3A_256, %mul3A_276 : i32
      %lt3A = arith.constant 250 : i32
      %lt3A_278 = arith.cmpi slt, %add3A_256, %lt3A : i32
      %convert_element_type3A_279 = arith.extui %lt3A_278 : i1 to i32
      %cond3A_280 = arith.constant 0 : i32
      %cond3A_281 = arith.cmpi ne, %convert_element_type3A_279, %cond3A_280 : i32
      scf.if %cond3A_281 {
        %eq3A = arith.constant 0 : i32
        %eq3A_455 = arith.cmpi eq, %sub3A_277, %eq3A : i32
        %convert_element_type3A_456 = arith.extui %eq3A_455 : i1 to i32
        %cond3A_457 = arith.constant 0 : i32
        %cond3A_458 = arith.cmpi ne, %convert_element_type3A_456, %cond3A_457 : i32
        scf.if %cond3A_458 {
          "tpu.region"() ({
            %run_scoped3A_492 = tpu.sem_alloc : memref<!tpu.dma_semaphore, #tpu.memory_space<semaphore_mem>>
            %dma_start3A_493 = arith.constant 0 : i32
            %dma_start3A_494 = arith.constant 0 : i32
            %dma_start3A_495 = tpu.memref_slice %arg7[%rem3A_274, %dma_start3A_493, %dma_start3A_494] : memref<2x10x40xi32, #tpu.memory_space<vmem>> -> memref<1x10x40xi32, #tpu.memory_space<vmem>>
            %dma_start3A_496 = tpu.memref_squeeze %dma_start3A_495 : memref<1x10x40xi32, #tpu.memory_space<vmem>> -> memref<10x40xi32, #tpu.memory_space<vmem>>
            %dma_start3A_497 = arith.constant 0 : i32
            %dma_start3A_498 = arith.constant 0 : i32
            %dma_start3A_499 = tpu.memref_slice %arg4[%add3A, %select_n3A, %dma_start3A_497, %dma_start3A_498] : memref<32x25x10x40xi32, #tpu.memory_space<hbm>> -> memref<1x1x10x40xi32, #tpu.memory_space<hbm>>
            %dma_start3A_500 = tpu.memref_squeeze %dma_start3A_499 : memref<1x1x10x40xi32, #tpu.memory_space<hbm>> -> memref<10x40xi32, #tpu.memory_space<hbm>>
            %dma_start3A_501 = arith.constant 0 : i32
            %dma_start3A_502 = arith.constant 0 : i32
            %dma_start3A_503 = tpu.memref_slice %arg7[%rem3A_274, %dma_start3A_501, %dma_start3A_502] : memref<2x10x40xi32, #tpu.memory_space<vmem>> -> memref<1x10x40xi32, #tpu.memory_space<vmem>>
            %dma_start3A_504 = tpu.memref_squeeze %dma_start3A_503 : memref<1x10x40xi32, #tpu.memory_space<vmem>> -> memref<10x40xi32, #tpu.memory_space<vmem>>
            %dma_start3A_505 = arith.constant 0 : i32
            %dma_start3A_506 = arith.constant 0 : i32
            %dma_start3A_507 = tpu.memref_slice %arg4[%add3A, %select_n3A, %dma_start3A_505, %dma_start3A_506] : memref<32x25x10x40xi32, #tpu.memory_space<hbm>> -> memref<1x1x10x40xi32, #tpu.memory_space<hbm>>
            %dma_start3A_508 = tpu.memref_squeeze %dma_start3A_507 : memref<1x1x10x40xi32, #tpu.memory_space<hbm>> -> memref<10x40xi32, #tpu.memory_space<hbm>>
            tpu.enqueue_dma source(%dma_start3A_508 : memref<10x40xi32, #tpu.memory_space<hbm>>) target(%dma_start3A_504 : memref<10x40xi32, #tpu.memory_space<vmem>>) target_semaphore(%run_scoped3A_492 : memref<!tpu.dma_semaphore, #tpu.memory_space<semaphore_mem>>)
            %dma_wait3A_509 = arith.constant 0 : i32
            %dma_wait3A_510 = arith.constant 0 : i32
            %dma_wait3A_511 = tpu.memref_slice %arg7[%rem3A_274, %dma_wait3A_509, %dma_wait3A_510] : memref<2x10x40xi32, #tpu.memory_space<vmem>> -> memref<1x10x40xi32, #tpu.memory_space<vmem>>
            %dma_wait3A_512 = tpu.memref_squeeze %dma_wait3A_511 : memref<1x10x40xi32, #tpu.memory_space<vmem>> -> memref<10x40xi32, #tpu.memory_space<vmem>>
            %dma_wait3A_513 = arith.constant 0 : i32
            %dma_wait3A_514 = arith.constant 0 : i32
            %dma_wait3A_515 = tpu.memref_slice %arg4[%add3A, %select_n3A, %dma_wait3A_513, %dma_wait3A_514] : memref<32x25x10x40xi32, #tpu.memory_space<hbm>> -> memref<1x1x10x40xi32, #tpu.memory_space<hbm>>
            %dma_wait3A_516 = tpu.memref_squeeze %dma_wait3A_515 : memref<1x1x10x40xi32, #tpu.memory_space<hbm>> -> memref<10x40xi32, #tpu.memory_space<hbm>>
            %dma_wait3A_517 = arith.constant 0 : i32
            %dma_wait3A_518 = arith.constant 0 : i32
            %dma_wait3A_519 = tpu.memref_slice %arg7[%rem3A_274, %dma_wait3A_517, %dma_wait3A_518] : memref<2x10x40xi32, #tpu.memory_space<vmem>> -> memref<1x10x40xi32, #tpu.memory_space<vmem>>
            %dma_wait3A_520 = tpu.memref_squeeze %dma_wait3A_519 : memref<1x10x40xi32, #tpu.memory_space<vmem>> -> memref<10x40xi32, #tpu.memory_space<vmem>>
            %dma_wait3A_521 = arith.constant 0 : i32
            %dma_wait3A_522 = arith.constant 0 : i32
            %dma_wait3A_523 = tpu.memref_slice %arg4[%add3A, %select_n3A, %dma_wait3A_521, %dma_wait3A_522] : memref<32x25x10x40xi32, #tpu.memory_space<hbm>> -> memref<1x1x10x40xi32, #tpu.memory_space<hbm>>
            %dma_wait3A_524 = tpu.memref_squeeze %dma_wait3A_523 : memref<1x1x10x40xi32, #tpu.memory_space<hbm>> -> memref<10x40xi32, #tpu.memory_space<hbm>>
            tpu.wait_dma2 semaphore(%run_scoped3A_492 : memref<!tpu.dma_semaphore, #tpu.memory_space<semaphore_mem>>) src(%dma_wait3A_524 : memref<10x40xi32, #tpu.memory_space<hbm>>) dst(%dma_wait3A_520 : memref<10x40xi32, #tpu.memory_space<vmem>>)
            tpu.yield
          }) : () -> ()
          "tpu.region"() ({
            %run_scoped3A_492 = tpu.sem_alloc : memref<!tpu.dma_semaphore, #tpu.memory_space<semaphore_mem>>
            %dma_start3A_493 = arith.constant 0 : i32
            %dma_start3A_494 = arith.constant 0 : i32
            %dma_start3A_495 = tpu.memref_slice %arg8[%rem3A_274, %dma_start3A_493, %dma_start3A_494] : memref<2x10x40xi32, #tpu.memory_space<vmem>> -> memref<1x10x40xi32, #tpu.memory_space<vmem>>
            %dma_start3A_496 = tpu.memref_squeeze %dma_start3A_495 : memref<1x10x40xi32, #tpu.memory_space<vmem>> -> memref<10x40xi32, #tpu.memory_space<vmem>>
            %dma_start3A_497 = arith.constant 0 : i32
            %dma_start3A_498 = arith.constant 0 : i32
            %dma_start3A_499 = tpu.memref_slice %arg5[%add3A, %select_n3A, %dma_start3A_497, %dma_start3A_498] : memref<32x25x10x40xi32, #tpu.memory_space<hbm>> -> memref<1x1x10x40xi32, #tpu.memory_space<hbm>>
            %dma_start3A_500 = tpu.memref_squeeze %dma_start3A_499 : memref<1x1x10x40xi32, #tpu.memory_space<hbm>> -> memref<10x40xi32, #tpu.memory_space<hbm>>
            %dma_start3A_501 = arith.constant 0 : i32
            %dma_start3A_502 = arith.constant 0 : i32
            %dma_start3A_503 = tpu.memref_slice %arg8[%rem3A_274, %dma_start3A_501, %dma_start3A_502] : memref<2x10x40xi32, #tpu.memory_space<vmem>> -> memref<1x10x40xi32, #tpu.memory_space<vmem>>
            %dma_start3A_504 = tpu.memref_squeeze %dma_start3A_503 : memref<1x10x40xi32, #tpu.memory_space<vmem>> -> memref<10x40xi32, #tpu.memory_space<vmem>>
            %dma_start3A_505 = arith.constant 0 : i32
            %dma_start3A_506 = arith.constant 0 : i32
            %dma_start3A_507 = tpu.memref_slice %arg5[%add3A, %select_n3A, %dma_start3A_505, %dma_start3A_506] : memref<32x25x10x40xi32, #tpu.memory_space<hbm>> -> memref<1x1x10x40xi32, #tpu.memory_space<hbm>>
            %dma_start3A_508 = tpu.memref_squeeze %dma_start3A_507 : memref<1x1x10x40xi32, #tpu.memory_space<hbm>> -> memref<10x40xi32, #tpu.memory_space<hbm>>
            tpu.enqueue_dma source(%dma_start3A_508 : memref<10x40xi32, #tpu.memory_space<hbm>>) target(%dma_start3A_504 : memref<10x40xi32, #tpu.memory_space<vmem>>) target_semaphore(%run_scoped3A_492 : memref<!tpu.dma_semaphore, #tpu.memory_space<semaphore_mem>>)
            %dma_wait3A_509 = arith.constant 0 : i32
            %dma_wait3A_510 = arith.constant 0 : i32
            %dma_wait3A_511 = tpu.memref_slice %arg8[%rem3A_274, %dma_wait3A_509, %dma_wait3A_510] : memref<2x10x40xi32, #tpu.memory_space<vmem>> -> memref<1x10x40xi32, #tpu.memory_space<vmem>>
            %dma_wait3A_512 = tpu.memref_squeeze %dma_wait3A_511 : memref<1x10x40xi32, #tpu.memory_space<vmem>> -> memref<10x40xi32, #tpu.memory_space<vmem>>
            %dma_wait3A_513 = arith.constant 0 : i32
            %dma_wait3A_514 = arith.constant 0 : i32
            %dma_wait3A_515 = tpu.memref_slice %arg5[%add3A, %select_n3A, %dma_wait3A_513, %dma_wait3A_514] : memref<32x25x10x40xi32, #tpu.memory_space<hbm>> -> memref<1x1x10x40xi32, #tpu.memory_space<hbm>>
            %dma_wait3A_516 = tpu.memref_squeeze %dma_wait3A_515 : memref<1x1x10x40xi32, #tpu.memory_space<hbm>> -> memref<10x40xi32, #tpu.memory_space<hbm>>
            %dma_wait3A_517 = arith.constant 0 : i32
            %dma_wait3A_518 = arith.constant 0 : i32
            %dma_wait3A_519 = tpu.memref_slice %arg8[%rem3A_274, %dma_wait3A_517, %dma_wait3A_518] : memref<2x10x40xi32, #tpu.memory_space<vmem>> -> memref<1x10x40xi32, #tpu.memory_space<vmem>>
            %dma_wait3A_520 = tpu.memref_squeeze %dma_wait3A_519 : memref<1x10x40xi32, #tpu.memory_space<vmem>> -> memref<10x40xi32, #tpu.memory_space<vmem>>
            %dma_wait3A_521 = arith.constant 0 : i32
            %dma_wait3A_522 = arith.constant 0 : i32
            %dma_wait3A_523 = tpu.memref_slice %arg5[%add3A, %select_n3A, %dma_wait3A_521, %dma_wait3A_522] : memref<32x25x10x40xi32, #tpu.memory_space<hbm>> -> memref<1x1x10x40xi32, #tpu.memory_space<hbm>>
            %dma_wait3A_524 = tpu.memref_squeeze %dma_wait3A_523 : memref<1x1x10x40xi32, #tpu.memory_space<hbm>> -> memref<10x40xi32, #tpu.memory_space<hbm>>
            tpu.wait_dma2 semaphore(%run_scoped3A_492 : memref<!tpu.dma_semaphore, #tpu.memory_space<semaphore_mem>>) src(%dma_wait3A_524 : memref<10x40xi32, #tpu.memory_space<hbm>>) dst(%dma_wait3A_520 : memref<10x40xi32, #tpu.memory_space<vmem>>)
            tpu.yield
          }) : () -> ()
        } else {
        }
        %dma_start3A_459 = arith.constant 0 : i32
        %dma_start3A_460 = arith.constant 0 : i32
        %dma_start3A_461 = arith.constant 0 : i32
        %dma_start3A_462 = arith.constant 0 : i32
        %dma_start3A_463 = tpu.memref_slice %arg9[%dma_start3A_459, %dma_start3A_461, %dma_start3A_462] : memref<2x40x128xf32, #tpu.memory_space<vmem>> -> memref<1x40x128xf32, #tpu.memory_space<vmem>>
        %dma_start3A_464 = tpu.memref_squeeze %dma_start3A_463 : memref<1x40x128xf32, #tpu.memory_space<vmem>> -> memref<40x128xf32, #tpu.memory_space<vmem>>
        %dma_start3A_465 = arith.constant 0 : i32
        %dma_start3A_466 = tpu.memref_slice %arg8[%rem3A_274, %sub3A_277, %dma_start3A_465] : memref<2x10x40xi32, #tpu.memory_space<vmem>> -> memref<1x1x40xi32, #tpu.memory_space<vmem>>
        %dma_start3A_467 = tpu.memref_squeeze %dma_start3A_466 : memref<1x1x40xi32, #tpu.memory_space<vmem>> -> memref<40xi32, #tpu.memory_space<vmem>>
        %dma_start3A_468 = arith.constant 0 : i32
        %dma_start3A_469 = arith.constant 0 : i32
        %dma_start3A_470 = tpu.memref_slice %arg2[%dma_start3A_468, %dma_start3A_469] : memref<10000x128xf32, #tpu.memory_space<hbm>> -> memref<10000x128xf32, #tpu.memory_space<hbm>>
        %dma_start3A_471 = tpu.memref_slice %arg13[%dma_start3A_460] : memref<2x!tpu.dma_semaphore, #tpu.memory_space<semaphore_mem>> -> memref<1x!tpu.dma_semaphore, #tpu.memory_space<semaphore_mem>>
        %dma_start3A_472 = tpu.memref_squeeze %dma_start3A_471 : memref<1x!tpu.dma_semaphore, #tpu.memory_space<semaphore_mem>> -> memref<!tpu.dma_semaphore, #tpu.memory_space<semaphore_mem>>
        tpu.enqueue_indirect_dma source(%dma_start3A_470 : memref<10000x128xf32, #tpu.memory_space<hbm>>) target(%dma_start3A_464 : memref<40x128xf32, #tpu.memory_space<vmem>>) offsets(%dma_start3A_467 : memref<40xi32, #tpu.memory_space<vmem>>) semaphore(%dma_start3A_472 : memref<!tpu.dma_semaphore, #tpu.memory_space<semaphore_mem>>)
        %mul3A_473 = arith.constant 40 : i32
        %mul3A_474 = arith.muli %add3A_256, %mul3A_473 : i32
        %add3A_475 = arith.addi %mul3A_87, %mul3A_474 : i32
        %dma_start3A_476 = arith.constant 0 : i32
        %dma_start3A_477 = arith.constant 0 : i32
        %dma_start3A_478 = arith.constant 0 : i32
        %dma_start3A_479 = arith.constant 0 : i32
        %dma_start3A_480 = tpu.memref_slice %arg10[%dma_start3A_476, %dma_start3A_478, %dma_start3A_479] : memref<2x40x128xf32, #tpu.memory_space<vmem>> -> memref<1x40x128xf32, #tpu.memory_space<vmem>>
        %dma_start3A_481 = tpu.memref_squeeze %dma_start3A_480 : memref<1x40x128xf32, #tpu.memory_space<vmem>> -> memref<40x128xf32, #tpu.memory_space<vmem>>
        %dma_start3A_482 = arith.constant 0 : i32
        %dma_start3A_483 = tpu.memref_slice %arg3[%add3A_475, %dma_start3A_482] : memref<320000x128xf32, #tpu.memory_space<hbm>> -> memref<40x128xf32, #tpu.memory_space<hbm>>
        %dma_start3A_484 = tpu.memref_slice %arg14[%dma_start3A_477] : memref<2x!tpu.dma_semaphore, #tpu.memory_space<semaphore_mem>> -> memref<1x!tpu.dma_semaphore, #tpu.memory_space<semaphore_mem>>
        %dma_start3A_485 = tpu.memref_squeeze %dma_start3A_484 : memref<1x!tpu.dma_semaphore, #tpu.memory_space<semaphore_mem>> -> memref<!tpu.dma_semaphore, #tpu.memory_space<semaphore_mem>>
        %dma_start3A_486 = arith.constant 0 : i32
        %dma_start3A_487 = arith.constant 0 : i32
        %dma_start3A_488 = tpu.memref_slice %arg10[%dma_start3A_476, %dma_start3A_486, %dma_start3A_487] : memref<2x40x128xf32, #tpu.memory_space<vmem>> -> memref<1x40x128xf32, #tpu.memory_space<vmem>>
        %dma_start3A_489 = tpu.memref_squeeze %dma_start3A_488 : memref<1x40x128xf32, #tpu.memory_space<vmem>> -> memref<40x128xf32, #tpu.memory_space<vmem>>
        %dma_start3A_490 = arith.constant 0 : i32
        %dma_start3A_491 = tpu.memref_slice %arg3[%add3A_475, %dma_start3A_490] : memref<320000x128xf32, #tpu.memory_space<hbm>> -> memref<40x128xf32, #tpu.memory_space<hbm>>
        tpu.enqueue_dma source(%dma_start3A_491 : memref<40x128xf32, #tpu.memory_space<hbm>>) target(%dma_start3A_489 : memref<40x128xf32, #tpu.memory_space<vmem>>) target_semaphore(%dma_start3A_485 : memref<!tpu.dma_semaphore, #tpu.memory_space<semaphore_mem>>)
      } else {
      }
      %jit3A_282 = arith.constant 10 : i32
      %div3A_283 = arith.divsi %add3A_210, %jit3A_282 : i32
      %sign3A_284 = arith.constant 0 : i32
      %sign3A_285 = arith.cmpi sgt, %add3A_210, %sign3A_284 : i32
      %sign3A_286 = arith.extui %sign3A_285 : i1 to i32
      %sign3A_287 = arith.constant 0 : i32
      %sign3A_288 = arith.cmpi slt, %add3A_210, %sign3A_287 : i32
      %sign3A_289 = arith.extui %sign3A_288 : i1 to i32
      %sign3A_290 = arith.subi %sign3A_286, %sign3A_289 : i32
      %sign3A_291 = arith.constant 0 : i32
      %sign3A_292 = arith.cmpi sgt, %jit3A_282, %sign3A_291 : i32
      %sign3A_293 = arith.extui %sign3A_292 : i1 to i32
      %sign3A_294 = arith.constant 0 : i32
      %sign3A_295 = arith.cmpi slt, %jit3A_282, %sign3A_294 : i32
      %sign3A_296 = arith.extui %sign3A_295 : i1 to i32
      %sign3A_297 = arith.subi %sign3A_293, %sign3A_296 : i32
      %ne3A_298 = arith.cmpi ne, %sign3A_290, %sign3A_297 : i32
      %rem3A_299 = arith.remsi %add3A_210, %jit3A_282 : i32
      %ne3A_300 = arith.constant 0 : i32
      %ne3A_301 = arith.cmpi ne, %rem3A_299, %ne3A_300 : i32
      %and3A_302 = arith.andi %ne3A_298, %ne3A_301 : i1
      %sub3A_303 = arith.constant 1 : i32
      %sub3A_304 = arith.subi %div3A_283, %sub3A_303 : i32
      %select_n3A_305 = arith.select %and3A_302, %sub3A_304, %div3A_283 : i32
      %rem3A_306 = arith.constant 2 : i32
      %rem3A_307 = arith.remsi %select_n3A_305, %rem3A_306 : i32
      %mul3A_308 = arith.constant 10 : i32
      %mul3A_309 = arith.muli %select_n3A_305, %mul3A_308 : i32
      %sub3A_310 = arith.subi %add3A_210, %mul3A_309 : i32
      %dma_start3A_311 = arith.constant 0 : i32
      %dma_start3A_312 = arith.constant 0 : i32
      %dma_start3A_313 = arith.constant 0 : i32
      %dma_start3A_314 = arith.constant 0 : i32
      %dma_start3A_315 = tpu.memref_slice %arg11[%dma_start3A_311, %dma_start3A_313, %dma_start3A_314] : memref<2x40x128xf32, #tpu.memory_space<vmem>> -> memref<1x40x128xf32, #tpu.memory_space<vmem>>
      %dma_start3A_316 = tpu.memref_squeeze %dma_start3A_315 : memref<1x40x128xf32, #tpu.memory_space<vmem>> -> memref<40x128xf32, #tpu.memory_space<vmem>>
      %dma_start3A_317 = arith.constant 0 : i32
      %dma_start3A_318 = tpu.memref_slice %arg7[%rem3A_307, %sub3A_310, %dma_start3A_317] : memref<2x10x40xi32, #tpu.memory_space<vmem>> -> memref<1x1x40xi32, #tpu.memory_space<vmem>>
      %dma_start3A_319 = tpu.memref_squeeze %dma_start3A_318 : memref<1x1x40xi32, #tpu.memory_space<vmem>> -> memref<40xi32, #tpu.memory_space<vmem>>
      %dma_start3A_320 = arith.constant 0 : i32
      %dma_start3A_321 = arith.constant 0 : i32
      %dma_start3A_322 = tpu.memref_slice %arg12[%dma_start3A_320, %dma_start3A_321] : memref<10240x128xf32, #tpu.memory_space<vmem_shared>> -> memref<10240x128xf32, #tpu.memory_space<vmem_shared>>
      %dma_start3A_323 = tpu.memref_slice %arg15[%dma_start3A_312] : memref<2x!tpu.dma_semaphore, #tpu.memory_space<semaphore_mem>> -> memref<1x!tpu.dma_semaphore, #tpu.memory_space<semaphore_mem>>
      %dma_start3A_324 = tpu.memref_squeeze %dma_start3A_323 : memref<1x!tpu.dma_semaphore, #tpu.memory_space<semaphore_mem>> -> memref<!tpu.dma_semaphore, #tpu.memory_space<semaphore_mem>>
      tpu.enqueue_indirect_dma source(%dma_start3A_316 : memref<40x128xf32, #tpu.memory_space<vmem>>) target(%dma_start3A_322 : memref<10240x128xf32, #tpu.memory_space<vmem_shared>>) offsets(%dma_start3A_319 : memref<40xi32, #tpu.memory_space<vmem>>) semaphore(%dma_start3A_324 : memref<!tpu.dma_semaphore, #tpu.memory_space<semaphore_mem>>) {add = true}
      %mul3A_325 = arith.constant 2 : i32
      %mul3A_326 = arith.muli %mul3A_325, %scan3A_206 : i32
      %add3A_327 = arith.constant 1 : i32
      %add3A_328 = arith.addi %mul3A_326, %add3A_327 : i32
      %dma_wait3A_329 = arith.constant 1 : i32
      %dma_wait3A_330 = arith.constant 1 : i32
      %dma_wait3A_331 = arith.constant 0 : i32
      %dma_wait3A_332 = arith.constant 0 : i32
      %dma_wait3A_333 = tpu.memref_slice %arg9[%dma_wait3A_329, %dma_wait3A_331, %dma_wait3A_332] : memref<2x40x128xf32, #tpu.memory_space<vmem>> -> memref<1x40x128xf32, #tpu.memory_space<vmem>>
      %dma_wait3A_334 = tpu.memref_squeeze %dma_wait3A_333 : memref<1x40x128xf32, #tpu.memory_space<vmem>> -> memref<40x128xf32, #tpu.memory_space<vmem>>
      %dma_wait3A_335 = arith.constant 0 : i32
      %dma_wait3A_336 = arith.constant 0 : i32
      %dma_wait3A_337 = tpu.memref_slice %arg2[%dma_wait3A_335, %dma_wait3A_336] : memref<10000x128xf32, #tpu.memory_space<hbm>> -> memref<40x128xf32, #tpu.memory_space<hbm>>
      %dma_wait3A_338 = tpu.memref_slice %arg13[%dma_wait3A_330] : memref<2x!tpu.dma_semaphore, #tpu.memory_space<semaphore_mem>> -> memref<1x!tpu.dma_semaphore, #tpu.memory_space<semaphore_mem>>
      %dma_wait3A_339 = tpu.memref_squeeze %dma_wait3A_338 : memref<1x!tpu.dma_semaphore, #tpu.memory_space<semaphore_mem>> -> memref<!tpu.dma_semaphore, #tpu.memory_space<semaphore_mem>>
      %dma_wait3A_340 = arith.constant 0 : i32
      %dma_wait3A_341 = arith.constant 0 : i32
      %dma_wait3A_342 = tpu.memref_slice %arg9[%dma_wait3A_329, %dma_wait3A_340, %dma_wait3A_341] : memref<2x40x128xf32, #tpu.memory_space<vmem>> -> memref<1x40x128xf32, #tpu.memory_space<vmem>>
      %dma_wait3A_343 = tpu.memref_squeeze %dma_wait3A_342 : memref<1x40x128xf32, #tpu.memory_space<vmem>> -> memref<40x128xf32, #tpu.memory_space<vmem>>
      %dma_wait3A_344 = arith.constant 0 : i32
      %dma_wait3A_345 = arith.constant 0 : i32
      %dma_wait3A_346 = tpu.memref_slice %arg2[%dma_wait3A_344, %dma_wait3A_345] : memref<10000x128xf32, #tpu.memory_space<hbm>> -> memref<40x128xf32, #tpu.memory_space<hbm>>
      tpu.wait_dma2 semaphore(%dma_wait3A_339 : memref<!tpu.dma_semaphore, #tpu.memory_space<semaphore_mem>>) src(%dma_wait3A_346 : memref<40x128xf32, #tpu.memory_space<hbm>>) dst(%dma_wait3A_343 : memref<40x128xf32, #tpu.memory_space<vmem>>)
      %dma_wait3A_347 = arith.constant 1 : i32
      %dma_wait3A_348 = arith.constant 1 : i32
      %dma_wait3A_349 = arith.constant 0 : i32
      %dma_wait3A_350 = arith.constant 0 : i32
      %dma_wait3A_351 = tpu.memref_slice %arg10[%dma_wait3A_347, %dma_wait3A_349, %dma_wait3A_350] : memref<2x40x128xf32, #tpu.memory_space<vmem>> -> memref<1x40x128xf32, #tpu.memory_space<vmem>>
      %dma_wait3A_352 = tpu.memref_squeeze %dma_wait3A_351 : memref<1x40x128xf32, #tpu.memory_space<vmem>> -> memref<40x128xf32, #tpu.memory_space<vmem>>
      %dma_wait3A_353 = arith.constant 0 : i32
      %dma_wait3A_354 = arith.constant 0 : i32
      %dma_wait3A_355 = tpu.memref_slice %arg3[%dma_wait3A_353, %dma_wait3A_354] : memref<320000x128xf32, #tpu.memory_space<hbm>> -> memref<40x128xf32, #tpu.memory_space<hbm>>
      %dma_wait3A_356 = tpu.memref_slice %arg14[%dma_wait3A_348] : memref<2x!tpu.dma_semaphore, #tpu.memory_space<semaphore_mem>> -> memref<1x!tpu.dma_semaphore, #tpu.memory_space<semaphore_mem>>
      %dma_wait3A_357 = tpu.memref_squeeze %dma_wait3A_356 : memref<1x!tpu.dma_semaphore, #tpu.memory_space<semaphore_mem>> -> memref<!tpu.dma_semaphore, #tpu.memory_space<semaphore_mem>>
      %dma_wait3A_358 = arith.constant 0 : i32
      %dma_wait3A_359 = arith.constant 0 : i32
      %dma_wait3A_360 = tpu.memref_slice %arg10[%dma_wait3A_347, %dma_wait3A_358, %dma_wait3A_359] : memref<2x40x128xf32, #tpu.memory_space<vmem>> -> memref<1x40x128xf32, #tpu.memory_space<vmem>>
      %dma_wait3A_361 = tpu.memref_squeeze %dma_wait3A_360 : memref<1x40x128xf32, #tpu.memory_space<vmem>> -> memref<40x128xf32, #tpu.memory_space<vmem>>
      %dma_wait3A_362 = arith.constant 0 : i32
      %dma_wait3A_363 = arith.constant 0 : i32
      %dma_wait3A_364 = tpu.memref_slice %arg3[%dma_wait3A_362, %dma_wait3A_363] : memref<320000x128xf32, #tpu.memory_space<hbm>> -> memref<40x128xf32, #tpu.memory_space<hbm>>
      tpu.wait_dma2 semaphore(%dma_wait3A_357 : memref<!tpu.dma_semaphore, #tpu.memory_space<semaphore_mem>>) src(%dma_wait3A_364 : memref<40x128xf32, #tpu.memory_space<hbm>>) dst(%dma_wait3A_361 : memref<40x128xf32, #tpu.memory_space<vmem>>)
      %ge3A_365 = arith.constant 2 : i32
      %ge3A_366 = arith.cmpi sge, %add3A_328, %ge3A_365 : i32
      %convert_element_type3A_367 = arith.extui %ge3A_366 : i1 to i32
      %cond3A_368 = arith.constant 0 : i32
      %cond3A_369 = arith.cmpi ne, %convert_element_type3A_367, %cond3A_368 : i32
      scf.if %cond3A_369 {
        %dma_wait3A_455 = arith.constant 1 : i32
        %dma_wait3A_456 = arith.constant 1 : i32
        %dma_wait3A_457 = arith.constant 0 : i32
        %dma_wait3A_458 = arith.constant 0 : i32
        %dma_wait3A_459 = tpu.memref_slice %arg11[%dma_wait3A_455, %dma_wait3A_457, %dma_wait3A_458] : memref<2x40x128xf32, #tpu.memory_space<vmem>> -> memref<1x40x128xf32, #tpu.memory_space<vmem>>
        %dma_wait3A_460 = tpu.memref_squeeze %dma_wait3A_459 : memref<1x40x128xf32, #tpu.memory_space<vmem>> -> memref<40x128xf32, #tpu.memory_space<vmem>>
        %dma_wait3A_461 = arith.constant 0 : i32
        %dma_wait3A_462 = arith.constant 0 : i32
        %dma_wait3A_463 = tpu.memref_slice %arg12[%dma_wait3A_461, %dma_wait3A_462] : memref<10240x128xf32, #tpu.memory_space<vmem_shared>> -> memref<40x128xf32, #tpu.memory_space<vmem_shared>>
        %dma_wait3A_464 = tpu.memref_slice %arg15[%dma_wait3A_456] : memref<2x!tpu.dma_semaphore, #tpu.memory_space<semaphore_mem>> -> memref<1x!tpu.dma_semaphore, #tpu.memory_space<semaphore_mem>>
        %dma_wait3A_465 = tpu.memref_squeeze %dma_wait3A_464 : memref<1x!tpu.dma_semaphore, #tpu.memory_space<semaphore_mem>> -> memref<!tpu.dma_semaphore, #tpu.memory_space<semaphore_mem>>
        %dma_wait3A_466 = arith.constant 0 : i32
        %dma_wait3A_467 = arith.constant 0 : i32
        %dma_wait3A_468 = tpu.memref_slice %arg12[%dma_wait3A_466, %dma_wait3A_467] : memref<10240x128xf32, #tpu.memory_space<vmem_shared>> -> memref<40x128xf32, #tpu.memory_space<vmem_shared>>
        %dma_wait3A_469 = arith.constant 0 : i32
        %dma_wait3A_470 = arith.constant 0 : i32
        %dma_wait3A_471 = tpu.memref_slice %arg11[%dma_wait3A_455, %dma_wait3A_469, %dma_wait3A_470] : memref<2x40x128xf32, #tpu.memory_space<vmem>> -> memref<1x40x128xf32, #tpu.memory_space<vmem>>
        %dma_wait3A_472 = tpu.memref_squeeze %dma_wait3A_471 : memref<1x40x128xf32, #tpu.memory_space<vmem>> -> memref<40x128xf32, #tpu.memory_space<vmem>>
        tpu.wait_dma2 semaphore(%dma_wait3A_465 : memref<!tpu.dma_semaphore, #tpu.memory_space<semaphore_mem>>) src(%dma_wait3A_472 : memref<40x128xf32, #tpu.memory_space<vmem>>) dst(%dma_wait3A_468 : memref<40x128xf32, #tpu.memory_space<vmem_shared>>)
      } else {
      }
      %scan3A_370 = arith.constant 0 : i32
      %scan3A_371 = arith.constant 0 : i32
      %scan3A_372 = arith.constant 40 : i32
      %scan3A_373 = arith.addi %scan3A_371, %scan3A_372 : i32
      %scan3A_374 = arith.constant 1 : i32
      scf.for %scan3A_455 = %scan3A_371 to %scan3A_373 step %scan3A_374  : i32 {
        %get3A = arith.constant 1 : i32
        %get3A_456 = arith.index_cast %get3A : i32 to index
        %get3A_457 = arith.index_cast %scan3A_455 : i32 to index
        %get3A_458 = arith.constant 0 : index
        %get3A_459 = tpu.vector_load %arg9[%get3A_456, %get3A_457, %get3A_458] {strides = array<i32>} : memref<2x40x128xf32, #tpu.memory_space<vmem>>, vector<1x1x16xf32>,
        %get3A_460 = vector.shape_cast %get3A_459 : vector<1x1x16xf32> to vector<16xf32>
        %get3A_461 = arith.constant 1 : i32
        %get3A_462 = arith.index_cast %get3A_461 : i32 to index
        %get3A_463 = arith.index_cast %scan3A_455 : i32 to index
        %get3A_464 = arith.constant 0 : index
        %get3A_465 = tpu.vector_load %arg10[%get3A_462, %get3A_463, %get3A_464] {strides = array<i32>} : memref<2x40x128xf32, #tpu.memory_space<vmem>>, vector<1x1x16xf32>,
        %get3A_466 = vector.shape_cast %get3A_465 : vector<1x1x16xf32> to vector<16xf32>
        %mul3A_467 = arith.mulf %get3A_460, %get3A_466 : vector<16xf32>
        %swap3A = arith.constant 1 : i32
        %swap3A_468 = arith.index_cast %swap3A : i32 to index
        %swap3A_469 = arith.index_cast %scan3A_455 : i32 to index
        %swap3A_470 = arith.constant 0 : index
        %swap3A_471 = tpu.vector_load %arg11[%swap3A_468, %swap3A_469, %swap3A_470] {strides = array<i32>} : memref<2x40x128xf32, #tpu.memory_space<vmem>>, vector<1x1x16xf32>,
        %swap3A_472 = vector.shape_cast %swap3A_471 : vector<1x1x16xf32> to vector<16xf32>
        %swap3A_473 = vector.shape_cast %mul3A_467 : vector<16xf32> to vector<1x1x16xf32>
        tpu.vector_store %arg11[%swap3A_468, %swap3A_469, %swap3A_470], %swap3A_473 {strides = array<i32>} : memref<2x40x128xf32, #tpu.memory_space<vmem>>, vector<1x1x16xf32>,
        %get3A_474 = arith.constant 1 : i32
        %get3A_475 = arith.index_cast %get3A_474 : i32 to index
        %get3A_476 = arith.index_cast %scan3A_455 : i32 to index
        %get3A_477 = arith.constant 16 : index
        %get3A_478 = tpu.vector_load %arg9[%get3A_475, %get3A_476, %get3A_477] {strides = array<i32>} : memref<2x40x128xf32, #tpu.memory_space<vmem>>, vector<1x1x16xf32>,
        %get3A_479 = vector.shape_cast %get3A_478 : vector<1x1x16xf32> to vector<16xf32>
        %get3A_480 = arith.constant 1 : i32
        %get3A_481 = arith.index_cast %get3A_480 : i32 to index
        %get3A_482 = arith.index_cast %scan3A_455 : i32 to index
        %get3A_483 = arith.constant 16 : index
        %get3A_484 = tpu.vector_load %arg10[%get3A_481, %get3A_482, %get3A_483] {strides = array<i32>} : memref<2x40x128xf32, #tpu.memory_space<vmem>>, vector<1x1x16xf32>,
        %get3A_485 = vector.shape_cast %get3A_484 : vector<1x1x16xf32> to vector<16xf32>
        %mul3A_486 = arith.mulf %get3A_479, %get3A_485 : vector<16xf32>
        %swap3A_487 = arith.constant 1 : i32
        %swap3A_488 = arith.index_cast %swap3A_487 : i32 to index
        %swap3A_489 = arith.index_cast %scan3A_455 : i32 to index
        %swap3A_490 = arith.constant 16 : index
        %swap3A_491 = tpu.vector_load %arg11[%swap3A_488, %swap3A_489, %swap3A_490] {strides = array<i32>} : memref<2x40x128xf32, #tpu.memory_space<vmem>>, vector<1x1x16xf32>,
        %swap3A_492 = vector.shape_cast %swap3A_491 : vector<1x1x16xf32> to vector<16xf32>
        %swap3A_493 = vector.shape_cast %mul3A_486 : vector<16xf32> to vector<1x1x16xf32>
        tpu.vector_store %arg11[%swap3A_488, %swap3A_489, %swap3A_490], %swap3A_493 {strides = array<i32>} : memref<2x40x128xf32, #tpu.memory_space<vmem>>, vector<1x1x16xf32>,
        %get3A_494 = arith.constant 1 : i32
        %get3A_495 = arith.index_cast %get3A_494 : i32 to index
        %get3A_496 = arith.index_cast %scan3A_455 : i32 to index
        %get3A_497 = arith.constant 32 : index
        %get3A_498 = tpu.vector_load %arg9[%get3A_495, %get3A_496, %get3A_497] {strides = array<i32>} : memref<2x40x128xf32, #tpu.memory_space<vmem>>, vector<1x1x16xf32>,
        %get3A_499 = vector.shape_cast %get3A_498 : vector<1x1x16xf32> to vector<16xf32>
        %get3A_500 = arith.constant 1 : i32
        %get3A_501 = arith.index_cast %get3A_500 : i32 to index
        %get3A_502 = arith.index_cast %scan3A_455 : i32 to index
        %get3A_503 = arith.constant 32 : index
        %get3A_504 = tpu.vector_load %arg10[%get3A_501, %get3A_502, %get3A_503] {strides = array<i32>} : memref<2x40x128xf32, #tpu.memory_space<vmem>>, vector<1x1x16xf32>,
        %get3A_505 = vector.shape_cast %get3A_504 : vector<1x1x16xf32> to vector<16xf32>
        %mul3A_506 = arith.mulf %get3A_499, %get3A_505 : vector<16xf32>
        %swap3A_507 = arith.constant 1 : i32
        %swap3A_508 = arith.index_cast %swap3A_507 : i32 to index
        %swap3A_509 = arith.index_cast %scan3A_455 : i32 to index
        %swap3A_510 = arith.constant 32 : index
        %swap3A_511 = tpu.vector_load %arg11[%swap3A_508, %swap3A_509, %swap3A_510] {strides = array<i32>} : memref<2x40x128xf32, #tpu.memory_space<vmem>>, vector<1x1x16xf32>,
        %swap3A_512 = vector.shape_cast %swap3A_511 : vector<1x1x16xf32> to vector<16xf32>
        %swap3A_513 = vector.shape_cast %mul3A_506 : vector<16xf32> to vector<1x1x16xf32>
        tpu.vector_store %arg11[%swap3A_508, %swap3A_509, %swap3A_510], %swap3A_513 {strides = array<i32>} : memref<2x40x128xf32, #tpu.memory_space<vmem>>, vector<1x1x16xf32>,
        %get3A_514 = arith.constant 1 : i32
        %get3A_515 = arith.index_cast %get3A_514 : i32 to index
        %get3A_516 = arith.index_cast %scan3A_455 : i32 to index
        %get3A_517 = arith.constant 48 : index
        %get3A_518 = tpu.vector_load %arg9[%get3A_515, %get3A_516, %get3A_517] {strides = array<i32>} : memref<2x40x128xf32, #tpu.memory_space<vmem>>, vector<1x1x16xf32>,
        %get3A_519 = vector.shape_cast %get3A_518 : vector<1x1x16xf32> to vector<16xf32>
        %get3A_520 = arith.constant 1 : i32
        %get3A_521 = arith.index_cast %get3A_520 : i32 to index
        %get3A_522 = arith.index_cast %scan3A_455 : i32 to index
        %get3A_523 = arith.constant 48 : index
        %get3A_524 = tpu.vector_load %arg10[%get3A_521, %get3A_522, %get3A_523] {strides = array<i32>} : memref<2x40x128xf32, #tpu.memory_space<vmem>>, vector<1x1x16xf32>,
        %get3A_525 = vector.shape_cast %get3A_524 : vector<1x1x16xf32> to vector<16xf32>
        %mul3A_526 = arith.mulf %get3A_519, %get3A_525 : vector<16xf32>
        %swap3A_527 = arith.constant 1 : i32
        %swap3A_528 = arith.index_cast %swap3A_527 : i32 to index
        %swap3A_529 = arith.index_cast %scan3A_455 : i32 to index
        %swap3A_530 = arith.constant 48 : index
        %swap3A_531 = tpu.vector_load %arg11[%swap3A_528, %swap3A_529, %swap3A_530] {strides = array<i32>} : memref<2x40x128xf32, #tpu.memory_space<vmem>>, vector<1x1x16xf32>,
        %swap3A_532 = vector.shape_cast %swap3A_531 : vector<1x1x16xf32> to vector<16xf32>
        %swap3A_533 = vector.shape_cast %mul3A_526 : vector<16xf32> to vector<1x1x16xf32>
        tpu.vector_store %arg11[%swap3A_528, %swap3A_529, %swap3A_530], %swap3A_533 {strides = array<i32>} : memref<2x40x128xf32, #tpu.memory_space<vmem>>, vector<1x1x16xf32>,
        %get3A_534 = arith.constant 1 : i32
        %get3A_535 = arith.index_cast %get3A_534 : i32 to index
        %get3A_536 = arith.index_cast %scan3A_455 : i32 to index
        %get3A_537 = arith.constant 64 : index
        %get3A_538 = tpu.vector_load %arg9[%get3A_535, %get3A_536, %get3A_537] {strides = array<i32>} : memref<2x40x128xf32, #tpu.memory_space<vmem>>, vector<1x1x16xf32>,
        %get3A_539 = vector.shape_cast %get3A_538 : vector<1x1x16xf32> to vector<16xf32>
        %get3A_540 = arith.constant 1 : i32
        %get3A_541 = arith.index_cast %get3A_540 : i32 to index
        %get3A_542 = arith.index_cast %scan3A_455 : i32 to index
        %get3A_543 = arith.constant 64 : index
        %get3A_544 = tpu.vector_load %arg10[%get3A_541, %get3A_542, %get3A_543] {strides = array<i32>} : memref<2x40x128xf32, #tpu.memory_space<vmem>>, vector<1x1x16xf32>,
        %get3A_545 = vector.shape_cast %get3A_544 : vector<1x1x16xf32> to vector<16xf32>
        %mul3A_546 = arith.mulf %get3A_539, %get3A_545 : vector<16xf32>
        %swap3A_547 = arith.constant 1 : i32
        %swap3A_548 = arith.index_cast %swap3A_547 : i32 to index
        %swap3A_549 = arith.index_cast %scan3A_455 : i32 to index
        %swap3A_550 = arith.constant 64 : index
        %swap3A_551 = tpu.vector_load %arg11[%swap3A_548, %swap3A_549, %swap3A_550] {strides = array<i32>} : memref<2x40x128xf32, #tpu.memory_space<vmem>>, vector<1x1x16xf32>,
        %swap3A_552 = vector.shape_cast %swap3A_551 : vector<1x1x16xf32> to vector<16xf32>
        %swap3A_553 = vector.shape_cast %mul3A_546 : vector<16xf32> to vector<1x1x16xf32>
        tpu.vector_store %arg11[%swap3A_548, %swap3A_549, %swap3A_550], %swap3A_553 {strides = array<i32>} : memref<2x40x128xf32, #tpu.memory_space<vmem>>, vector<1x1x16xf32>,
        %get3A_554 = arith.constant 1 : i32
        %get3A_555 = arith.index_cast %get3A_554 : i32 to index
        %get3A_556 = arith.index_cast %scan3A_455 : i32 to index
        %get3A_557 = arith.constant 80 : index
        %get3A_558 = tpu.vector_load %arg9[%get3A_555, %get3A_556, %get3A_557] {strides = array<i32>} : memref<2x40x128xf32, #tpu.memory_space<vmem>>, vector<1x1x16xf32>,
        %get3A_559 = vector.shape_cast %get3A_558 : vector<1x1x16xf32> to vector<16xf32>
        %get3A_560 = arith.constant 1 : i32
        %get3A_561 = arith.index_cast %get3A_560 : i32 to index
        %get3A_562 = arith.index_cast %scan3A_455 : i32 to index
        %get3A_563 = arith.constant 80 : index
        %get3A_564 = tpu.vector_load %arg10[%get3A_561, %get3A_562, %get3A_563] {strides = array<i32>} : memref<2x40x128xf32, #tpu.memory_space<vmem>>, vector<1x1x16xf32>,
        %get3A_565 = vector.shape_cast %get3A_564 : vector<1x1x16xf32> to vector<16xf32>
        %mul3A_566 = arith.mulf %get3A_559, %get3A_565 : vector<16xf32>
        %swap3A_567 = arith.constant 1 : i32
        %swap3A_568 = arith.index_cast %swap3A_567 : i32 to index
        %swap3A_569 = arith.index_cast %scan3A_455 : i32 to index
        %swap3A_570 = arith.constant 80 : index
        %swap3A_571 = tpu.vector_load %arg11[%swap3A_568, %swap3A_569, %swap3A_570] {strides = array<i32>} : memref<2x40x128xf32, #tpu.memory_space<vmem>>, vector<1x1x16xf32>,
        %swap3A_572 = vector.shape_cast %swap3A_571 : vector<1x1x16xf32> to vector<16xf32>
        %swap3A_573 = vector.shape_cast %mul3A_566 : vector<16xf32> to vector<1x1x16xf32>
        tpu.vector_store %arg11[%swap3A_568, %swap3A_569, %swap3A_570], %swap3A_573 {strides = array<i32>} : memref<2x40x128xf32, #tpu.memory_space<vmem>>, vector<1x1x16xf32>,
        %get3A_574 = arith.constant 1 : i32
        %get3A_575 = arith.index_cast %get3A_574 : i32 to index
        %get3A_576 = arith.index_cast %scan3A_455 : i32 to index
        %get3A_577 = arith.constant 96 : index
        %get3A_578 = tpu.vector_load %arg9[%get3A_575, %get3A_576, %get3A_577] {strides = array<i32>} : memref<2x40x128xf32, #tpu.memory_space<vmem>>, vector<1x1x16xf32>,
        %get3A_579 = vector.shape_cast %get3A_578 : vector<1x1x16xf32> to vector<16xf32>
        %get3A_580 = arith.constant 1 : i32
        %get3A_581 = arith.index_cast %get3A_580 : i32 to index
        %get3A_582 = arith.index_cast %scan3A_455 : i32 to index
        %get3A_583 = arith.constant 96 : index
        %get3A_584 = tpu.vector_load %arg10[%get3A_581, %get3A_582, %get3A_583] {strides = array<i32>} : memref<2x40x128xf32, #tpu.memory_space<vmem>>, vector<1x1x16xf32>,
        %get3A_585 = vector.shape_cast %get3A_584 : vector<1x1x16xf32> to vector<16xf32>
        %mul3A_586 = arith.mulf %get3A_579, %get3A_585 : vector<16xf32>
        %swap3A_587 = arith.constant 1 : i32
        %swap3A_588 = arith.index_cast %swap3A_587 : i32 to index
        %swap3A_589 = arith.index_cast %scan3A_455 : i32 to index
        %swap3A_590 = arith.constant 96 : index
        %swap3A_591 = tpu.vector_load %arg11[%swap3A_588, %swap3A_589, %swap3A_590] {strides = array<i32>} : memref<2x40x128xf32, #tpu.memory_space<vmem>>, vector<1x1x16xf32>,
        %swap3A_592 = vector.shape_cast %swap3A_591 : vector<1x1x16xf32> to vector<16xf32>
        %swap3A_593 = vector.shape_cast %mul3A_586 : vector<16xf32> to vector<1x1x16xf32>
        tpu.vector_store %arg11[%swap3A_588, %swap3A_589, %swap3A_590], %swap3A_593 {strides = array<i32>} : memref<2x40x128xf32, #tpu.memory_space<vmem>>, vector<1x1x16xf32>,
        %get3A_594 = arith.constant 1 : i32
        %get3A_595 = arith.index_cast %get3A_594 : i32 to index
        %get3A_596 = arith.index_cast %scan3A_455 : i32 to index
        %get3A_597 = arith.constant 112 : index
        %get3A_598 = tpu.vector_load %arg9[%get3A_595, %get3A_596, %get3A_597] {strides = array<i32>} : memref<2x40x128xf32, #tpu.memory_space<vmem>>, vector<1x1x16xf32>,
        %get3A_599 = vector.shape_cast %get3A_598 : vector<1x1x16xf32> to vector<16xf32>
        %get3A_600 = arith.constant 1 : i32
        %get3A_601 = arith.index_cast %get3A_600 : i32 to index
        %get3A_602 = arith.index_cast %scan3A_455 : i32 to index
        %get3A_603 = arith.constant 112 : index
        %get3A_604 = tpu.vector_load %arg10[%get3A_601, %get3A_602, %get3A_603] {strides = array<i32>} : memref<2x40x128xf32, #tpu.memory_space<vmem>>, vector<1x1x16xf32>,
        %get3A_605 = vector.shape_cast %get3A_604 : vector<1x1x16xf32> to vector<16xf32>
        %mul3A_606 = arith.mulf %get3A_599, %get3A_605 : vector<16xf32>
        %swap3A_607 = arith.constant 1 : i32
        %swap3A_608 = arith.index_cast %swap3A_607 : i32 to index
        %swap3A_609 = arith.index_cast %scan3A_455 : i32 to index
        %swap3A_610 = arith.constant 112 : index
        %swap3A_611 = tpu.vector_load %arg11[%swap3A_608, %swap3A_609, %swap3A_610] {strides = array<i32>} : memref<2x40x128xf32, #tpu.memory_space<vmem>>, vector<1x1x16xf32>,
        %swap3A_612 = vector.shape_cast %swap3A_611 : vector<1x1x16xf32> to vector<16xf32>
        %swap3A_613 = vector.shape_cast %mul3A_606 : vector<16xf32> to vector<1x1x16xf32>
        tpu.vector_store %arg11[%swap3A_608, %swap3A_609, %swap3A_610], %swap3A_613 {strides = array<i32>} : memref<2x40x128xf32, #tpu.memory_space<vmem>>, vector<1x1x16xf32>,
      }
      %scan3A_375 = arith.constant 40 : i32
      %add3A_376 = arith.constant 2 : i32
      %add3A_377 = arith.addi %add3A_328, %add3A_376 : i32
      %jit3A_378 = arith.constant 10 : i32
      %div3A_379 = arith.divsi %add3A_377, %jit3A_378 : i32
      %sign3A_380 = arith.constant 0 : i32
      %sign3A_381 = arith.cmpi sgt, %add3A_377, %sign3A_380 : i32
      %sign3A_382 = arith.extui %sign3A_381 : i1 to i32
      %sign3A_383 = arith.constant 0 : i32
      %sign3A_384 = arith.cmpi slt, %add3A_377, %sign3A_383 : i32
      %sign3A_385 = arith.extui %sign3A_384 : i1 to i32
      %sign3A_386 = arith.subi %sign3A_382, %sign3A_385 : i32
      %sign3A_387 = arith.constant 0 : i32
      %sign3A_388 = arith.cmpi sgt, %jit3A_378, %sign3A_387 : i32
      %sign3A_389 = arith.extui %sign3A_388 : i1 to i32
      %sign3A_390 = arith.constant 0 : i32
      %sign3A_391 = arith.cmpi slt, %jit3A_378, %sign3A_390 : i32
      %sign3A_392 = arith.extui %sign3A_391 : i1 to i32
      %sign3A_393 = arith.subi %sign3A_389, %sign3A_392 : i32
      %ne3A_394 = arith.cmpi ne, %sign3A_386, %sign3A_393 : i32
      %rem3A_395 = arith.remsi %add3A_377, %jit3A_378 : i32
      %ne3A_396 = arith.constant 0 : i32
      %ne3A_397 = arith.cmpi ne, %rem3A_395, %ne3A_396 : i32
      %and3A_398 = arith.andi %ne3A_394, %ne3A_397 : i1
      %sub3A_399 = arith.constant 1 : i32
      %sub3A_400 = arith.subi %div3A_379, %sub3A_399 : i32
      %select_n3A_401 = arith.select %and3A_398, %sub3A_400, %div3A_379 : i32
      %rem3A_402 = arith.constant 2 : i32
      %rem3A_403 = arith.remsi %select_n3A_401, %rem3A_402 : i32
      %mul3A_404 = arith.constant 10 : i32
      %mul3A_405 = arith.muli %select_n3A_401, %mul3A_404 : i32
      %sub3A_406 = arith.subi %add3A_377, %mul3A_405 : i32
      %lt3A_407 = arith.constant 250 : i32
      %lt3A_408 = arith.cmpi slt, %add3A_377, %lt3A_407 : i32
      %convert_element_type3A_409 = arith.extui %lt3A_408 : i1 to i32
      %cond3A_410 = arith.constant 0 : i32
      %cond3A_411 = arith.cmpi ne, %convert_element_type3A_409, %cond3A_410 : i32
      scf.if %cond3A_411 {
        %eq3A = arith.constant 0 : i32
        %eq3A_455 = arith.cmpi eq, %sub3A_406, %eq3A : i32
        %convert_element_type3A_456 = arith.extui %eq3A_455 : i1 to i32
        %cond3A_457 = arith.constant 0 : i32
        %cond3A_458 = arith.cmpi ne, %convert_element_type3A_456, %cond3A_457 : i32
        scf.if %cond3A_458 {
          "tpu.region"() ({
            %run_scoped3A_492 = tpu.sem_alloc : memref<!tpu.dma_semaphore, #tpu.memory_space<semaphore_mem>>
            %dma_start3A_493 = arith.constant 0 : i32
            %dma_start3A_494 = arith.constant 0 : i32
            %dma_start3A_495 = tpu.memref_slice %arg7[%rem3A_403, %dma_start3A_493, %dma_start3A_494] : memref<2x10x40xi32, #tpu.memory_space<vmem>> -> memref<1x10x40xi32, #tpu.memory_space<vmem>>
            %dma_start3A_496 = tpu.memref_squeeze %dma_start3A_495 : memref<1x10x40xi32, #tpu.memory_space<vmem>> -> memref<10x40xi32, #tpu.memory_space<vmem>>
            %dma_start3A_497 = arith.constant 0 : i32
            %dma_start3A_498 = arith.constant 0 : i32
            %dma_start3A_499 = tpu.memref_slice %arg4[%add3A, %select_n3A_401, %dma_start3A_497, %dma_start3A_498] : memref<32x25x10x40xi32, #tpu.memory_space<hbm>> -> memref<1x1x10x40xi32, #tpu.memory_space<hbm>>
            %dma_start3A_500 = tpu.memref_squeeze %dma_start3A_499 : memref<1x1x10x40xi32, #tpu.memory_space<hbm>> -> memref<10x40xi32, #tpu.memory_space<hbm>>
            %dma_start3A_501 = arith.constant 0 : i32
            %dma_start3A_502 = arith.constant 0 : i32
            %dma_start3A_503 = tpu.memref_slice %arg7[%rem3A_403, %dma_start3A_501, %dma_start3A_502] : memref<2x10x40xi32, #tpu.memory_space<vmem>> -> memref<1x10x40xi32, #tpu.memory_space<vmem>>
            %dma_start3A_504 = tpu.memref_squeeze %dma_start3A_503 : memref<1x10x40xi32, #tpu.memory_space<vmem>> -> memref<10x40xi32, #tpu.memory_space<vmem>>
            %dma_start3A_505 = arith.constant 0 : i32
            %dma_start3A_506 = arith.constant 0 : i32
            %dma_start3A_507 = tpu.memref_slice %arg4[%add3A, %select_n3A_401, %dma_start3A_505, %dma_start3A_506] : memref<32x25x10x40xi32, #tpu.memory_space<hbm>> -> memref<1x1x10x40xi32, #tpu.memory_space<hbm>>
            %dma_start3A_508 = tpu.memref_squeeze %dma_start3A_507 : memref<1x1x10x40xi32, #tpu.memory_space<hbm>> -> memref<10x40xi32, #tpu.memory_space<hbm>>
            tpu.enqueue_dma source(%dma_start3A_508 : memref<10x40xi32, #tpu.memory_space<hbm>>) target(%dma_start3A_504 : memref<10x40xi32, #tpu.memory_space<vmem>>) target_semaphore(%run_scoped3A_492 : memref<!tpu.dma_semaphore, #tpu.memory_space<semaphore_mem>>)
            %dma_wait3A_509 = arith.constant 0 : i32
            %dma_wait3A_510 = arith.constant 0 : i32
            %dma_wait3A_511 = tpu.memref_slice %arg7[%rem3A_403, %dma_wait3A_509, %dma_wait3A_510] : memref<2x10x40xi32, #tpu.memory_space<vmem>> -> memref<1x10x40xi32, #tpu.memory_space<vmem>>
            %dma_wait3A_512 = tpu.memref_squeeze %dma_wait3A_511 : memref<1x10x40xi32, #tpu.memory_space<vmem>> -> memref<10x40xi32, #tpu.memory_space<vmem>>
            %dma_wait3A_513 = arith.constant 0 : i32
            %dma_wait3A_514 = arith.constant 0 : i32
            %dma_wait3A_515 = tpu.memref_slice %arg4[%add3A, %select_n3A_401, %dma_wait3A_513, %dma_wait3A_514] : memref<32x25x10x40xi32, #tpu.memory_space<hbm>> -> memref<1x1x10x40xi32, #tpu.memory_space<hbm>>
            %dma_wait3A_516 = tpu.memref_squeeze %dma_wait3A_515 : memref<1x1x10x40xi32, #tpu.memory_space<hbm>> -> memref<10x40xi32, #tpu.memory_space<hbm>>
            %dma_wait3A_517 = arith.constant 0 : i32
            %dma_wait3A_518 = arith.constant 0 : i32
            %dma_wait3A_519 = tpu.memref_slice %arg7[%rem3A_403, %dma_wait3A_517, %dma_wait3A_518] : memref<2x10x40xi32, #tpu.memory_space<vmem>> -> memref<1x10x40xi32, #tpu.memory_space<vmem>>
            %dma_wait3A_520 = tpu.memref_squeeze %dma_wait3A_519 : memref<1x10x40xi32, #tpu.memory_space<vmem>> -> memref<10x40xi32, #tpu.memory_space<vmem>>
            %dma_wait3A_521 = arith.constant 0 : i32
            %dma_wait3A_522 = arith.constant 0 : i32
            %dma_wait3A_523 = tpu.memref_slice %arg4[%add3A, %select_n3A_401, %dma_wait3A_521, %dma_wait3A_522] : memref<32x25x10x40xi32, #tpu.memory_space<hbm>> -> memref<1x1x10x40xi32, #tpu.memory_space<hbm>>
            %dma_wait3A_524 = tpu.memref_squeeze %dma_wait3A_523 : memref<1x1x10x40xi32, #tpu.memory_space<hbm>> -> memref<10x40xi32, #tpu.memory_space<hbm>>
            tpu.wait_dma2 semaphore(%run_scoped3A_492 : memref<!tpu.dma_semaphore, #tpu.memory_space<semaphore_mem>>) src(%dma_wait3A_524 : memref<10x40xi32, #tpu.memory_space<hbm>>) dst(%dma_wait3A_520 : memref<10x40xi32, #tpu.memory_space<vmem>>)
            tpu.yield
          }) : () -> ()
          "tpu.region"() ({
            %run_scoped3A_492 = tpu.sem_alloc : memref<!tpu.dma_semaphore, #tpu.memory_space<semaphore_mem>>
            %dma_start3A_493 = arith.constant 0 : i32
            %dma_start3A_494 = arith.constant 0 : i32
            %dma_start3A_495 = tpu.memref_slice %arg8[%rem3A_403, %dma_start3A_493, %dma_start3A_494] : memref<2x10x40xi32, #tpu.memory_space<vmem>> -> memref<1x10x40xi32, #tpu.memory_space<vmem>>
            %dma_start3A_496 = tpu.memref_squeeze %dma_start3A_495 : memref<1x10x40xi32, #tpu.memory_space<vmem>> -> memref<10x40xi32, #tpu.memory_space<vmem>>
            %dma_start3A_497 = arith.constant 0 : i32
            %dma_start3A_498 = arith.constant 0 : i32
            %dma_start3A_499 = tpu.memref_slice %arg5[%add3A, %select_n3A_401, %dma_start3A_497, %dma_start3A_498] : memref<32x25x10x40xi32, #tpu.memory_space<hbm>> -> memref<1x1x10x40xi32, #tpu.memory_space<hbm>>
            %dma_start3A_500 = tpu.memref_squeeze %dma_start3A_499 : memref<1x1x10x40xi32, #tpu.memory_space<hbm>> -> memref<10x40xi32, #tpu.memory_space<hbm>>
            %dma_start3A_501 = arith.constant 0 : i32
            %dma_start3A_502 = arith.constant 0 : i32
            %dma_start3A_503 = tpu.memref_slice %arg8[%rem3A_403, %dma_start3A_501, %dma_start3A_502] : memref<2x10x40xi32, #tpu.memory_space<vmem>> -> memref<1x10x40xi32, #tpu.memory_space<vmem>>
            %dma_start3A_504 = tpu.memref_squeeze %dma_start3A_503 : memref<1x10x40xi32, #tpu.memory_space<vmem>> -> memref<10x40xi32, #tpu.memory_space<vmem>>
            %dma_start3A_505 = arith.constant 0 : i32
            %dma_start3A_506 = arith.constant 0 : i32
            %dma_start3A_507 = tpu.memref_slice %arg5[%add3A, %select_n3A_401, %dma_start3A_505, %dma_start3A_506] : memref<32x25x10x40xi32, #tpu.memory_space<hbm>> -> memref<1x1x10x40xi32, #tpu.memory_space<hbm>>
            %dma_start3A_508 = tpu.memref_squeeze %dma_start3A_507 : memref<1x1x10x40xi32, #tpu.memory_space<hbm>> -> memref<10x40xi32, #tpu.memory_space<hbm>>
            tpu.enqueue_dma source(%dma_start3A_508 : memref<10x40xi32, #tpu.memory_space<hbm>>) target(%dma_start3A_504 : memref<10x40xi32, #tpu.memory_space<vmem>>) target_semaphore(%run_scoped3A_492 : memref<!tpu.dma_semaphore, #tpu.memory_space<semaphore_mem>>)
            %dma_wait3A_509 = arith.constant 0 : i32
            %dma_wait3A_510 = arith.constant 0 : i32
            %dma_wait3A_511 = tpu.memref_slice %arg8[%rem3A_403, %dma_wait3A_509, %dma_wait3A_510] : memref<2x10x40xi32, #tpu.memory_space<vmem>> -> memref<1x10x40xi32, #tpu.memory_space<vmem>>
            %dma_wait3A_512 = tpu.memref_squeeze %dma_wait3A_511 : memref<1x10x40xi32, #tpu.memory_space<vmem>> -> memref<10x40xi32, #tpu.memory_space<vmem>>
            %dma_wait3A_513 = arith.constant 0 : i32
            %dma_wait3A_514 = arith.constant 0 : i32
            %dma_wait3A_515 = tpu.memref_slice %arg5[%add3A, %select_n3A_401, %dma_wait3A_513, %dma_wait3A_514] : memref<32x25x10x40xi32, #tpu.memory_space<hbm>> -> memref<1x1x10x40xi32, #tpu.memory_space<hbm>>
            %dma_wait3A_516 = tpu.memref_squeeze %dma_wait3A_515 : memref<1x1x10x40xi32, #tpu.memory_space<hbm>> -> memref<10x40xi32, #tpu.memory_space<hbm>>
            %dma_wait3A_517 = arith.constant 0 : i32
            %dma_wait3A_518 = arith.constant 0 : i32
            %dma_wait3A_519 = tpu.memref_slice %arg8[%rem3A_403, %dma_wait3A_517, %dma_wait3A_518] : memref<2x10x40xi32, #tpu.memory_space<vmem>> -> memref<1x10x40xi32, #tpu.memory_space<vmem>>
            %dma_wait3A_520 = tpu.memref_squeeze %dma_wait3A_519 : memref<1x10x40xi32, #tpu.memory_space<vmem>> -> memref<10x40xi32, #tpu.memory_space<vmem>>
            %dma_wait3A_521 = arith.constant 0 : i32
            %dma_wait3A_522 = arith.constant 0 : i32
            %dma_wait3A_523 = tpu.memref_slice %arg5[%add3A, %select_n3A_401, %dma_wait3A_521, %dma_wait3A_522] : memref<32x25x10x40xi32, #tpu.memory_space<hbm>> -> memref<1x1x10x40xi32, #tpu.memory_space<hbm>>
            %dma_wait3A_524 = tpu.memref_squeeze %dma_wait3A_523 : memref<1x1x10x40xi32, #tpu.memory_space<hbm>> -> memref<10x40xi32, #tpu.memory_space<hbm>>
            tpu.wait_dma2 semaphore(%run_scoped3A_492 : memref<!tpu.dma_semaphore, #tpu.memory_space<semaphore_mem>>) src(%dma_wait3A_524 : memref<10x40xi32, #tpu.memory_space<hbm>>) dst(%dma_wait3A_520 : memref<10x40xi32, #tpu.memory_space<vmem>>)
            tpu.yield
          }) : () -> ()
        } else {
        }
        %dma_start3A_459 = arith.constant 1 : i32
        %dma_start3A_460 = arith.constant 1 : i32
        %dma_start3A_461 = arith.constant 0 : i32
        %dma_start3A_462 = arith.constant 0 : i32
        %dma_start3A_463 = tpu.memref_slice %arg9[%dma_start3A_459, %dma_start3A_461, %dma_start3A_462] : memref<2x40x128xf32, #tpu.memory_space<vmem>> -> memref<1x40x128xf32, #tpu.memory_space<vmem>>
        %dma_start3A_464 = tpu.memref_squeeze %dma_start3A_463 : memref<1x40x128xf32, #tpu.memory_space<vmem>> -> memref<40x128xf32, #tpu.memory_space<vmem>>
        %dma_start3A_465 = arith.constant 0 : i32
        %dma_start3A_466 = tpu.memref_slice %arg8[%rem3A_403, %sub3A_406, %dma_start3A_465] : memref<2x10x40xi32, #tpu.memory_space<vmem>> -> memref<1x1x40xi32, #tpu.memory_space<vmem>>
        %dma_start3A_467 = tpu.memref_squeeze %dma_start3A_466 : memref<1x1x40xi32, #tpu.memory_space<vmem>> -> memref<40xi32, #tpu.memory_space<vmem>>
        %dma_start3A_468 = arith.constant 0 : i32
        %dma_start3A_469 = arith.constant 0 : i32
        %dma_start3A_470 = tpu.memref_slice %arg2[%dma_start3A_468, %dma_start3A_469] : memref<10000x128xf32, #tpu.memory_space<hbm>> -> memref<10000x128xf32, #tpu.memory_space<hbm>>
        %dma_start3A_471 = tpu.memref_slice %arg13[%dma_start3A_460] : memref<2x!tpu.dma_semaphore, #tpu.memory_space<semaphore_mem>> -> memref<1x!tpu.dma_semaphore, #tpu.memory_space<semaphore_mem>>
        %dma_start3A_472 = tpu.memref_squeeze %dma_start3A_471 : memref<1x!tpu.dma_semaphore, #tpu.memory_space<semaphore_mem>> -> memref<!tpu.dma_semaphore, #tpu.memory_space<semaphore_mem>>
        tpu.enqueue_indirect_dma source(%dma_start3A_470 : memref<10000x128xf32, #tpu.memory_space<hbm>>) target(%dma_start3A_464 : memref<40x128xf32, #tpu.memory_space<vmem>>) offsets(%dma_start3A_467 : memref<40xi32, #tpu.memory_space<vmem>>) semaphore(%dma_start3A_472 : memref<!tpu.dma_semaphore, #tpu.memory_space<semaphore_mem>>)
        %mul3A_473 = arith.constant 40 : i32
        %mul3A_474 = arith.muli %add3A_377, %mul3A_473 : i32
        %add3A_475 = arith.addi %mul3A_87, %mul3A_474 : i32
        %dma_start3A_476 = arith.constant 1 : i32
        %dma_start3A_477 = arith.constant 1 : i32
        %dma_start3A_478 = arith.constant 0 : i32
        %dma_start3A_479 = arith.constant 0 : i32
        %dma_start3A_480 = tpu.memref_slice %arg10[%dma_start3A_476, %dma_start3A_478, %dma_start3A_479] : memref<2x40x128xf32, #tpu.memory_space<vmem>> -> memref<1x40x128xf32, #tpu.memory_space<vmem>>
        %dma_start3A_481 = tpu.memref_squeeze %dma_start3A_480 : memref<1x40x128xf32, #tpu.memory_space<vmem>> -> memref<40x128xf32, #tpu.memory_space<vmem>>
        %dma_start3A_482 = arith.constant 0 : i32
        %dma_start3A_483 = tpu.memref_slice %arg3[%add3A_475, %dma_start3A_482] : memref<320000x128xf32, #tpu.memory_space<hbm>> -> memref<40x128xf32, #tpu.memory_space<hbm>>
        %dma_start3A_484 = tpu.memref_slice %arg14[%dma_start3A_477] : memref<2x!tpu.dma_semaphore, #tpu.memory_space<semaphore_mem>> -> memref<1x!tpu.dma_semaphore, #tpu.memory_space<semaphore_mem>>
        %dma_start3A_485 = tpu.memref_squeeze %dma_start3A_484 : memref<1x!tpu.dma_semaphore, #tpu.memory_space<semaphore_mem>> -> memref<!tpu.dma_semaphore, #tpu.memory_space<semaphore_mem>>
        %dma_start3A_486 = arith.constant 0 : i32
        %dma_start3A_487 = arith.constant 0 : i32
        %dma_start3A_488 = tpu.memref_slice %arg10[%dma_start3A_476, %dma_start3A_486, %dma_start3A_487] : memref<2x40x128xf32, #tpu.memory_space<vmem>> -> memref<1x40x128xf32, #tpu.memory_space<vmem>>
        %dma_start3A_489 = tpu.memref_squeeze %dma_start3A_488 : memref<1x40x128xf32, #tpu.memory_space<vmem>> -> memref<40x128xf32, #tpu.memory_space<vmem>>
        %dma_start3A_490 = arith.constant 0 : i32
        %dma_start3A_491 = tpu.memref_slice %arg3[%add3A_475, %dma_start3A_490] : memref<320000x128xf32, #tpu.memory_space<hbm>> -> memref<40x128xf32, #tpu.memory_space<hbm>>
        tpu.enqueue_dma source(%dma_start3A_491 : memref<40x128xf32, #tpu.memory_space<hbm>>) target(%dma_start3A_489 : memref<40x128xf32, #tpu.memory_space<vmem>>) target_semaphore(%dma_start3A_485 : memref<!tpu.dma_semaphore, #tpu.memory_space<semaphore_mem>>)
      } else {
      }
      %jit3A_412 = arith.constant 10 : i32
      %div3A_413 = arith.divsi %add3A_328, %jit3A_412 : i32
      %sign3A_414 = arith.constant 0 : i32
      %sign3A_415 = arith.cmpi sgt, %add3A_328, %sign3A_414 : i32
      %sign3A_416 = arith.extui %sign3A_415 : i1 to i32
      %sign3A_417 = arith.constant 0 : i32
      %sign3A_418 = arith.cmpi slt, %add3A_328, %sign3A_417 : i32
      %sign3A_419 = arith.extui %sign3A_418 : i1 to i32
      %sign3A_420 = arith.subi %sign3A_416, %sign3A_419 : i32
      %sign3A_421 = arith.constant 0 : i32
      %sign3A_422 = arith.cmpi sgt, %jit3A_412, %sign3A_421 : i32
      %sign3A_423 = arith.extui %sign3A_422 : i1 to i32
      %sign3A_424 = arith.constant 0 : i32
      %sign3A_425 = arith.cmpi slt, %jit3A_412, %sign3A_424 : i32
      %sign3A_426 = arith.extui %sign3A_425 : i1 to i32
      %sign3A_427 = arith.subi %sign3A_423, %sign3A_426 : i32
      %ne3A_428 = arith.cmpi ne, %sign3A_420, %sign3A_427 : i32
      %rem3A_429 = arith.remsi %add3A_328, %jit3A_412 : i32
      %ne3A_430 = arith.constant 0 : i32
      %ne3A_431 = arith.cmpi ne, %rem3A_429, %ne3A_430 : i32
      %and3A_432 = arith.andi %ne3A_428, %ne3A_431 : i1
      %sub3A_433 = arith.constant 1 : i32
      %sub3A_434 = arith.subi %div3A_413, %sub3A_433 : i32
      %select_n3A_435 = arith.select %and3A_432, %sub3A_434, %div3A_413 : i32
      %rem3A_436 = arith.constant 2 : i32
      %rem3A_437 = arith.remsi %select_n3A_435, %rem3A_436 : i32
      %mul3A_438 = arith.constant 10 : i32
      %mul3A_439 = arith.muli %select_n3A_435, %mul3A_438 : i32
      %sub3A_440 = arith.subi %add3A_328, %mul3A_439 : i32
      %dma_start3A_441 = arith.constant 1 : i32
      %dma_start3A_442 = arith.constant 1 : i32
      %dma_start3A_443 = arith.constant 0 : i32
      %dma_start3A_444 = arith.constant 0 : i32
      %dma_start3A_445 = tpu.memref_slice %arg11[%dma_start3A_441, %dma_start3A_443, %dma_start3A_444] : memref<2x40x128xf32, #tpu.memory_space<vmem>> -> memref<1x40x128xf32, #tpu.memory_space<vmem>>
      %dma_start3A_446 = tpu.memref_squeeze %dma_start3A_445 : memref<1x40x128xf32, #tpu.memory_space<vmem>> -> memref<40x128xf32, #tpu.memory_space<vmem>>
      %dma_start3A_447 = arith.constant 0 : i32
      %dma_start3A_448 = tpu.memref_slice %arg7[%rem3A_437, %sub3A_440, %dma_start3A_447] : memref<2x10x40xi32, #tpu.memory_space<vmem>> -> memref<1x1x40xi32, #tpu.memory_space<vmem>>
      %dma_start3A_449 = tpu.memref_squeeze %dma_start3A_448 : memref<1x1x40xi32, #tpu.memory_space<vmem>> -> memref<40xi32, #tpu.memory_space<vmem>>
      %dma_start3A_450 = arith.constant 0 : i32
      %dma_start3A_451 = arith.constant 0 : i32
      %dma_start3A_452 = tpu.memref_slice %arg12[%dma_start3A_450, %dma_start3A_451] : memref<10240x128xf32, #tpu.memory_space<vmem_shared>> -> memref<10240x128xf32, #tpu.memory_space<vmem_shared>>
      %dma_start3A_453 = tpu.memref_slice %arg15[%dma_start3A_442] : memref<2x!tpu.dma_semaphore, #tpu.memory_space<semaphore_mem>> -> memref<1x!tpu.dma_semaphore, #tpu.memory_space<semaphore_mem>>
      %dma_start3A_454 = tpu.memref_squeeze %dma_start3A_453 : memref<1x!tpu.dma_semaphore, #tpu.memory_space<semaphore_mem>> -> memref<!tpu.dma_semaphore, #tpu.memory_space<semaphore_mem>>
      tpu.enqueue_indirect_dma source(%dma_start3A_446 : memref<40x128xf32, #tpu.memory_space<vmem>>) target(%dma_start3A_452 : memref<10240x128xf32, #tpu.memory_space<vmem_shared>>) offsets(%dma_start3A_449 : memref<40xi32, #tpu.memory_space<vmem>>) semaphore(%dma_start3A_454 : memref<!tpu.dma_semaphore, #tpu.memory_space<semaphore_mem>>) {add = true}
    }
    %scan3A_164 = arith.constant 125 : i32
    %dma_wait3A = arith.constant 0 : i32
    %dma_wait3A_165 = arith.constant 0 : i32
    %dma_wait3A_166 = arith.constant 0 : i32
    %dma_wait3A_167 = arith.constant 0 : i32
    %dma_wait3A_168 = tpu.memref_slice %arg11[%dma_wait3A, %dma_wait3A_166, %dma_wait3A_167] : memref<2x40x128xf32, #tpu.memory_space<vmem>> -> memref<1x40x128xf32, #tpu.memory_space<vmem>>
    %dma_wait3A_169 = tpu.memref_squeeze %dma_wait3A_168 : memref<1x40x128xf32, #tpu.memory_space<vmem>> -> memref<40x128xf32, #tpu.memory_space<vmem>>
    %dma_wait3A_170 = arith.constant 0 : i32
    %dma_wait3A_171 = arith.constant 0 : i32
    %dma_wait3A_172 = tpu.memref_slice %arg12[%dma_wait3A_170, %dma_wait3A_171] : memref<10240x128xf32, #tpu.memory_space<vmem_shared>> -> memref<40x128xf32, #tpu.memory_space<vmem_shared>>
    %dma_wait3A_173 = tpu.memref_slice %arg15[%dma_wait3A_165] : memref<2x!tpu.dma_semaphore, #tpu.memory_space<semaphore_mem>> -> memref<1x!tpu.dma_semaphore, #tpu.memory_space<semaphore_mem>>
    %dma_wait3A_174 = tpu.memref_squeeze %dma_wait3A_173 : memref<1x!tpu.dma_semaphore, #tpu.memory_space<semaphore_mem>> -> memref<!tpu.dma_semaphore, #tpu.memory_space<semaphore_mem>>
    %dma_wait3A_175 = arith.constant 0 : i32
    %dma_wait3A_176 = arith.constant 0 : i32
    %dma_wait3A_177 = tpu.memref_slice %arg12[%dma_wait3A_175, %dma_wait3A_176] : memref<10240x128xf32, #tpu.memory_space<vmem_shared>> -> memref<40x128xf32, #tpu.memory_space<vmem_shared>>
    %dma_wait3A_178 = arith.constant 0 : i32
    %dma_wait3A_179 = arith.constant 0 : i32
    %dma_wait3A_180 = tpu.memref_slice %arg11[%dma_wait3A, %dma_wait3A_178, %dma_wait3A_179] : memref<2x40x128xf32, #tpu.memory_space<vmem>> -> memref<1x40x128xf32, #tpu.memory_space<vmem>>
    %dma_wait3A_181 = tpu.memref_squeeze %dma_wait3A_180 : memref<1x40x128xf32, #tpu.memory_space<vmem>> -> memref<40x128xf32, #tpu.memory_space<vmem>>
    tpu.wait_dma2 semaphore(%dma_wait3A_174 : memref<!tpu.dma_semaphore, #tpu.memory_space<semaphore_mem>>) src(%dma_wait3A_181 : memref<40x128xf32, #tpu.memory_space<vmem>>) dst(%dma_wait3A_177 : memref<40x128xf32, #tpu.memory_space<vmem_shared>>)
    %dma_wait3A_182 = arith.constant 1 : i32
    %dma_wait3A_183 = arith.constant 1 : i32
    %dma_wait3A_184 = arith.constant 0 : i32
    %dma_wait3A_185 = arith.constant 0 : i32
    %dma_wait3A_186 = tpu.memref_slice %arg11[%dma_wait3A_182, %dma_wait3A_184, %dma_wait3A_185] : memref<2x40x128xf32, #tpu.memory_space<vmem>> -> memref<1x40x128xf32, #tpu.memory_space<vmem>>
    %dma_wait3A_187 = tpu.memref_squeeze %dma_wait3A_186 : memref<1x40x128xf32, #tpu.memory_space<vmem>> -> memref<40x128xf32, #tpu.memory_space<vmem>>
    %dma_wait3A_188 = arith.constant 0 : i32
    %dma_wait3A_189 = arith.constant 0 : i32
    %dma_wait3A_190 = tpu.memref_slice %arg12[%dma_wait3A_188, %dma_wait3A_189] : memref<10240x128xf32, #tpu.memory_space<vmem_shared>> -> memref<40x128xf32, #tpu.memory_space<vmem_shared>>
    %dma_wait3A_191 = tpu.memref_slice %arg15[%dma_wait3A_183] : memref<2x!tpu.dma_semaphore, #tpu.memory_space<semaphore_mem>> -> memref<1x!tpu.dma_semaphore, #tpu.memory_space<semaphore_mem>>
    %dma_wait3A_192 = tpu.memref_squeeze %dma_wait3A_191 : memref<1x!tpu.dma_semaphore, #tpu.memory_space<semaphore_mem>> -> memref<!tpu.dma_semaphore, #tpu.memory_space<semaphore_mem>>
    %dma_wait3A_193 = arith.constant 0 : i32
    %dma_wait3A_194 = arith.constant 0 : i32
    %dma_wait3A_195 = tpu.memref_slice %arg12[%dma_wait3A_193, %dma_wait3A_194] : memref<10240x128xf32, #tpu.memory_space<vmem_shared>> -> memref<40x128xf32, #tpu.memory_space<vmem_shared>>
    %dma_wait3A_196 = arith.constant 0 : i32
    %dma_wait3A_197 = arith.constant 0 : i32
    %dma_wait3A_198 = tpu.memref_slice %arg11[%dma_wait3A_182, %dma_wait3A_196, %dma_wait3A_197] : memref<2x40x128xf32, #tpu.memory_space<vmem>> -> memref<1x40x128xf32, #tpu.memory_space<vmem>>
    %dma_wait3A_199 = tpu.memref_squeeze %dma_wait3A_198 : memref<1x40x128xf32, #tpu.memory_space<vmem>> -> memref<40x128xf32, #tpu.memory_space<vmem>>
    tpu.wait_dma2 semaphore(%dma_wait3A_192 : memref<!tpu.dma_semaphore, #tpu.memory_space<semaphore_mem>>) src(%dma_wait3A_199 : memref<40x128xf32, #tpu.memory_space<vmem>>) dst(%dma_wait3A_195 : memref<40x128xf32, #tpu.memory_space<vmem_shared>>)
    %barrier3A_200 = arith.constant 0 : index
    tpu.barrier barrier_id(%barrier3A_200)
    %mul3A_201 = arith.constant 640 : i32
    %mul3A_202 = arith.muli %arg1, %mul3A_201 : i32
    %mul3A_203 = arith.constant 10240 : i32
    %mul3A_204 = arith.muli %arg0, %mul3A_203 : i32
    %add3A_205 = arith.addi %mul3A_204, %mul3A_202 : i32
    "tpu.region"() ({
      %run_scoped3A_206 = tpu.sem_alloc : memref<!tpu.dma_semaphore, #tpu.memory_space<semaphore_mem>>
      %dma_start3A_207 = arith.constant 0 : i32
      %dma_start3A_208 = tpu.memref_slice %arg6[%add3A_205, %dma_start3A_207] : memref<20480x128xf32, #tpu.memory_space<hbm>> -> memref<640x128xf32, #tpu.memory_space<hbm>>
      %dma_start3A_209 = arith.constant 0 : i32
      %dma_start3A_210 = tpu.memref_slice %arg12[%mul3A_202, %dma_start3A_209] : memref<10240x128xf32, #tpu.memory_space<vmem_shared>> -> memref<640x128xf32, #tpu.memory_space<vmem_shared>>
      tpu.enqueue_dma source(%dma_start3A_210 : memref<640x128xf32, #tpu.memory_space<vmem_shared>>) target(%dma_start3A_208 : memref<640x128xf32, #tpu.memory_space<hbm>>) target_semaphore(%run_scoped3A_206 : memref<!tpu.dma_semaphore, #tpu.memory_space<semaphore_mem>>)
      %dma_wait3A_211 = arith.constant 0 : i32
      %dma_wait3A_212 = tpu.memref_slice %arg6[%add3A_205, %dma_wait3A_211] : memref<20480x128xf32, #tpu.memory_space<hbm>> -> memref<640x128xf32, #tpu.memory_space<hbm>>
      %dma_wait3A_213 = arith.constant 0 : i32
      %dma_wait3A_214 = tpu.memref_slice %arg12[%mul3A_202, %dma_wait3A_213] : memref<10240x128xf32, #tpu.memory_space<vmem_shared>> -> memref<640x128xf32, #tpu.memory_space<vmem_shared>>
      tpu.wait_dma2 semaphore(%run_scoped3A_206 : memref<!tpu.dma_semaphore, #tpu.memory_space<semaphore_mem>>) src(%dma_wait3A_214 : memref<640x128xf32, #tpu.memory_space<vmem_shared>>) dst(%dma_wait3A_212 : memref<640x128xf32, #tpu.memory_space<hbm>>)
      tpu.yield
    }) : () -> ()
    return
  }
}

module attributes {stable_mosaic.version = 14 : i64} {
  func.func @_h_body(%arg0: memref<10000x128xbf16, #tpu.memory_space<vmem>>, %arg1: memref<128x128xbf16, #tpu.memory_space<vmem>>, %arg2: memref<10000x128xf32, #tpu.memory_space<vmem>>) attributes {dimension_semantics = [], scalar_prefetch = 0 : i64, scratch_operands = 0 : i64, tpu.core_type = #tpu.core_type<tc>} {
    %get3A = arith.constant 0 : index
    %get3A_0 = arith.constant 0 : index
    %get3A_1 = vector.load %arg0[%get3A, %get3A_0] : memref<10000x128xbf16, #tpu.memory_space<vmem>>, vector<10000x128xbf16>
    %get3A_2 = arith.constant 0 : index
    %get3A_3 = arith.constant 0 : index
    %get3A_4 = vector.load %arg1[%get3A_2, %get3A_3] : memref<128x128xbf16, #tpu.memory_space<vmem>>, vector<128x128xbf16>
    %dot_general3A = arith.constant dense<0.000000e+00> : vector<10000x128xf32>
    %dot_general3A_5 = tpu.matmul %get3A_1, %get3A_4, %dot_general3A {dimension_numbers = #tpu.dot_dimension_numbers<[1], [0], [0], [1], [0, 0, 1, 1], [], []>, transpose_lhs_hint = false} : vector<10000x128xbf16>, vector<128x128xbf16>, vector<10000x128xf32> -> vector<10000x128xf32>
    %swap3A = arith.constant 0 : index
    %swap3A_6 = arith.constant 0 : index
    %swap3A_7 = vector.load %arg2[%swap3A, %swap3A_6] : memref<10000x128xf32, #tpu.memory_space<vmem>>, vector<10000x128xf32>
    tpu.vector_store %arg2[%swap3A, %swap3A_6], %dot_general3A_5 {strides = array<i32>} : memref<10000x128xf32, #tpu.memory_space<vmem>>, vector<10000x128xf32>,
    return
  }
}

module attributes {stable_mosaic.version = 14 : i64} {
  func.func @_wij_body(%arg0: i32, %arg1: memref<16000x32xbf16, #tpu.memory_space<vmem>>, %arg2: memref<2000x8xf32, #tpu.memory_space<vmem>>, %arg3: memref<32x128xbf16, #tpu.memory_space<vmem>>, %arg4: memref<1x128xf32, #tpu.memory_space<vmem>>, %arg5: memref<128x128xbf16, #tpu.memory_space<vmem>>, %arg6: memref<1x128xf32, #tpu.memory_space<vmem>>, %arg7: memref<16000x128xf32, #tpu.memory_space<vmem>>) attributes {dimension_semantics = [#tpu.dimension_semantics<arbitrary>], iteration_bounds = array<i64: 20>, scalar_prefetch = 0 : i64, scratch_operands = 0 : i64, tpu.core_type = #tpu.core_type<tc>, window_params = [{transform_indices = @transform_0, window_bounds = array<i64: 16000, 32>}, {transform_indices = @transform_1, window_bounds = array<i64: 2000, 8>}, {pipeline_mode = #tpu.pipeline_mode<synchronous>, transform_indices = @transform_2, window_bounds = array<i64: 32, 128>}, {pipeline_mode = #tpu.pipeline_mode<synchronous>, transform_indices = @transform_3, window_bounds = array<i64: 1, 128>}, {pipeline_mode = #tpu.pipeline_mode<synchronous>, transform_indices = @transform_4, window_bounds = array<i64: 128, 128>}, {pipeline_mode = #tpu.pipeline_mode<synchronous>, transform_indices = @transform_5, window_bounds = array<i64: 1, 128>}, {transform_indices = @transform_6, window_bounds = array<i64: 16000, 128>}]} {
    %get3A = arith.constant 0 : index
    %get3A_0 = arith.constant 0 : index
    %get3A_1 = vector.load %arg1[%get3A, %get3A_0] : memref<16000x32xbf16, #tpu.memory_space<vmem>>, vector<16000x32xbf16>
    %get3A_2 = arith.constant 0 : index
    %get3A_3 = arith.constant 0 : index
    %get3A_4 = vector.load %arg3[%get3A_2, %get3A_3] : memref<32x128xbf16, #tpu.memory_space<vmem>>, vector<32x128xbf16>
    %dot_general3A = arith.constant dense<0.000000e+00> : vector<16000x128xf32>
    %dot_general3A_5 = tpu.matmul %get3A_1, %get3A_4, %dot_general3A {dimension_numbers = #tpu.dot_dimension_numbers<[1], [0], [0], [1], [0, 0, 1, 1], [], []>, transpose_lhs_hint = false} : vector<16000x32xbf16>, vector<32x128xbf16>, vector<16000x128xf32> -> vector<16000x128xf32>
    %get3A_6 = arith.constant 0 : index
    %get3A_7 = arith.constant 0 : index
    %get3A_8 = vector.load %arg4[%get3A_6, %get3A_7] : memref<1x128xf32, #tpu.memory_space<vmem>>, vector<1x128xf32>
    %add3A = vector.broadcast %get3A_8 : vector<1x128xf32> to vector<16000x128xf32>
    %add3A_9 = arith.addf %dot_general3A_5, %add3A : vector<16000x128xf32>
    %max3A = arith.constant 0.000000e+00 : f32
    %max3A_10 = vector.broadcast %max3A : f32 to vector<16000x128xf32>
    %max3A_11 = arith.maximumf %add3A_9, %max3A_10 : vector<16000x128xf32>
    %abs3A = math.absf %add3A_9 : vector<16000x128xf32>
    %neg3A = arith.constant 0.000000e+00 : f32
    %neg3A_12 = vector.broadcast %neg3A : f32 to vector<16000x128xf32>
    %neg3A_13 = arith.subf %neg3A_12, %abs3A : vector<16000x128xf32>
    %exp3A = math.exp %neg3A_13 : vector<16000x128xf32>
    %log1p3A = math.log1p %exp3A : vector<16000x128xf32>
    %add3A_14 = arith.addf %max3A_11, %log1p3A : vector<16000x128xf32>
    %sub3A = arith.constant 0.693147182 : f32
    %sub3A_15 = vector.broadcast %sub3A : f32 to vector<16000x128xf32>
    %sub3A_16 = arith.subf %add3A_14, %sub3A_15 : vector<16000x128xf32>
    %convert_element_type3A = arith.truncf %sub3A_16 : vector<16000x128xf32> to vector<16000x128xbf16>
    %get3A_17 = arith.constant 0 : index
    %get3A_18 = arith.constant 0 : index
    %get3A_19 = vector.load %arg5[%get3A_17, %get3A_18] : memref<128x128xbf16, #tpu.memory_space<vmem>>, vector<128x128xbf16>
    %dot_general3A_20 = arith.constant dense<0.000000e+00> : vector<16000x128xf32>
    %dot_general3A_21 = tpu.matmul %convert_element_type3A, %get3A_19, %dot_general3A_20 {dimension_numbers = #tpu.dot_dimension_numbers<[1], [0], [0], [1], [0, 0, 1, 1], [], []>, transpose_lhs_hint = false} : vector<16000x128xbf16>, vector<128x128xbf16>, vector<16000x128xf32> -> vector<16000x128xf32>
    %get3A_22 = arith.constant 0 : index
    %get3A_23 = arith.constant 0 : index
    %get3A_24 = vector.load %arg6[%get3A_22, %get3A_23] : memref<1x128xf32, #tpu.memory_space<vmem>>, vector<1x128xf32>
    %add3A_25 = vector.broadcast %get3A_24 : vector<1x128xf32> to vector<16000x128xf32>
    %add3A_26 = arith.addf %dot_general3A_21, %add3A_25 : vector<16000x128xf32>
    %reshape3A = vector.shape_cast %add3A_26 : vector<16000x128xf32> to vector<2000x8x128xf32>
    %get3A_27 = arith.constant 0 : index
    %get3A_28 = arith.constant 0 : index
    %get3A_29 = vector.load %arg2[%get3A_27, %get3A_28] : memref<2000x8xf32, #tpu.memory_space<vmem>>, vector<2000x8xf32>
    %broadcast_in_dim3A = vector.shape_cast %get3A_29 : vector<2000x8xf32> to vector<2000x8x1xf32>
    %broadcast_in_dim3A_30 = vector.broadcast %broadcast_in_dim3A : vector<2000x8x1xf32> to vector<2000x8x128xf32>
    %mul3A = arith.mulf %reshape3A, %broadcast_in_dim3A_30 : vector<2000x8x128xf32>
    %reshape3A_31 = vector.shape_cast %mul3A : vector<2000x8x128xf32> to vector<16000x128xf32>
    %swap3A = arith.constant 0 : index
    %swap3A_32 = arith.constant 0 : index
    %swap3A_33 = vector.load %arg7[%swap3A, %swap3A_32] : memref<16000x128xf32, #tpu.memory_space<vmem>>, vector<16000x128xf32>
    tpu.vector_store %arg7[%swap3A, %swap3A_32], %reshape3A_31 {strides = array<i32>} : memref<16000x128xf32, #tpu.memory_space<vmem>>, vector<16000x128xf32>,
    return
  }
  func.func @transform_0(%arg0: i32) -> (i32, i32) {
    %c0_i32 = arith.constant 0 : i32
    %c0_i32_0 = arith.constant 0 : i32
    return %arg0, %c0_i32 : i32, i32
  }
  func.func @transform_1(%arg0: i32) -> (i32, i32) {
    %c0_i32 = arith.constant 0 : i32
    %c0_i32_0 = arith.constant 0 : i32
    return %arg0, %c0_i32 : i32, i32
  }
  func.func @transform_2(%arg0: i32) -> (i32, i32) {
    %c0_i32 = arith.constant 0 : i32
    %c0_i32_0 = arith.constant 0 : i32
    %c0_i32_1 = arith.constant 0 : i32
    return %c0_i32, %c0_i32_0 : i32, i32
  }
  func.func @transform_3(%arg0: i32) -> (i32, i32) {
    %c0_i32 = arith.constant 0 : i32
    %c0_i32_0 = arith.constant 0 : i32
    %c0_i32_1 = arith.constant 0 : i32
    return %c0_i32, %c0_i32_0 : i32, i32
  }
  func.func @transform_4(%arg0: i32) -> (i32, i32) {
    %c0_i32 = arith.constant 0 : i32
    %c0_i32_0 = arith.constant 0 : i32
    %c0_i32_1 = arith.constant 0 : i32
    return %c0_i32, %c0_i32_0 : i32, i32
  }
  func.func @transform_5(%arg0: i32) -> (i32, i32) {
    %c0_i32 = arith.constant 0 : i32
    %c0_i32_0 = arith.constant 0 : i32
    %c0_i32_1 = arith.constant 0 : i32
    return %c0_i32, %c0_i32_0 : i32, i32
  }
  func.func @transform_6(%arg0: i32) -> (i32, i32) {
    %c0_i32 = arith.constant 0 : i32
    %c0_i32_0 = arith.constant 0 : i32
    return %arg0, %c0_i32 : i32, i32
  }
}

module attributes {stable_mosaic.version = 14 : i64} {
  func.func @_out_body(%arg0: memref<20480x128xf32, #tpu.memory_space<vmem>>, %arg1: memref<128x128xbf16, #tpu.memory_space<vmem>>, %arg2: memref<1x128xf32, #tpu.memory_space<vmem>>, %arg3: memref<128x128xbf16, #tpu.memory_space<vmem>>, %arg4: memref<1x128xf32, #tpu.memory_space<vmem>>, %arg5: memref<10000x128xf32, #tpu.memory_space<vmem>>) attributes {dimension_semantics = [], scalar_prefetch = 0 : i64, scratch_operands = 0 : i64, tpu.core_type = #tpu.core_type<tc>} {
    %get3A = arith.constant 0 : index
    %get3A_0 = arith.constant 0 : index
    %get3A_1 = vector.load %arg0[%get3A, %get3A_0] : memref<20480x128xf32, #tpu.memory_space<vmem>>, vector<10000x128xf32>
    %get3A_2 = arith.constant 10240 : index
    %get3A_3 = arith.constant 0 : index
    %get3A_4 = vector.load %arg0[%get3A_2, %get3A_3] : memref<20480x128xf32, #tpu.memory_space<vmem>>, vector<10000x128xf32>
    %add3A = arith.addf %get3A_1, %get3A_4 : vector<10000x128xf32>
    %convert_element_type3A = arith.truncf %add3A : vector<10000x128xf32> to vector<10000x128xbf16>
    %get3A_5 = arith.constant 0 : index
    %get3A_6 = arith.constant 0 : index
    %get3A_7 = vector.load %arg1[%get3A_5, %get3A_6] : memref<128x128xbf16, #tpu.memory_space<vmem>>, vector<128x128xbf16>
    %dot_general3A = arith.constant dense<0.000000e+00> : vector<10000x128xf32>
    %dot_general3A_8 = tpu.matmul %convert_element_type3A, %get3A_7, %dot_general3A {dimension_numbers = #tpu.dot_dimension_numbers<[1], [0], [0], [1], [0, 0, 1, 1], [], []>, transpose_lhs_hint = false} : vector<10000x128xbf16>, vector<128x128xbf16>, vector<10000x128xf32> -> vector<10000x128xf32>
    %get3A_9 = arith.constant 0 : index
    %get3A_10 = arith.constant 0 : index
    %get3A_11 = vector.load %arg2[%get3A_9, %get3A_10] : memref<1x128xf32, #tpu.memory_space<vmem>>, vector<1x128xf32>
    %add3A_12 = vector.broadcast %get3A_11 : vector<1x128xf32> to vector<10000x128xf32>
    %add3A_13 = arith.addf %dot_general3A_8, %add3A_12 : vector<10000x128xf32>
    %max3A = arith.constant 0.000000e+00 : f32
    %max3A_14 = vector.broadcast %max3A : f32 to vector<10000x128xf32>
    %max3A_15 = arith.maximumf %add3A_13, %max3A_14 : vector<10000x128xf32>
    %abs3A = math.absf %add3A_13 : vector<10000x128xf32>
    %neg3A = arith.constant 0.000000e+00 : f32
    %neg3A_16 = vector.broadcast %neg3A : f32 to vector<10000x128xf32>
    %neg3A_17 = arith.subf %neg3A_16, %abs3A : vector<10000x128xf32>
    %exp3A = math.exp %neg3A_17 : vector<10000x128xf32>
    %log1p3A = math.log1p %exp3A : vector<10000x128xf32>
    %add3A_18 = arith.addf %max3A_15, %log1p3A : vector<10000x128xf32>
    %sub3A = arith.constant 0.693147182 : f32
    %sub3A_19 = vector.broadcast %sub3A : f32 to vector<10000x128xf32>
    %sub3A_20 = arith.subf %add3A_18, %sub3A_19 : vector<10000x128xf32>
    %convert_element_type3A_21 = arith.truncf %sub3A_20 : vector<10000x128xf32> to vector<10000x128xbf16>
    %get3A_22 = arith.constant 0 : index
    %get3A_23 = arith.constant 0 : index
    %get3A_24 = vector.load %arg3[%get3A_22, %get3A_23] : memref<128x128xbf16, #tpu.memory_space<vmem>>, vector<128x128xbf16>
    %dot_general3A_25 = arith.constant dense<0.000000e+00> : vector<10000x128xf32>
    %dot_general3A_26 = tpu.matmul %convert_element_type3A_21, %get3A_24, %dot_general3A_25 {dimension_numbers = #tpu.dot_dimension_numbers<[1], [0], [0], [1], [0, 0, 1, 1], [], []>, transpose_lhs_hint = false} : vector<10000x128xbf16>, vector<128x128xbf16>, vector<10000x128xf32> -> vector<10000x128xf32>
    %get3A_27 = arith.constant 0 : index
    %get3A_28 = arith.constant 0 : index
    %get3A_29 = vector.load %arg4[%get3A_27, %get3A_28] : memref<1x128xf32, #tpu.memory_space<vmem>>, vector<1x128xf32>
    %add3A_30 = vector.broadcast %get3A_29 : vector<1x128xf32> to vector<10000x128xf32>
    %add3A_31 = arith.addf %dot_general3A_26, %add3A_30 : vector<10000x128xf32>
    %swap3A = arith.constant 0 : index
    %swap3A_32 = arith.constant 0 : index
    %swap3A_33 = vector.load %arg5[%swap3A, %swap3A_32] : memref<10000x128xf32, #tpu.memory_space<vmem>>, vector<10000x128xf32>
    tpu.vector_store %arg5[%swap3A, %swap3A_32], %add3A_31 {strides = array<i32>} : memref<10000x128xf32, #tpu.memory_space<vmem>>, vector<10000x128xf32>,
    return
  }
}

</mosaic_0001>

<sc_bundles>
// kernel: kernel.6.cloned.1.call-start
scs
__scs_entry_jumppad:
0x0: {  	(pc) =	sbr.rel $0x88, $3  }
0x1: {  	(tag) =	ssettag $0x0;
	lr =	simm.s32 $0x1  }
0x2: {  	[smem:$0x3F93] =	sst lr;
	_ =	strace $0xD0000000  }
0x3: {  	_ = 	snop  }
0x4: {  	_ = 	snop  }
0x5: {  	_ = 	snop  }
0x6: {  	_ = 	snop  }
0x7: {  	_ = 	snop  }
__scs_overlays_trampoline_lowered:
0x8: {  	[smem:$0x3FA2] =	sst s0  }
0x9: {  	[smem:$0x3FA3] =	sst s1  }
0xa: {  	[smem:$0x3FA4] =	sst s2  }
0xb: {  	[smem:$0x3FA5] =	sst s3  }
0xc: {  	[smem:$0x3FA6] =	sst s4  }
0xd: {  	[smem:$0x3FA7] =	sst s5  }
0xe: {  	[smem:$0x3FA8] =	sst s6  }
0xf: {  	[smem:$0x3FA9] =	sst s7  }
0x10: {  	[smem:$0x3FAA] =	sst s8  }
0x11: {  	[smem:$0x3FAB] =	sst s9;
	s0 =	simm.s32 @!p0 $0x0  }
0x12: {  	s1 =	sld [smem:$0x3F91];
	s0 =	simm.s32 @p0 $0x1  }
0x13: {  	[smem:$0x3FAC] =	sst s0;
	s0 =	simm.s32 @!p1 $0x0  }
0x14: {  	s2 =	sld [smem:$0x3F90];
	s0 =	simm.s32 @p1 $0x1  }
0x15: {  	[smem:$0x3FAD] =	sst s0;
	s0 =	simm.s32 @!p2 $0x0  }
0x16: {  	s3 =	sld [smem:$0x3FDB];
	s0 =	simm.s32 @p2 $0x1  }
0x17: {  	s4 =	simm.s32 $0x1BF5;
	[smem:$0x3FAF] =	sst s0  }
0x18: {  	s0 =	sld [smem:$0x3F92];
	_ =	swait.ge [sflag:s4], $0x0  }
0x19: {  	s7 =	sld [smem:$0x3F93]  }
0x1a: {  	s8 =	sadd.s32 $0xFFFFE003, lr  }
0x1b: {  	s9 =	sadd.s32 $0xFFFFFEF7, lr;
	s5 =	simm.s32 $0xFFFFFFFF;
	p2 =	slt.u32 s8, $0xFFFFF086  }
0x1c: {  	p1 =	slt.u32 s9, $0xF7A;
	s5 =	simm.s32 @!p2 $0x0  }
0x1d: {  	s5 =	simm.s32 @p1 $0x1;
	p0 =	seq.s32 s7, s2  }
0x1e: {  	s7 =	smul.u32 @!p0 $0xF7A, s2;
	p2 =	seq.s32 @!p0 s5, $0x0  }
0x1f: {  	s9 =	smul.u32 $0xF7A, s1;
	s8 =	simm.s32 @!p0 $0x1BF5;
	p2 =	por !p2, p0  }
0x20: {  	[sflag:s8] =	ssyncset.s32 @!p0 $0xFFFFF086;
	s6 =	sadd.s32 @!p0 s3, s7;
	s7 =	simm.s32 @!p0 $0x108  }
0x21: {  	s3 =	sadd.s32 s3, s9;
	s6 =	sadd.s32 @!p0 $0x88, s6;
	s7 =	simm.s32 @p2 $0x1082  }
0x22: {  	[simem:s7], [sflag:s8] =	dma.local @!p0 [hbm:s6], $0xF7A  }
0x23: {  	s9 =	sor.u32 $0xD0000000, s2;
	s6 =	simm.s32 $0x108;
	_ =	swait.ge @!p0 [sflag:s8], $0x0  }
0x24: {  	s3 =	sadd.s32 $0x88, s3;
	s6 =	simm.s32 @!p1 $0x1082;
	[sflag:s4] =	ssyncset.s32 $0xFFFFF086  }
0x25: {  	[simem:s6], [sflag:s4] =	dma.local [hbm:s3], $0xF7A  }
0x26: {  	[smem:$0x3F93] =	sst s1;
	(tag) =	ssettag s2;
	_ =	strace s9  }
0x27: {  	s1 =	sld [smem:$0x3FA3]  }
0x28: {  	s2 =	sld [smem:$0x3FA4]  }
0x29: {  	s4 =	sld [smem:$0x3FA6]  }
0x2a: {  	p0 =	seq.s32 s5, $0x0;
	s5 =	sld [smem:$0x3FA7]  }
0x2b: {  	s6 =	sld [smem:$0x3FA8]  }
0x2c: {  	s7 =	sld [smem:$0x3FA9]  }
0x2d: {  	s3 =	simm.s32 $0x108;
	s8 =	sld [smem:$0x3FAA]  }
0x2e: {  	s3 =	simm.s32 @!p0 $0x1082;
	s9 =	sld [smem:$0x3FAB]  }
0x2f: {  	lr =	sadd.s32 s0, s3;
	s0 =	sld [smem:$0x3FA2]  }
0x30: {  	s3 =	sld [smem:$0x3FA5]  }
0x31: {  	[smem:$0x3FAE] =	sst s10  }
0x32: {  	s10 =	sld [smem:$0x3FAC];
	_ =	sdelay $0x3  }
0x33: {  	p0 =	seq.s32 s10, $0x1;
	s10 =	sld [smem:$0x3FAE];
	_ =	sdelay $0x3  }
0x34: {  	[smem:$0x3FAE] =	sst s10  }
0x35: {  	s10 =	sld [smem:$0x3FAD];
	_ =	sdelay $0x3  }
0x36: {  	p1 =	seq.s32 s10, $0x1;
	s10 =	sld [smem:$0x3FAE];
	_ =	sdelay $0x3  }
0x37: {  	[smem:$0x3FAE] =	sst s10  }
0x38: {  	s10 =	sld [smem:$0x3FAF]  }
0x39: {  	_ = 	snop;
	(pc) =	sbr.ind lr, $3  }
0x3a: {  	_ = 	snop  }
0x3b: {  	_ = 	snop  }
0x3c: {  	p2 =	seq.s32 s10, $0x1;
	s10 =	sld [smem:$0x3FAE]  }
0x3d: {  	_ =	shalt  }
0x3e: {  	_ =	shalt  }
0x3f: {  	_ =	shalt  }
0x40: {  	_ =	shalt  }
0x41: {  	_ =	shalt  }
0x42: {  	_ =	shalt  }
0x43: {  	_ =	shalt  }
0x44: {  	_ =	shalt  }
0x45: {  	_ =	shalt  }
0x46: {  	_ =	shalt  }
0x47: {  	_ =	shalt  }
0x48: {  	_ =	shalt  }
0x49: {  	_ =	shalt  }
0x4a: {  	_ =	shalt  }
0x4b: {  	_ =	shalt  }
0x4c: {  	_ =	shalt  }
0x4d: {  	_ =	shalt  }
0x4e: {  	_ =	shalt  }
0x4f: {  	_ =	shalt  }
0x50: {  	_ =	shalt  }
0x51: {  	_ =	shalt  }
0x52: {  	_ =	shalt  }
0x53: {  	_ =	shalt  }
0x54: {  	_ =	shalt  }
0x55: {  	_ =	shalt  }
0x56: {  	_ =	shalt  }
0x57: {  	_ =	shalt  }
0x58: {  	_ =	shalt  }
0x59: {  	_ =	shalt  }
0x5a: {  	_ =	shalt  }
0x5b: {  	_ =	shalt  }
0x5c: {  	_ =	shalt  }
0x5d: {  	_ =	shalt  }
0x5e: {  	_ =	shalt  }
0x5f: {  	_ =	shalt  }
0x60: {  	_ =	shalt  }
0x61: {  	_ =	shalt  }
0x62: {  	_ =	shalt  }
0x63: {  	_ =	shalt  }
0x64: {  	_ =	shalt  }
0x65: {  	_ =	shalt  }
0x66: {  	_ =	shalt  }
0x67: {  	_ =	shalt  }
0x68: {  	_ =	shalt  }
0x69: {  	_ =	shalt  }
0x6a: {  	_ =	shalt  }
0x6b: {  	_ =	shalt  }
0x6c: {  	_ =	shalt  }
0x6d: {  	_ =	shalt  }
0x6e: {  	_ =	shalt  }
0x6f: {  	_ =	shalt  }
0x70: {  	_ =	shalt  }
0x71: {  	_ =	shalt  }
0x72: {  	_ =	shalt  }
0x73: {  	_ =	shalt  }
0x74: {  	_ =	shalt  }
0x75: {  	_ =	shalt  }
0x76: {  	_ =	shalt  }
0x77: {  	_ =	shalt  }
0x78: {  	_ =	shalt  }
0x79: {  	_ =	shalt  }
0x7a: {  	_ =	shalt  }
0x7b: {  	_ =	shalt  }
0x7c: {  	_ =	shalt  }
0x7d: {  	_ =	shalt  }
0x7e: {  	_ =	shalt  }
0x7f: {  	_ =	shalt  }
0x80: {  	_ =	shalt  }
0x81: {  	_ =	shalt  }
0x82: {  	_ =	shalt  }
0x83: {  	_ =	shalt  }
0x84: {  	_ =	shalt  }
0x85: {  	_ =	shalt  }
0x86: {  	_ =	shalt  }
0x87: {  	_ =	shalt  }
.Lfunc_end0:
.L_simem_size_0:
called_computation_lowered:
.L_overlay_start_0:
0x88: {  	s2 =	sld [smem:$0x3FD9]  }
0x89: {  	s3 =	sld [smem:$0x3FFE];
	_ =	sdelay $0x1  }
0x8a: {  	s1 =	srdreg.scid  }
0x8b: {  	s0 =	sand.u32 $0x1, s1  }
0x8c: {  	s17 =	sshll.u32 s0, $0xA;
	s2 =	sadd.s32 s3, s2  }
0x8d: {  	s2 =	sadd.s32 s2, s17  }
0x8e: {  	[smem:$0x3FBA] =	sst s2  }
0x8f: {  	_ = 	snop  }
0x90: {  	s2 =	sld [smem:$0x3FD0];
	(tm) =	ssettm $0x1  }
0x91: {  	s18 =	sld [smem:$0x3FFB];
	_ =	sdelay $0x3  }
0x92: {  	_ =	strace s18  }
0x93: {  	s3 =	sld [smem:$0x3FFC];
	_ =	sdelay $0x3  }
0x94: {  	_ =	strace s3  }
0x95: {  	s3 =	sld [smem:$0x3FFD];
	_ =	sdelay $0x3  }
0x96: {  	_ =	strace s3  }
0x97: {  	_ =	strace $0x8FFFFFFF  }
0x98: {  	s19 =	sld [smem:$0x3FDB];
	_ =	sdelay $0x1  }
0x99: {  	s4 =	simm.s32 $_scs_section_size  }
0x9a: {  	s5 =	simm.s32 $_size__tile_overlayer_lowered;
	s6 =	simm.s32 $_tile_overlayer_lowered  }
0x9b: {  	s22 =	simm.s32 $0x1BFF;
	s21 =	sshll.u32 s6, $0x1;
	s3 =	sadd.s32 s4, s19  }
0x9c: {  	s7 =	simm.s32 $0x0;
	s20 =	sshll.u32 s5, $0x1;
	s5 =	sadd.s32 s21, s3  }
0x9d: {  	[timem:s7], [sflag:s22] =	dma.local [hbm:s5], s20  }
0x9e: {  	_ =	swait.ge [sflag:s22], s20  }
0x9f: {  	s4 =	ssub.s32 $0x0, s20;
	[sflag:s22] =	ssyncset.done $0x0  }
0xa0: {  	[sflag:s22] =	ssyncadd.s32 s4;
	_ =	sdelay $0x1  }
0xa1: {  	s23 =	simm.s32 $0x1B8B  }
0xa2: {  	_ =	swait.ge [sflag:s23], $0x1  }
0xa3: {  	[sflag:s23] =	ssyncset.done $0x0  }
0xa4: {  	s25 =	simm.s32 $0x1B8E;
	s24 =	sld [smem:$0x3FFE];
	[sflag:s23] =	ssyncadd.s32 $0xFFFFFFFF  }
0xa5: {  	s26 =	simm.s32 $execute0_lowered;
	[smem:$0x3FD2] =	sst s25  }
0xa6: {  	s5 =	sshll.u32 s26, $0x1;
	_ =	strace $0x80000046;
	[dreg:$0x1] =	wrdreg $0xFFFFFFFF  }
0xa7: {  	s28 =	simm.s32 $_size_execute0_lowered;
	s3 =	sadd.s32 s3, s5;
	[dreg:$0x0] =	wrdreg $0x0  }
0xa8: {  	s5 =	sshll.u32 s28, $0x1;
	[dreg:$0x2] =	wrdreg s3  }
0xa9: {  	[dreg:$0x3] =	wrdreg s5  }
0xaa: {  	[dreg:$0x4] =	wrdreg $0xC0  }
0xab: {  	_ =	task [dreg:s7], $0x5FFFF  }
0xac: {  	[dreg:$0x1] =	wrdreg $0xFFFFFFFF  }
0xad: {  	[dreg:$0x0] =	wrdreg $0x60  }
0xae: {  	[dreg:$0x2] =	wrdreg s2  }
0xaf: {  	[dreg:$0x3] =	wrdreg s24  }
0xb0: {  	[dreg:$0x4] =	wrdreg $0x98000  }
0xb1: {  	[dreg:$0x5] =	wrdreg $0x9  }
0xb2: {  	_ =	task.clear_ibuf [dreg:s7], $0x6FFFF;
	_ =	strace $0x90000046  }
0xb3: {  	s29 =	simm.s32 $0x9;
	_ =	strace $0x80000048  }
0xb4: {  	_ =	swait.ge [sflag:s29], $0x1  }
0xb5: {  	[sflag:s29] =	ssyncadd.s32 $0xFFFFFFFF  }
0xb6: {  	_ =	strace $0x90000048  }
0xb7: {  	_ =	sfence  }
0xb8: {  	s30 =	sld [smem:$0x0];
	_ =	sdelay $0x2  }
0xb9: {  	s31 =	sshll.u32 s1, $0xD;
	s1 =	sshrl.u32 s1, $0x2  }
0xba: {  	s3 =	sand.u32 $0x4000, s31;
	s1 =	sadd.s32 s1, s30  }
0xbb: {  	s0 =	sor.u32 s3, s0;
	s1 =	sshll.u32 s1, $0x11  }
0xbc: {  	s0 =	sor.u32 s1, s0  }
0xbd: {  	s0 =	sadd.s32 $0x8F2B, s0  }
0xbe: {  	[sflag:s0] =	ssyncadd.remote.s32 $0x1  }
0xbf: {  	_ =	sfence.sel $0xFFFF  }
0xc0: {  	[dreg:$0x0] =	wrdreg $0xFFFFFFFF;
	(pc) =	sbr.abs _section_cstart, $3  }
0xc1: {  	[dreg:$0x1] =	wrdreg $0xFFFFFFFF  }
0xc2: {  	_ =	task.clear_ibuf [dreg:s7], $0x2FFFF;
	_ =	strace $0x9FFFFFFF  }
0xc3: {  	(tm) =	ssettm $0x7FFFFFFF  }
tec
execute0_lowered:
.L_overlay_start_1:
0x0: {  	(tag) =	ssettag $0x1  }
0x1: {  	s1 =	rddreg [dreg:$0x0]  }
0x2: {  	s0 =	rddreg [dreg:$0x1]  }
0x3: {  	s3 =	rddreg [dreg:$0x2];
	s11 =	stileid.u32  }
0x4: {  	s2 =	srdreg.scid;
	s4 =	simm.s32 $0x0;
	s7 =	smul.u32 $0x2800, s11  }
0x5: {  	s2 =	sand.u32 $0x1, s2;
	[smem:$0x7FF] =	sst s4;
	s9 =	smul.u32 $0x50000, s11  }
0x6: {  	s5 =	sadd.s32 $0x373E00, s0;
	s8 =	smul.u32 $0x28000, s2;
	s31 =	ssub.s32 $0x2, s2  }
0x7: {  	s6 =	sadd.s32 $0x30FE00, s0;
	s10 =	sshrl.u32 s31, $0x1;
	s9 =	sshrl.u32 s9, $0x2  }
0x8: {  	s8 =	sadd.s32 s7, s8;
	s7 =	sadd.s32 $0x341E00, s0;
	s10 =	ssub.s32 s31, s10  }
0x9: {  	s0 =	sadd.s32 s8, s0;
	s8 =	sadd.s32 s9, s3;
	s24 =	smax.u32 s10, $0x1  }
0xa: {  	_ =	strace $0x80000047;
	s9 =	sadd.s32 $0x1400, s8;
	[dreg:$0x12] =	wrdreg s24  }
0xb: {  	s12 =	sadd.s32 $0x2800, s8;
	[dreg:$0x4] =	wrdreg s9  }
0xc: {  	s13 =	sadd.s32 $0x3C00, s8;
	[dreg:$0x5] =	wrdreg s12  }
0xd: {  	s14 =	sadd.s32 $0x5000, s8;
	[dreg:$0x6] =	wrdreg s13  }
0xe: {  	s15 =	sadd.s32 $0x6400, s8;
	[dreg:$0x7] =	wrdreg s14  }
0xf: {  	s16 =	sadd.s32 $0x7800, s8;
	[dreg:$0x8] =	wrdreg s15  }
0x10: {  	s17 =	sadd.s32 $0x8C00, s8;
	[dreg:$0x9] =	wrdreg s16  }
0x11: {  	s20 =	sadd.s32 $0xA000, s8;
	[dreg:$0xa] =	wrdreg s17  }
0x12: {  	s21 =	sadd.s32 $0xB400, s8;
	[dreg:$0xb] =	wrdreg s20  }
0x13: {  	s0 =	sadd.s32 $0x2A00, s0;
	[dreg:$0xc] =	wrdreg s21  }
0x14: {  	s25 =	sadd.s32 $0xC800, s8;
	[dreg:$0x11] =	wrdreg s0  }
0x15: {  	s2 =	sshll.u32 s2, $0x4;
	s26 =	sadd.s32 $0xDC00, s8;
	[dreg:$0x13] =	wrdreg s25  }
0x16: {  	s2 =	sor.u32 s11, s2;
	s28 =	sadd.s32 $0xF000, s8;
	[dreg:$0x14] =	wrdreg s26  }
0x17: {  	s18 =	smul.u32 $0x138800, s2;
	s29 =	sadd.s32 $0x10400, s8;
	[dreg:$0x15] =	wrdreg s28  }
0x18: {  	s19 =	smul.u32 $0x2710, s2;
	s30 =	sadd.s32 $0x11800, s8;
	[dreg:$0x16] =	wrdreg s29  }
0x19: {  	s31 =	sadd.s32 $0x12C00, s8;
	s14 =	smul.u32 $0xC800, s2;
	[dreg:$0x17] =	wrdreg s30  }
0x1a: {  	s2 =	smul.u32 $0x27100, s2;
	s9 =	sshrl.u32 s18, $0x3;
	[dreg:$0x18] =	wrdreg s31  }
0x1b: {  	s13 =	simm.s32 $0x5C00;
	s15 =	simm.s32 $0x1;
	s16 =	simm.s32 $0x3  }
0x1c: {  	s17 =	simm.s32 $0x2;
	s18 =	simm.s32 $0x4;
	s20 =	simm.s32 $0x8400  }
0x1d: {  	s21 =	simm.s32 $0x5;
	s9 =	sadd.s32 s5, s9;
	s22 =	sshrl.u32 s14, $0x3  }
.Ltmp0:
0x1e: {  	s2 =	sadd.s32 s5, s2;
	s23 =	sadd.s32 $0x280, s9;
	(pc) =	sbr.rel .LBB2_1-.Ltmp0, $4  }
0x1f: {  	s9 =	simm.s32 $0x7;
	s12 =	sadd.s32 s6, s22;
	[dreg:$0xf] =	wrdreg s2  }
0x20: {  	s11 =	sadd.s32 s7, s22;
	[dreg:$0x10] =	wrdreg s23;
	s2 =	simm.s32 $0x7000  }
0x21: {  	s22 =	simm.s32 $0x6;
	s23 =	simm.s32 $0x0;
	[dreg:$0xd] =	wrdreg s12  }
0x22: {  	v0 =	vimm.f32 $0.0e+00;
	[dreg:$0xe] =	wrdreg s11;
	s11 =	simm.s32 $0x28;
	s12 =	simm.s32 $0x3400  }
.LBB2_10:
0x23: {  	s0 =	smul.u32 $0xFFFFEC00, s28;
	_ =	sdelay $0x1  }
0x24: {  	s0 =	sshra.s32 s0, $0x2  }
0x25: {  	s0 =	sadd.s32 s0, s10  }
0x26: {  	s0 =	sadd.s32 $0x7C80, s0  }
0x27: {  	[spmem:s3] =	stream.indirect.scatter.add.f32 [tilespmem:s20], [sflag:$0x6], $0x80, s0, s11, $0xb8;
	[tilespmem:$0x1D800] =	vst v63  }
0x28: {  	_ =	swait.ge [sflag:s21], $0x1400  }
0x29: {  	[sflag:s21] =	ssyncset.done $0x0  }
0x2a: {  	[sflag:s21] =	ssyncadd.s32 $0xFFFFEC00  }
0x2b: {  	_ =	swait.ge [sflag:s22], $0x1400  }
0x2c: {  	[sflag:s22] =	ssyncset.done $0x0  }
0x2d: {  	s29 =	stileid.u32;
	[sflag:s22] =	ssyncadd.s32 $0xFFFFEC00  }
0x2e: {  	s0 =	sshll.u32 s29, $0x6;
	[bflag:$0x0] =	sbarrier.arrive $0xFFFF  }
0x2f: {  	s30 =	sshrl.u32 s8, $0x3;
	s0 =	sor.u32 $0x1C07, s0;
	s24 =	rddreg [dreg:$0x11]  }
0x30: {  	[hbm:s24], [sflag:s0] =	dma.local [spmem:s30], $0x2800  }
0x31: {  	_ =	swait.ge [sflag:s9], $0x2800  }
0x32: {  	s23 =	sadd.s32 $0x1, s23;
	s31 =	rddreg [dreg:$0x12]  }
0x33: {  	p0 =	sne.s32 s23, s31  }
.Ltmp1:
0x34: {  	_ = 	snop;
	(pc) =	sbr.rel @!p0 .LBB2_11-.Ltmp1, $3  }
0x35: {  	_ =	sdelay $0x1  }
0x36: {  	[sflag:s9] =	ssyncset.done $0x0  }
0x37: {  	[sflag:s9] =	ssyncadd.s32 $0xFFFFD800  }
.LBB2_1:
0x38: {  	s0 =	simm.s32 $0x0;
	s10 =	simm.s32 $0x200  }
.LBB2_2:
0x39: {  	p0 =	sne.s32 s10, $0x4E00;
	[tilespmem:s0+$0x7070] =	vst v0  }
0x3a: {  	[tilespmem:s0+$0x7000] =	vst v0  }
0x3b: {  	[tilespmem:s0+$0x7010] =	vst v0  }
.Ltmp2:
0x3c: {  	[tilespmem:s0+$0x7020] =	vst v0;
	(pc) =	sbr.rel @p0 .LBB2_2-.Ltmp2, $4  }
0x3d: {  	[tilespmem:s0+$0x7030] =	vst v0  }
0x3e: {  	[tilespmem:s0+$0x7040] =	vst v0  }
0x3f: {  	[tilespmem:s0+$0x7050] =	vst v0  }
0x40: {  	[tilespmem:s0+$0x7060] =	vst v0;
	s0 =	sshra.s32 s10, $0x2;
	s10 =	sadd.s32 $0x200, s10  }
0x41: {  	[tilespmem:s0+$0x7070] =	vst v0  }
0x42: {  	[tilespmem:s0+$0x7000] =	vst v0  }
0x43: {  	[tilespmem:s0+$0x7010] =	vst v0  }
0x44: {  	[tilespmem:s0+$0x7020] =	vst v0  }
0x45: {  	[tilespmem:s0+$0x7030] =	vst v0  }
0x46: {  	[tilespmem:s0+$0x7040] =	vst v0  }
0x47: {  	[tilespmem:s0+$0x7050] =	vst v0  }
0x48: {  	[tilespmem:s0+$0x7060] =	vst v0  }
0x49: {  	[spmem:s8] =	stream.linear.scatter [tilespmem:s2], [sflag:$0x7], $0x1400, $0x38;
	[tilespmem:$0x1D800] =	vst v63  }
0x4a: {  	_ =	swait.ge [sflag:s9], $0x1400  }
0x4b: {  	[sflag:s9] =	ssyncset.done $0x0  }
0x4c: {  	s24 =	rddreg [dreg:$0x4];
	[sflag:s9] =	ssyncadd.s32 $0xFFFFEC00  }
0x4d: {  	[spmem:s24] =	stream.linear.scatter [tilespmem:s2], [sflag:$0x7], $0x1400, $0x38;
	[tilespmem:$0x1D800] =	vst v63  }
0x4e: {  	_ =	swait.ge [sflag:s9], $0x1400  }
0x4f: {  	[sflag:s9] =	ssyncset.done $0x0  }
0x50: {  	s25 =	rddreg [dreg:$0x5];
	[sflag:s9] =	ssyncadd.s32 $0xFFFFEC00  }
0x51: {  	[spmem:s25] =	stream.linear.scatter [tilespmem:s2], [sflag:$0x7], $0x1400, $0x38;
	[tilespmem:$0x1D800] =	vst v63  }
0x52: {  	_ =	swait.ge [sflag:s9], $0x1400  }
0x53: {  	[sflag:s9] =	ssyncset.done $0x0  }
0x54: {  	s26 =	rddreg [dreg:$0x6];
	[sflag:s9] =	ssyncadd.s32 $0xFFFFEC00  }
0x55: {  	[spmem:s26] =	stream.linear.scatter [tilespmem:s2], [sflag:$0x7], $0x1400, $0x38;
	[tilespmem:$0x1D800] =	vst v63  }
0x56: {  	_ =	swait.ge [sflag:s9], $0x1400  }
0x57: {  	[sflag:s9] =	ssyncset.done $0x0  }
0x58: {  	s28 =	rddreg [dreg:$0x7];
	[sflag:s9] =	ssyncadd.s32 $0xFFFFEC00  }
0x59: {  	[spmem:s28] =	stream.linear.scatter [tilespmem:s2], [sflag:$0x7], $0x1400, $0x38;
	[tilespmem:$0x1D800] =	vst v63  }
0x5a: {  	_ =	swait.ge [sflag:s9], $0x1400  }
0x5b: {  	[sflag:s9] =	ssyncset.done $0x0  }
0x5c: {  	s29 =	rddreg [dreg:$0x8];
	[sflag:s9] =	ssyncadd.s32 $0xFFFFEC00  }
0x5d: {  	[spmem:s29] =	stream.linear.scatter [tilespmem:s2], [sflag:$0x7], $0x1400, $0x38;
	[tilespmem:$0x1D800] =	vst v63  }
0x5e: {  	_ =	swait.ge [sflag:s9], $0x1400  }
0x5f: {  	[sflag:s9] =	ssyncset.done $0x0  }
0x60: {  	s30 =	rddreg [dreg:$0x9];
	[sflag:s9] =	ssyncadd.s32 $0xFFFFEC00  }
0x61: {  	[spmem:s30] =	stream.linear.scatter [tilespmem:s2], [sflag:$0x7], $0x1400, $0x38;
	[tilespmem:$0x1D800] =	vst v63  }
0x62: {  	_ =	swait.ge [sflag:s9], $0x1400  }
0x63: {  	[sflag:s9] =	ssyncset.done $0x0  }
0x64: {  	s31 =	rddreg [dreg:$0xa];
	[sflag:s9] =	ssyncadd.s32 $0xFFFFEC00  }
0x65: {  	[spmem:s31] =	stream.linear.scatter [tilespmem:s2], [sflag:$0x7], $0x1400, $0x38;
	[tilespmem:$0x1D800] =	vst v63  }
0x66: {  	_ =	swait.ge [sflag:s9], $0x1400  }
0x67: {  	[sflag:s9] =	ssyncset.done $0x0  }
0x68: {  	s10 =	rddreg [dreg:$0xb];
	[sflag:s9] =	ssyncadd.s32 $0xFFFFEC00  }
0x69: {  	[spmem:s10] =	stream.linear.scatter [tilespmem:s2], [sflag:$0x7], $0x1400, $0x38;
	[tilespmem:$0x1D800] =	vst v63  }
0x6a: {  	_ =	swait.ge [sflag:s9], $0x1400  }
0x6b: {  	[sflag:s9] =	ssyncset.done $0x0  }
0x6c: {  	s24 =	rddreg [dreg:$0xc];
	[sflag:s9] =	ssyncadd.s32 $0xFFFFEC00  }
0x6d: {  	[spmem:s24] =	stream.linear.scatter [tilespmem:s2], [sflag:$0x7], $0x1400, $0x38;
	[tilespmem:$0x1D800] =	vst v63  }
0x6e: {  	_ =	swait.ge [sflag:s9], $0x1400  }
0x6f: {  	[sflag:s9] =	ssyncset.done $0x0  }
0x70: {  	s25 =	rddreg [dreg:$0x13];
	[sflag:s9] =	ssyncadd.s32 $0xFFFFEC00  }
0x71: {  	[spmem:s25] =	stream.linear.scatter [tilespmem:s2], [sflag:$0x7], $0x1400, $0x38;
	[tilespmem:$0x1D800] =	vst v63  }
0x72: {  	_ =	swait.ge [sflag:s9], $0x1400  }
0x73: {  	[sflag:s9] =	ssyncset.done $0x0  }
0x74: {  	s26 =	rddreg [dreg:$0x14];
	[sflag:s9] =	ssyncadd.s32 $0xFFFFEC00  }
0x75: {  	[spmem:s26] =	stream.linear.scatter [tilespmem:s2], [sflag:$0x7], $0x1400, $0x38;
	[tilespmem:$0x1D800] =	vst v63  }
0x76: {  	_ =	swait.ge [sflag:s9], $0x1400  }
0x77: {  	[sflag:s9] =	ssyncset.done $0x0  }
0x78: {  	s28 =	rddreg [dreg:$0x15];
	[sflag:s9] =	ssyncadd.s32 $0xFFFFEC00  }
0x79: {  	[spmem:s28] =	stream.linear.scatter [tilespmem:s2], [sflag:$0x7], $0x1400, $0x38;
	[tilespmem:$0x1D800] =	vst v63  }
0x7a: {  	_ =	swait.ge [sflag:s9], $0x1400  }
0x7b: {  	[sflag:s9] =	ssyncset.done $0x0  }
0x7c: {  	s29 =	rddreg [dreg:$0x16];
	[sflag:s9] =	ssyncadd.s32 $0xFFFFEC00  }
0x7d: {  	[spmem:s29] =	stream.linear.scatter [tilespmem:s2], [sflag:$0x7], $0x1400, $0x38;
	[tilespmem:$0x1D800] =	vst v63  }
0x7e: {  	_ =	swait.ge [sflag:s9], $0x1400  }
0x7f: {  	[sflag:s9] =	ssyncset.done $0x0  }
0x80: {  	s30 =	rddreg [dreg:$0x17];
	[sflag:s9] =	ssyncadd.s32 $0xFFFFEC00  }
0x81: {  	[spmem:s30] =	stream.linear.scatter [tilespmem:s2], [sflag:$0x7], $0x1400, $0x38;
	[tilespmem:$0x1D800] =	vst v63  }
0x82: {  	_ =	swait.ge [sflag:s9], $0x1400  }
0x83: {  	[sflag:s9] =	ssyncset.done $0x0  }
0x84: {  	s31 =	rddreg [dreg:$0x18];
	[sflag:s9] =	ssyncadd.s32 $0xFFFFEC00  }
0x85: {  	[spmem:s31] =	stream.linear.scatter [tilespmem:s2], [sflag:$0x7], $0x1400, $0x38;
	[tilespmem:$0x1D800] =	vst v63  }
0x86: {  	_ =	swait.ge [sflag:s9], $0x1400  }
0x87: {  	[sflag:s9] =	ssyncset.done $0x0  }
0x88: {  	[sflag:s9] =	ssyncadd.s32 $0xFFFFEC00  }
0x89: {  	[bflag:$0x0] =	sbarrier.arrive $0xFFFF  }
0x8a: {  	s24 =	simm.s32 $0x0;
	s10 =	rddreg [dreg:$0xd]  }
0x8b: {  	[tilespmem:s24], [sflag:$0x7] =	stream.linear.gather [hbm4b:s10+s24], $0x500, $0x38;
	[tilespmem:$0x1D800] =	vst v63  }
0x8c: {  	_ =	swait.ge [sflag:s9], $0x500  }
0x8d: {  	[sflag:s9] =	ssyncset.done $0x0  }
0x8e: {  	s10 =	simm.s32 $0x1000;
	s25 =	rddreg [dreg:$0xe];
	[sflag:s9] =	ssyncadd.s32 $0xFFFFFB00  }
0x8f: {  	[tilespmem:s10], [sflag:$0x7] =	stream.linear.gather [hbm4b:s25+s24], $0x500, $0x38;
	[tilespmem:$0x1D800] =	vst v63  }
0x90: {  	_ =	swait.ge [sflag:s9], $0x500  }
0x91: {  	[sflag:s9] =	ssyncset.done $0x0  }
0x92: {  	s26 =	simm.s32 $0x2000;
	[sflag:s9] =	ssyncadd.s32 $0xFFFFFB00  }
0x93: {  	[tilespmem:s26], [sflag:$0x1] =	stream.indirect.gather [hbm4b:s1+s11], $0x80, s10, s11, $0xb8;
	[tilespmem:$0x1D800] =	vst v63  }
0x94: {  	s29 =	simm.s32 $0x4800;
	s28 =	rddreg [dreg:$0xf]  }
0x95: {  	[tilespmem:s29], [sflag:$0x3] =	stream.linear.gather [hbm4b:s28+s24], $0x1400, $0x38;
	[tilespmem:$0x1D800] =	vst v63  }
0x96: {  	s30 =	simm.s32 $0x1080  }
0x97: {  	[tilespmem:s12], [sflag:$0x2] =	stream.indirect.gather [hbm4b:s1+s11], $0x80, s30, s11, $0xb8;
	[tilespmem:$0x1D800] =	vst v63  }
0x98: {  	s31 =	rddreg [dreg:$0x10]  }
0x99: {  	[tilespmem:s13], [sflag:$0x4] =	stream.linear.gather [hbm4b:s31+s24], $0x1400, $0x38;
	[tilespmem:$0x1D800] =	vst v63  }
.LBB2_4:
0x9a: {  	_ =	swait.ge [sflag:s15], $0x1400  }
0x9b: {  	[sflag:s15] =	ssyncset.done $0x0  }
0x9c: {  	[sflag:s15] =	ssyncadd.s32 $0xFFFFEC00  }
0x9d: {  	_ =	swait.ge [sflag:s16], $0x1400  }
0x9e: {  	p0 =	seq.s32 s24, $0x0;
	[sflag:s16] =	ssyncset.done $0x0  }
0x9f: {  	s0 =	simm.s32 @!p0 $0x5;
	[sflag:s16] =	ssyncadd.s32 $0xFFFFEC00  }
0xa0: {  	_ =	swait.ge @!p0 [sflag:s0], $0x1400  }
0xa1: {  	[sflag:s0] =	ssyncset.done @!p0 $0x0  }
0xa2: {  	s10 =	simm.s32 $0x0;
	[sflag:s0] =	ssyncadd.s32 @!p0 $0xFFFFEC00  }
0xa3: {  	v1 =	vld [tilespmem:s10+$0x2070]  }
0xa4: {  	v2 =	vld [tilespmem:s10+$0x4870]  }
0xa5: {  	v3 =	vld [tilespmem:s10+$0x2000]  }
0xa6: {  	v4 =	vld [tilespmem:s10+$0x4800]  }
0xa7: {  	v5 =	vld [tilespmem:s10+$0x2010]  }
0xa8: {  	v6 =	vld [tilespmem:s10+$0x4810]  }
0xa9: {  	v7 =	vld [tilespmem:s10+$0x2020]  }
0xaa: {  	v8 =	vld [tilespmem:s10+$0x2030]  }
0xab: {  	v1 =	vmul.f32 v2, v1;
	v2 =	vld [tilespmem:s10+$0x4820]  }
0xac: {  	v9 =	vld [tilespmem:s10+$0x4830]  }
0xad: {  	v10 =	vld [tilespmem:s10+$0x4840];
	v3 =	vmul.f32 v4, v3  }
0xae: {  	[tilespmem:s10+$0x7070] =	vst v1;
	v1 =	vmul.f32 v6, v5;
	v6 =	vld [tilespmem:s10+$0x2040]  }
0xaf: {  	v4 =	vld [tilespmem:s10+$0x4850];
	[tilespmem:s10+$0x7000] =	vst v3  }
0xb0: {  	v3 =	vld [tilespmem:s10+$0x2050];
	[tilespmem:s10+$0x7010] =	vst v1;
	v1 =	vmul.f32 v2, v7  }
0xb1: {  	v5 =	vld [tilespmem:s10+$0x4860];
	v7 =	vmul.f32 v9, v8  }
0xb2: {  	s26 =	simm.s32 $0x80;
	[tilespmem:s10+$0x7020] =	vst v1;
	v1 =	vld [tilespmem:s10+$0x2060]  }
0xb3: {  	s25 =	sshll.u32 s24, $0x1;
	s28 =	simm.s32 $0x400;
	v6 =	vmul.f32 v10, v6;
	v2 =	vld [tilespmem:s26+$0x2070];
	[tilespmem:s10+$0x7030] =	vst v7  }
.LBB2_5:
0xb4: {  	p1 =	sne.s32 s28, $0x4E00;
	v7 =	vld [tilespmem:s26+$0x4870]  }
0xb5: {  	v8 =	vld [tilespmem:s26+$0x2000];
	[tilespmem:s10+$0x7040] =	vst v6;
	v3 =	vmul.f32 v4, v3  }
0xb6: {  	v4 =	vld [tilespmem:s26+$0x4800]  }
0xb7: {  	v6 =	vld [tilespmem:s26+$0x2010];
	[tilespmem:s10+$0x7050] =	vst v3;
	v1 =	vmul.f32 v5, v1  }
0xb8: {  	v3 =	vld [tilespmem:s26+$0x4810]  }
0xb9: {  	v5 =	vld [tilespmem:s26+$0x2020];
	v2 =	vmul.f32 v7, v2;
	[tilespmem:s10+$0x7060] =	vst v1;
	s10 =	smov.u32 s26  }
0xba: {  	v1 =	vld [tilespmem:s10+$0x4820]  }
0xbb: {  	v4 =	vmul.f32 v4, v8;
	v7 =	vld [tilespmem:s10+$0x2030];
	[tilespmem:s10+$0x7070] =	vst v2  }
0xbc: {  	v2 =	vld [tilespmem:s10+$0x4830]  }
0xbd: {  	[tilespmem:s10+$0x7000] =	vst v4;
	v3 =	vmul.f32 v3, v6;
	v6 =	vld [tilespmem:s10+$0x2040]  }
0xbe: {  	v8 =	vld [tilespmem:s10+$0x4840]  }
.Ltmp3:
0xbf: {  	[tilespmem:s10+$0x7010] =	vst v3;
	v1 =	vmul.f32 v1, v5;
	v3 =	vld [tilespmem:s10+$0x2050];
	(pc) =	sbr.rel @p1 .LBB2_5-.Ltmp3, $4  }
0xc0: {  	v4 =	vld [tilespmem:s10+$0x4850]  }
0xc1: {  	[tilespmem:s10+$0x7020] =	vst v1;
	v7 =	vmul.f32 v2, v7;
	v1 =	vld [tilespmem:s10+$0x2060]  }
0xc2: {  	s26 =	sshra.s32 s28, $0x2;
	v5 =	vld [tilespmem:s10+$0x4860]  }
0xc3: {  	s28 =	sadd.s32 $0x200, s28;
	v2 =	vld [tilespmem:s26+$0x2070];
	[tilespmem:s10+$0x7030] =	vst v7;
	v6 =	vmul.f32 v8, v6  }
0xc4: {  	v7 =	vld [tilespmem:s26+$0x4870]  }
0xc5: {  	v8 =	vld [tilespmem:s26+$0x2000];
	[tilespmem:s10+$0x7040] =	vst v6;
	v3 =	vmul.f32 v4, v3  }
0xc6: {  	v4 =	vld [tilespmem:s26+$0x4800]  }
0xc7: {  	v6 =	vld [tilespmem:s26+$0x2010];
	[tilespmem:s10+$0x7050] =	vst v3;
	v1 =	vmul.f32 v5, v1  }
0xc8: {  	v3 =	vld [tilespmem:s26+$0x4810]  }
0xc9: {  	v5 =	vld [tilespmem:s26+$0x2020];
	[tilespmem:s10+$0x7060] =	vst v1  }
0xca: {  	v1 =	vmul.f32 v7, v2;
	v2 =	vld [tilespmem:s26+$0x4820]  }
0xcb: {  	v7 =	vld [tilespmem:s26+$0x2030]  }
0xcc: {  	v4 =	vmul.f32 v4, v8;
	[tilespmem:s26+$0x7070] =	vst v1;
	v1 =	vld [tilespmem:s26+$0x4830]  }
0xcd: {  	s0 =	sadd.s32 $0x2, s25;
	v8 =	vld [tilespmem:s26+$0x4860]  }
0xce: {  	s10 =	smulhi.u32 $0x66666667, s0;
	[tilespmem:s26+$0x7000] =	vst v4;
	v3 =	vmul.f32 v3, v6;
	v4 =	vld [tilespmem:s26+$0x2040]  }
0xcf: {  	v6 =	vld [tilespmem:s26+$0x4840]  }
0xd0: {  	s10 =	sshrl.u32 s10, $0x2;
	[tilespmem:s26+$0x7010] =	vst v3;
	v2 =	vmul.f32 v2, v5;
	v3 =	vld [tilespmem:s26+$0x2050]  }
0xd1: {  	s28 =	smul.u32 $0xFFFFFFF6, s10;
	v5 =	vld [tilespmem:s26+$0x4850]  }
0xd2: {  	[tilespmem:s26+$0x7020] =	vst v2;
	v2 =	vld [tilespmem:s26+$0x2060]  }
0xd3: {  	p1 =	seq.s32 s24, $0x7C;
	s28 =	sadd.s32 s0, s28  }
0xd4: {  	p2 =	sne.s32 @!p1 s28, $0x0;
	v1 =	vmul.f32 v1, v7  }
0xd5: {  	p2 =	por p2, p1;
	v4 =	vmul.f32 v6, v4  }
0xd6: {  	s29 =	sshll.u32 @!p2 s10, $0xB;
	[tilespmem:s26+$0x7030] =	vst v1;
	v1 =	vmul.f32 v5, v3  }
0xd7: {  	s29 =	sadd.s32 @!p2 s14, s29;
	[tilespmem:s26+$0x7040] =	vst v4;
	v2 =	vmul.f32 v8, v2  }
0xd8: {  	s10 =	sand.u32 $0x1, s10;
	s29 =	sshrl.u32 @!p2 s29, $0x3;
	[tilespmem:s26+$0x7050] =	vst v1  }
0xd9: {  	s31 =	simm.s32 @!p2 $0x0;
	s30 =	sadd.s32 @!p2 s6, s29;
	[tilespmem:s26+$0x7060] =	vst v2;
	s26 =	sshll.u32 @!p2 s10, $0xB  }
0xda: {  	[tilespmem:s26], [sflag:$0x7] =	stream.linear.gather @!p2 [hbm4b:s30+s31], $0x500, $0x38;
	[tilespmem:$0x1D800] =	vst v63  }
0xdb: {  	s30 =	simm.s32 @!p2 $0x7  }
0xdc: {  	_ =	swait.ge @!p2 [sflag:s30], $0x500  }
0xdd: {  	[sflag:s30] =	ssyncset.done @!p2 $0x0  }
0xde: {  	s29 =	sadd.s32 @!p2 s7, s29;
	s26 =	sor.u32 @!p2 $0x1000, s26;
	[sflag:s30] =	ssyncadd.s32 @!p2 $0xFFFFFB00  }
0xdf: {  	[tilespmem:s26], [sflag:$0x7] =	stream.linear.gather @!p2 [hbm4b:s29+s31], $0x500, $0x38;
	[tilespmem:$0x1D800] =	vst v63  }
0xe0: {  	s0 =	smul.u32 @!p1 $0x28, s0;
	s26 =	sshll.u32 @!p1 s28, $0x9  }
0xe1: {  	s10 =	sshll.u32 @!p1 s10, $0xB;
	_ =	swait.ge @!p2 [sflag:s30], $0x500;
	s26 =	sshra.s32 @!p1 s26, $0x2  }
0xe2: {  	s28 =	simm.s32 @!p1 $0x2000;
	[sflag:s30] =	ssyncset.done @!p2 $0x0;
	s10 =	sadd.s32 @!p1 s26, s10  }
0xe3: {  	s26 =	simm.s32 @!p1 $0x28;
	[sflag:s30] =	ssyncadd.s32 @!p2 $0xFFFFFB00;
	s10 =	sadd.s32 @!p1 $0x1000, s10  }
0xe4: {  	[tilespmem:s28], [sflag:$0x1] =	stream.indirect.gather @!p1 [hbm4b:s1+s26], $0x80, s10, s26, $0xb8;
	[tilespmem:$0x1D800] =	vst v63  }
0xe5: {  	s0 =	sadd.s32 @!p1 s19, s0;
	s10 =	smulhi.u32 $0xCCCCCCCD, s24  }
0xe6: {  	s0 =	sshll.u32 @!p1 s0, $0x4  }
0xe7: {  	s0 =	sadd.s32 @!p1 s5, s0;
	s28 =	sshrl.u32 s10, $0x2  }
0xe8: {  	s29 =	simm.s32 @!p1 $0x0;
	s30 =	simm.s32 @!p1 $0x4800;
	s26 =	smul.u32 $0x7FFFF6, s28  }
0xe9: {  	[tilespmem:s30], [sflag:$0x3] =	stream.linear.gather @!p1 [hbm4b:s0+s29], $0x1400, $0x38;
	[tilespmem:$0x1D800] =	vst v63  }
0xea: {  	s0 =	sadd.s32 s25, s26  }
0xeb: {  	s10 =	sshll.u32 s10, $0x9;
	s0 =	sshll.u32 s0, $0x9  }
0xec: {  	s10 =	sand.u32 $0x800, s10;
	s0 =	sshra.s32 s0, $0x2  }
0xed: {  	s0 =	sadd.s32 s0, s10  }
0xee: {  	[spmem:s3] =	stream.indirect.scatter.add.f32 [tilespmem:s2], [sflag:$0x5], $0x80, s0, s11, $0xb8;
	[tilespmem:$0x1D800] =	vst v63  }
0xef: {  	_ =	swait.ge [sflag:s17], $0x1400  }
0xf0: {  	[sflag:s17] =	ssyncset.done $0x0  }
0xf1: {  	[sflag:s17] =	ssyncadd.s32 $0xFFFFEC00  }
0xf2: {  	_ =	swait.ge [sflag:s18], $0x1400  }
0xf3: {  	[sflag:s18] =	ssyncset.done $0x0  }
0xf4: {  	s0 =	simm.s32 @!p0 $0x6;
	[sflag:s18] =	ssyncadd.s32 $0xFFFFEC00  }
0xf5: {  	_ =	swait.ge @!p0 [sflag:s0], $0x1400  }
0xf6: {  	[sflag:s0] =	ssyncset.done @!p0 $0x0  }
0xf7: {  	s30 =	simm.s32 $0x0;
	[sflag:s0] =	ssyncadd.s32 @!p0 $0xFFFFEC00  }
0xf8: {  	v1 =	vld [tilespmem:s30+$0x3470]  }
0xf9: {  	v2 =	vld [tilespmem:s30+$0x5C70]  }
0xfa: {  	v3 =	vld [tilespmem:s30+$0x3400]  }
0xfb: {  	v4 =	vld [tilespmem:s30+$0x5C00]  }
0xfc: {  	v5 =	vld [tilespmem:s30+$0x3410]  }
0xfd: {  	v6 =	vld [tilespmem:s30+$0x5C10]  }
0xfe: {  	v7 =	vld [tilespmem:s30+$0x3420]  }
0xff: {  	v8 =	vld [tilespmem:s30+$0x3430]  }
0x100: {  	v1 =	vmul.f32 v2, v1;
	v2 =	vld [tilespmem:s30+$0x5C20]  }
0x101: {  	v9 =	vld [tilespmem:s30+$0x5C30]  }
0x102: {  	v10 =	vld [tilespmem:s30+$0x5C40];
	v3 =	vmul.f32 v4, v3  }
0x103: {  	[tilespmem:s30+$0x8470] =	vst v1;
	v1 =	vmul.f32 v6, v5;
	v6 =	vld [tilespmem:s30+$0x3440]  }
0x104: {  	v4 =	vld [tilespmem:s30+$0x5C50];
	[tilespmem:s30+$0x8400] =	vst v3  }
0x105: {  	v3 =	vld [tilespmem:s30+$0x3450];
	[tilespmem:s30+$0x8410] =	vst v1;
	v1 =	vmul.f32 v2, v7  }
0x106: {  	v5 =	vld [tilespmem:s30+$0x5C60];
	v7 =	vmul.f32 v9, v8  }
0x107: {  	s31 =	simm.s32 $0x80;
	[tilespmem:s30+$0x8420] =	vst v1;
	v1 =	vld [tilespmem:s30+$0x3460]  }
0x108: {  	s29 =	sor.u32 $0x1, s25;
	s0 =	simm.s32 $0x400;
	v6 =	vmul.f32 v10, v6;
	v2 =	vld [tilespmem:s31+$0x3470];
	[tilespmem:s30+$0x8430] =	vst v7  }
.LBB2_7:
0x109: {  	p0 =	sne.s32 s0, $0x4E00;
	v7 =	vld [tilespmem:s31+$0x5C70]  }
0x10a: {  	v8 =	vld [tilespmem:s31+$0x3400];
	[tilespmem:s30+$0x8440] =	vst v6;
	v3 =	vmul.f32 v4, v3  }
0x10b: {  	v4 =	vld [tilespmem:s31+$0x5C00]  }
0x10c: {  	v6 =	vld [tilespmem:s31+$0x3410];
	[tilespmem:s30+$0x8450] =	vst v3;
	v1 =	vmul.f32 v5, v1  }
0x10d: {  	v3 =	vld [tilespmem:s31+$0x5C10]  }
0x10e: {  	v5 =	vld [tilespmem:s31+$0x3420];
	v2 =	vmul.f32 v7, v2;
	[tilespmem:s30+$0x8460] =	vst v1;
	s30 =	smov.u32 s31  }
0x10f: {  	v1 =	vld [tilespmem:s30+$0x5C20]  }
0x110: {  	v4 =	vmul.f32 v4, v8;
	v7 =	vld [tilespmem:s30+$0x3430];
	[tilespmem:s30+$0x8470] =	vst v2  }
0x111: {  	v2 =	vld [tilespmem:s30+$0x5C30]  }
0x112: {  	[tilespmem:s30+$0x8400] =	vst v4;
	v3 =	vmul.f32 v3, v6;
	v6 =	vld [tilespmem:s30+$0x3440]  }
0x113: {  	v8 =	vld [tilespmem:s30+$0x5C40]  }
.Ltmp4:
0x114: {  	[tilespmem:s30+$0x8410] =	vst v3;
	v1 =	vmul.f32 v1, v5;
	v3 =	vld [tilespmem:s30+$0x3450];
	(pc) =	sbr.rel @p0 .LBB2_7-.Ltmp4, $4  }
0x115: {  	v4 =	vld [tilespmem:s30+$0x5C50]  }
0x116: {  	[tilespmem:s30+$0x8420] =	vst v1;
	v7 =	vmul.f32 v2, v7;
	v1 =	vld [tilespmem:s30+$0x3460]  }
0x117: {  	s31 =	sshra.s32 s0, $0x2;
	v5 =	vld [tilespmem:s30+$0x5C60]  }
0x118: {  	s0 =	sadd.s32 $0x200, s0;
	v2 =	vld [tilespmem:s31+$0x3470];
	[tilespmem:s30+$0x8430] =	vst v7;
	v6 =	vmul.f32 v8, v6  }
0x119: {  	v7 =	vld [tilespmem:s31+$0x5C70]  }
0x11a: {  	v8 =	vld [tilespmem:s31+$0x3400];
	[tilespmem:s30+$0x8440] =	vst v6;
	v3 =	vmul.f32 v4, v3  }
0x11b: {  	v57 =	vld [tilespmem:s31+$0x5C00]  }
0x11c: {  	v6 =	vld [tilespmem:s31+$0x3410];
	[tilespmem:s30+$0x8450] =	vst v3;
	v1 =	vmul.f32 v5, v1  }
0x11d: {  	v3 =	vld [tilespmem:s31+$0x5C10]  }
0x11e: {  	v58 =	vld [tilespmem:s31+$0x3420];
	[tilespmem:s30+$0x8460] =	vst v1  }
0x11f: {  	v1 =	vmul.f32 v7, v2;
	v2 =	vld [tilespmem:s31+$0x5C20]  }
0x120: {  	v59 =	vld [tilespmem:s31+$0x3430]  }
0x121: {  	v60 =	vld [tilespmem:s31+$0x3440]  }
0x122: {  	v61 =	vld [tilespmem:s31+$0x5C40]  }
0x123: {  	v62 =	vld [tilespmem:s31+$0x5C50]  }
0x124: {  	[tilespmem:s31+$0x8470] =	vst v1;
	v1 =	vld [tilespmem:s31+$0x5C30];
	v3 =	vmul.f32 v3, v6  }
0x125: {  	v63 =	vld [tilespmem:s31+$0x5C60];
	v2 =	vmul.f32 v2, v58  }
0x126: {  	[tilespmem:s31+$0x8410] =	vst v3;
	v3 =	vld [tilespmem:s31+$0x3450]  }
0x127: {  	[tilespmem:s31+$0x8420] =	vst v2;
	v2 =	vld [tilespmem:s31+$0x3460]  }
0x128: {  	v4 =	vmul.f32 v57, v8  }
0x129: {  	v1 =	vmul.f32 v1, v59  }
.Ltmp5:
0x12a: {  	[tilespmem:s31+$0x8400] =	vst v4;
	v4 =	vmul.f32 v61, v60;
	(pc) =	sbr.rel @p1 .LBB2_10-.Ltmp5, $4  }
0x12b: {  	[tilespmem:s31+$0x8430] =	vst v1;
	v1 =	vmul.f32 v62, v3  }
0x12c: {  	[tilespmem:s31+$0x8440] =	vst v4;
	v2 =	vmul.f32 v63, v2  }
0x12d: {  	[tilespmem:s31+$0x8450] =	vst v1  }
0x12e: {  	[tilespmem:s31+$0x8460] =	vst v2  }
0x12f: {  	s0 =	sadd.s32 $0x3, s25  }
0x130: {  	s25 =	smulhi.u32 $0x66666667, s0;
	_ =	sdelay $0x1  }
0x131: {  	s28 =	sshrl.u32 s25, $0x2  }
0x132: {  	s28 =	smul.u32 $0x7FFFF6, s28;
	_ =	sdelay $0x1  }
0x133: {  	s28 =	sadd.s32 s0, s28  }
0x134: {  	s25 =	sshll.u32 s25, $0x9;
	s0 =	smul.u32 $0x28, s0;
	s28 =	sshll.u32 s28, $0x9  }
0x135: {  	s25 =	sand.u32 $0x800, s25;
	s28 =	sshra.s32 s28, $0x2  }
0x136: {  	s0 =	sadd.s32 s19, s0;
	s25 =	sadd.s32 s28, s25  }
0x137: {  	s0 =	sshll.u32 s0, $0x4;
	s25 =	sadd.s32 $0x1000, s25  }
0x138: {  	[tilespmem:s12], [sflag:$0x2] =	stream.indirect.gather [hbm4b:s1+s11], $0x80, s25, s11, $0xb8;
	[tilespmem:$0x1D800] =	vst v63  }
0x139: {  	s0 =	sadd.s32 s5, s0  }
0x13a: {  	[tilespmem:s13], [sflag:$0x4] =	stream.linear.gather [hbm4b:s0+s4], $0x1400, $0x38;
	[tilespmem:$0x1D800] =	vst v63  }
.Ltmp6:
0x13b: {  	s31 =	sadd.s32 s26, s29;
	(pc) =	sbr.rel .LBB2_4-.Ltmp6, $4  }
0x13c: {  	s0 =	sshll.u32 s31, $0x9  }
0x13d: {  	s0 =	sshra.s32 s0, $0x2  }
0x13e: {  	s24 =	sadd.s32 $0x1, s24;
	s0 =	sadd.s32 s0, s10  }
0x13f: {  	[spmem:s3] =	stream.indirect.scatter.add.f32 [tilespmem:s20], [sflag:$0x6], $0x80, s0, s11, $0xb8;
	[tilespmem:$0x1D800] =	vst v63  }
.LBB2_11:
0x140: {  	_ =	sfence.sel $0x180000  }
0x141: {  	[bflag:$0x0] =	sbarrier.arrive $0xFFFF  }
0x142: {  	_ =	strace $0x90000047  }
0x143: {  	s0 =	stileid.u32;
	[bflag:$0x2] =	sbarrier.arrive $0xFFFF  }
0x144: {  	p0 =	sne.s32 s0, $0x0;
	s0 =	rddreg [dreg:$0x3]  }
0x145: {  	s0 =	sadd.s32 @!p0 $0x100000, s0  }
0x146: {  	[sflag:s0] =	ssyncadd.tile.s32 @!p0 $0x1;
	_ =	shalt  }
.Lfunc_end2:
_tile_overlayer_lowered:
.L_overlay_start_2:
0x147: {  	(tag) =	ssettag $0x2  }
0x148: {  	s0 =	rddreg [dreg:$0x0];
	s2 =	stileid.u32  }
0x149: {  	s1 =	rddreg [dreg:$0x1];
	p0 =	sne.s32 s2, $0x0  }
0x14a: {  	s3 =	rddreg [dreg:$0x2];
	[bflag:$0x3] =	sbarrier.arrive $0xFFFF;
	s2 =	simm.s32 @!p0 $0x1C07  }
0x14b: {  	[timem:s3], [sflag:s2] =	dma.local @!p0 [hbm:s0], s1  }
0x14c: {  	s0 =	simm.s32 @!p0 $0x7  }
0x14d: {  	_ =	swait.ge @!p0 [sflag:s0], s1  }
0x14e: {  	s1 =	ssub.s32 @!p0 $0x0, s1;
	[sflag:s0] =	ssyncset.done @!p0 $0x0  }
0x14f: {  	[sflag:s0] =	ssyncadd.s32 @!p0 s1  }
0x150: {  	[bflag:$0x3] =	sbarrier.arrive $0xFFFF  }
0x151: {  	_ =	shalt  }

</sc_bundles>
